<compile_context>
chip_gen: v7x
topology: tpu7x:2x2x1
jax: 0.10.2.dev20260603
libtpu: 0.0.44.dev20260713+nightly
codegen_flags: <defaults>
</compile_context>

<pallas_src>
import functools

import jax
import jax.numpy as jnp
from jax import lax
from jax.experimental import pallas as pl
from jax.experimental.pallas import tpu as pltpu
from jax.experimental.pallas import tpu_sc as plsc

K = 10


def _tc_head_body(a_ref, w_ref, b_ref, tags_ref, topi_ref):
    logits = jnp.dot(a_ref[...], w_ref[...], preferred_element_type=jnp.float32)
    logits = logits + b_ref[...]
    m = jnp.max(logits, axis=-1, keepdims=True)
    e = jnp.exp(logits - m)
    tags_ref[...] = e / jnp.sum(e, axis=-1, keepdims=True)
    c = logits.shape[-1]
    iota = lax.broadcasted_iota(jnp.int32, logits.shape, 1)
    cur = logits
    for j in range(K):
        mx = jnp.max(cur, axis=-1, keepdims=True)
        am = jnp.min(jnp.where(cur == mx, iota, c), axis=-1, keepdims=True)
        topi_ref[:, pl.ds(j, 1)] = am
        cur = jnp.where(iota == am, -jnp.inf, cur)


def _tc_head(feats, w, b):
    bsz, d = feats.shape
    c = w.shape[1]
    bm = 256
    return pl.pallas_call(
        _tc_head_body,
        grid=(bsz // bm,),
        in_specs=[
            pl.BlockSpec((bm, d), lambda i: (i, 0)),
            pl.BlockSpec((d, c), lambda i: (0, 0)),
            pl.BlockSpec((1, c), lambda i: (0, 0)),
        ],
        out_specs=[
            pl.BlockSpec((bm, c), lambda i: (i, 0)),
            pl.BlockSpec((bm, K), lambda i: (i, 0)),
        ],
        out_shape=[
            jax.ShapeDtypeStruct((bsz, c), jnp.float32),
            jax.ShapeDtypeStruct((bsz, K), jnp.int32),
        ],
    )(feats, w, b.reshape(1, c))


def _sc_gather(embed, idx_t, out_bsz, out_b0):
    bsz = idx_t.shape[1]
    d = embed.shape[1]
    info = plsc.get_sparse_core_info()
    nc, ns = info.num_cores, info.num_subcores
    nw = nc * ns
    b_per_w = bsz // nw
    cb = 64
    nbuf = 2
    n_chunks = b_per_w // cb

    mesh = plsc.VectorSubcoreMesh(core_axis_name="c", subcore_axis_name="s")

    @functools.partial(
        pl.kernel,
        mesh=mesh,
        out_type=jax.ShapeDtypeStruct((out_bsz, K, d), jnp.float32),
        scratch_types=[
            pltpu.VMEM((K, b_per_w), jnp.int32),
            pltpu.VMEM((nbuf, cb, d), jnp.float32),
            pltpu.SemaphoreType.DMA,
            pltpu.SemaphoreType.DMA,
            pltpu.SemaphoreType.DMA,
            pltpu.SemaphoreType.DMA,
        ],
    )
    def gather_kernel(embed_hbm, idx_hbm, out_hbm, idx_v, rows_v,
                      gsem0, gsem1, wsem0, wsem1):
        sid = lax.axis_index("s")
        wid = sid * nc + lax.axis_index("c")
        wb0 = wid * b_per_w

        pltpu.sync_copy(idx_hbm.at[:, pl.ds(wb0, b_per_w)], idx_v)
        wsems = (wsem0, wsem1)
        gsems = (gsem0, gsem1)

        def chunk_body(ci, carry):
            c0 = pl.multiple_of(ci * cb, cb)

            def gsrc(k):
                return embed_hbm.at[idx_v.at[k, pl.ds(c0, cb)]]

            def flush(k):
                s = k % nbuf
                pltpu.make_async_copy(gsrc(k), rows_v.at[s], gsems[s]).wait()
                pltpu.async_copy(
                    rows_v.at[s],
                    out_hbm.at[pl.ds(out_b0 + wb0 + c0, cb), k],
                    wsems[s],
                )

            for k in range(K):
                s = k % nbuf

                @pl.when((ci > 0) | (k >= nbuf))
                def _():
                    pltpu.make_async_copy(
                        rows_v.at[s], out_hbm.at[pl.ds(0, cb), 0], wsems[s]
                    ).wait()

                pltpu.async_copy(gsrc(k), rows_v.at[s], gsems[s])
                if k > 0:
                    flush(k - 1)
            flush(K - 1)
            return carry

        lax.fori_loop(0, n_chunks, chunk_body, 0)
        for s in range(nbuf):
            pltpu.make_async_copy(
                rows_v.at[s], out_hbm.at[pl.ds(0, cb), 0], wsems[s]
            ).wait()

    return gather_kernel(embed, idx_t)


def kernel(avg_features, W, b, embed):
    tags, topi = _tc_head(avg_features, W, b)
    rows = _sc_gather(embed, topi.T, avg_features.shape[0], 0)
    return tags, rows

# --- scband reference (transcript-rebuilt; emitter-appended) ---
"""Pipeline reference for scband-mlc-8967891714513 (READ-ONLY COPY).

The authoritative reference and input builder live on the scoring server;
editing this copy changes nothing except your own understanding.
"""

import jax, jax.numpy as jnp
import numpy as np

K = 10


def setup_inputs(seed: int = 0) -> dict:
    key = jax.random.key(seed)
    k1, k2, k3 = jax.random.split(key, 3)
    avg_features = jax.random.normal(k1, (16384, 512), dtype=jnp.float32)
    # classifier: Linear(512 -> 156), weights uniform(-0.1, 0.1), bias zero
    W = jax.random.uniform(k2, (512, 156), minval=-0.1, maxval=0.1, dtype=jnp.float32)
    b = jnp.zeros((156,), dtype=jnp.float32)
    # embedding table: (classes=156, sementic_features_dim=512)
    embed = jax.random.normal(k3, (156, 512), dtype=jnp.float32)
    return {"avg_features": avg_features, "W": W, "b": b, "embed": embed}


def reference(avg_features, W, b, embed):
    logits = avg_features @ W + b
    tags = jax.nn.softmax(logits, axis=-1)
    _, topi = jax.lax.top_k(tags, K)  # [B, K] indices into classes
    semantic_features = jnp.take(embed, topi, axis=0)  # [B, K, 512]
    return (tags, semantic_features)

if __name__ == "__main__":
    import jax
    _d = setup_inputs()
    print(jax.jit(kernel)(*tuple(_d.values())))

</pallas_src>

<mosaic_0001>
#map = affine_map<(d0, d1) -> (0, 0)>
#map1 = affine_map<(d0, d1) -> (0, 0, 0)>
module attributes {stable_mosaic.version = 14 : i64} {
  func.func @gather_kernel(%arg0: i32, %arg1: i32, %arg2: memref<156x512xf32, #tpu.memory_space<hbm>>, %arg3: memref<10x16384xi32, #tpu.memory_space<hbm>>, %arg4: memref<16384x10x512xf32, #tpu.memory_space<hbm>>, %arg5: memref<10x512xi32, #tpu.memory_space<vmem>>, %arg6: memref<2x64x512xf32, #tpu.memory_space<vmem>>, %arg7: memref<!tpu.dma_semaphore, #tpu.memory_space<semaphore_mem>>, %arg8: memref<!tpu.dma_semaphore, #tpu.memory_space<semaphore_mem>>, %arg9: memref<!tpu.dma_semaphore, #tpu.memory_space<semaphore_mem>>, %arg10: memref<!tpu.dma_semaphore, #tpu.memory_space<semaphore_mem>>) attributes {dimension_semantics = [#tpu.dimension_semantics<core_parallel>, #tpu.dimension_semantics<subcore_parallel>], iteration_bounds = array<i64: 2, 16>, scalar_prefetch = 0 : i64, scratch_operands = 6 : i64, tpu.core_type = #tpu.core_type<sc_vector_subcore>, window_params = [{transform_indices = #map}, {transform_indices = #map}, {transform_indices = #map1}]} {
    %mul3A = arith.constant 2 : i32
    %mul3A_0 = arith.muli %arg1, %mul3A : i32
    %add3A = arith.addi %mul3A_0, %arg0 : i32
    %mul3A_1 = arith.constant 512 : i32
    %mul3A_2 = arith.muli %add3A, %mul3A_1 : i32
    "tpu.region"() ({
      %run_scoped3A = tpu.sem_alloc : memref<!tpu.dma_semaphore, #tpu.memory_space<semaphore_mem>>
      %dma_start3A = arith.constant 0 : i32
      %dma_start3A_43 = tpu.memref_slice %arg3[%dma_start3A, %mul3A_2] : memref<10x16384xi32, #tpu.memory_space<hbm>> -> memref<10x512xi32, #tpu.memory_space<hbm>>
      %dma_start3A_44 = arith.constant 0 : i32
      %dma_start3A_45 = tpu.memref_slice %arg3[%dma_start3A_44, %mul3A_2] : memref<10x16384xi32, #tpu.memory_space<hbm>> -> memref<10x512xi32, #tpu.memory_space<hbm>>
      tpu.enqueue_dma source(%dma_start3A_45 : memref<10x512xi32, #tpu.memory_space<hbm>>) target(%arg5 : memref<10x512xi32, #tpu.memory_space<vmem>>) target_semaphore(%run_scoped3A : memref<!tpu.dma_semaphore, #tpu.memory_space<semaphore_mem>>)
      %dma_wait3A_46 = arith.constant 0 : i32
      %dma_wait3A_47 = tpu.memref_slice %arg3[%dma_wait3A_46, %mul3A_2] : memref<10x16384xi32, #tpu.memory_space<hbm>> -> memref<10x512xi32, #tpu.memory_space<hbm>>
      %dma_wait3A_48 = arith.constant 0 : i32
      %dma_wait3A_49 = tpu.memref_slice %arg3[%dma_wait3A_48, %mul3A_2] : memref<10x16384xi32, #tpu.memory_space<hbm>> -> memref<10x512xi32, #tpu.memory_space<hbm>>
      tpu.wait_dma2 semaphore(%run_scoped3A : memref<!tpu.dma_semaphore, #tpu.memory_space<semaphore_mem>>) src(%dma_wait3A_49 : memref<10x512xi32, #tpu.memory_space<hbm>>) dst(%arg5 : memref<10x512xi32, #tpu.memory_space<vmem>>)
      tpu.yield
    }) : () -> ()
    %scan3A = arith.constant 0 : i32
    %scan3A_3 = arith.constant 0 : i32
    %scan3A_4 = arith.constant 8 : i32
    %scan3A_5 = arith.addi %scan3A_3, %scan3A_4 : i32
    %scan3A_6 = arith.constant 1 : i32
    scf.for %scan3A_43 = %scan3A_3 to %scan3A_5 step %scan3A_6  : i32 {
      %mul3A_44 = arith.constant 64 : i32
      %mul3A_45 = arith.muli %scan3A_43, %mul3A_44 : i32
      %multiple_of3A = tpu.assume_multiple %mul3A_45, 64 : i32
      %gt3A = arith.constant 0 : i32
      %gt3A_46 = arith.cmpi sgt, %scan3A_43, %gt3A : i32
      %or3A = arith.constant false
      %or3A_47 = arith.ori %gt3A_46, %or3A : i1
      %convert_element_type3A = arith.extui %or3A_47 : i1 to i32
      %cond3A = arith.constant 0 : i32
      %cond3A_48 = arith.cmpi ne, %convert_element_type3A, %cond3A : i32
      scf.if %cond3A_48 {
        %dma_wait3A_521 = arith.constant 0 : i32
        %dma_wait3A_522 = arith.constant 0 : i32
        %dma_wait3A_523 = arith.constant 0 : i32
        %dma_wait3A_524 = arith.constant 0 : i32
        %dma_wait3A_525 = tpu.memref_slice %arg6[%dma_wait3A_521, %dma_wait3A_523, %dma_wait3A_524] : memref<2x64x512xf32, #tpu.memory_space<vmem>> -> memref<1x64x512xf32, #tpu.memory_space<vmem>>
        %dma_wait3A_526 = tpu.memref_squeeze %dma_wait3A_525 : memref<1x64x512xf32, #tpu.memory_space<vmem>> -> memref<64x512xf32, #tpu.memory_space<vmem>>
        %dma_wait3A_527 = arith.constant 0 : i32
        %dma_wait3A_528 = arith.constant 0 : i32
        %dma_wait3A_529 = tpu.memref_slice %arg4[%dma_wait3A_527, %dma_wait3A_522, %dma_wait3A_528] : memref<16384x10x512xf32, #tpu.memory_space<hbm>> -> memref<64x1x512xf32, #tpu.memory_space<hbm>>
        %dma_wait3A_530 = tpu.memref_squeeze %dma_wait3A_529 : memref<64x1x512xf32, #tpu.memory_space<hbm>> -> memref<64x512xf32, #tpu.memory_space<hbm>>
        %dma_wait3A_531 = arith.constant 0 : i32
        %dma_wait3A_532 = arith.constant 0 : i32
        %dma_wait3A_533 = tpu.memref_slice %arg4[%dma_wait3A_531, %dma_wait3A_522, %dma_wait3A_532] : memref<16384x10x512xf32, #tpu.memory_space<hbm>> -> memref<64x1x512xf32, #tpu.memory_space<hbm>>
        %dma_wait3A_534 = tpu.memref_squeeze %dma_wait3A_533 : memref<64x1x512xf32, #tpu.memory_space<hbm>> -> memref<64x512xf32, #tpu.memory_space<hbm>>
        %dma_wait3A_535 = arith.constant 0 : i32
        %dma_wait3A_536 = arith.constant 0 : i32
        %dma_wait3A_537 = tpu.memref_slice %arg6[%dma_wait3A_521, %dma_wait3A_535, %dma_wait3A_536] : memref<2x64x512xf32, #tpu.memory_space<vmem>> -> memref<1x64x512xf32, #tpu.memory_space<vmem>>
        %dma_wait3A_538 = tpu.memref_squeeze %dma_wait3A_537 : memref<1x64x512xf32, #tpu.memory_space<vmem>> -> memref<64x512xf32, #tpu.memory_space<vmem>>
        tpu.wait_dma2 semaphore(%arg9 : memref<!tpu.dma_semaphore, #tpu.memory_space<semaphore_mem>>) src(%dma_wait3A_538 : memref<64x512xf32, #tpu.memory_space<vmem>>) dst(%dma_wait3A_534 : memref<64x512xf32, #tpu.memory_space<hbm>>)
      } else {
      }
      %dma_start3A = arith.constant 0 : i32
      %dma_start3A_49 = arith.constant 0 : i32
      %dma_start3A_50 = arith.constant 0 : i32
      %dma_start3A_51 = arith.constant 0 : i32
      %dma_start3A_52 = tpu.memref_slice %arg6[%dma_start3A_49, %dma_start3A_50, %dma_start3A_51] : memref<2x64x512xf32, #tpu.memory_space<vmem>> -> memref<1x64x512xf32, #tpu.memory_space<vmem>>
      %dma_start3A_53 = tpu.memref_squeeze %dma_start3A_52 : memref<1x64x512xf32, #tpu.memory_space<vmem>> -> memref<64x512xf32, #tpu.memory_space<vmem>>
      %dma_start3A_54 = tpu.memref_slice %arg5[%dma_start3A, %multiple_of3A] : memref<10x512xi32, #tpu.memory_space<vmem>> -> memref<1x64xi32, #tpu.memory_space<vmem>>
      %dma_start3A_55 = tpu.memref_squeeze %dma_start3A_54 : memref<1x64xi32, #tpu.memory_space<vmem>> -> memref<64xi32, #tpu.memory_space<vmem>>
      %dma_start3A_56 = arith.constant 0 : i32
      %dma_start3A_57 = arith.constant 0 : i32
      %dma_start3A_58 = tpu.memref_slice %arg2[%dma_start3A_56, %dma_start3A_57] : memref<156x512xf32, #tpu.memory_space<hbm>> -> memref<156x512xf32, #tpu.memory_space<hbm>>
      tpu.enqueue_indirect_dma source(%dma_start3A_58 : memref<156x512xf32, #tpu.memory_space<hbm>>) target(%dma_start3A_53 : memref<64x512xf32, #tpu.memory_space<vmem>>) offsets(%dma_start3A_55 : memref<64xi32, #tpu.memory_space<vmem>>) semaphore(%arg7 : memref<!tpu.dma_semaphore, #tpu.memory_space<semaphore_mem>>)
      %gt3A_59 = arith.constant 0 : i32
      %gt3A_60 = arith.cmpi sgt, %scan3A_43, %gt3A_59 : i32
      %or3A_61 = arith.constant false
      %or3A_62 = arith.ori %gt3A_60, %or3A_61 : i1
      %convert_element_type3A_63 = arith.extui %or3A_62 : i1 to i32
      %cond3A_64 = arith.constant 0 : i32
      %cond3A_65 = arith.cmpi ne, %convert_element_type3A_63, %cond3A_64 : i32
      scf.if %cond3A_65 {
        %dma_wait3A_521 = arith.constant 1 : i32
        %dma_wait3A_522 = arith.constant 0 : i32
        %dma_wait3A_523 = arith.constant 0 : i32
        %dma_wait3A_524 = arith.constant 0 : i32
        %dma_wait3A_525 = tpu.memref_slice %arg6[%dma_wait3A_521, %dma_wait3A_523, %dma_wait3A_524] : memref<2x64x512xf32, #tpu.memory_space<vmem>> -> memref<1x64x512xf32, #tpu.memory_space<vmem>>
        %dma_wait3A_526 = tpu.memref_squeeze %dma_wait3A_525 : memref<1x64x512xf32, #tpu.memory_space<vmem>> -> memref<64x512xf32, #tpu.memory_space<vmem>>
        %dma_wait3A_527 = arith.constant 0 : i32
        %dma_wait3A_528 = arith.constant 0 : i32
        %dma_wait3A_529 = tpu.memref_slice %arg4[%dma_wait3A_527, %dma_wait3A_522, %dma_wait3A_528] : memref<16384x10x512xf32, #tpu.memory_space<hbm>> -> memref<64x1x512xf32, #tpu.memory_space<hbm>>
        %dma_wait3A_530 = tpu.memref_squeeze %dma_wait3A_529 : memref<64x1x512xf32, #tpu.memory_space<hbm>> -> memref<64x512xf32, #tpu.memory_space<hbm>>
        %dma_wait3A_531 = arith.constant 0 : i32
        %dma_wait3A_532 = arith.constant 0 : i32
        %dma_wait3A_533 = tpu.memref_slice %arg4[%dma_wait3A_531, %dma_wait3A_522, %dma_wait3A_532] : memref<16384x10x512xf32, #tpu.memory_space<hbm>> -> memref<64x1x512xf32, #tpu.memory_space<hbm>>
        %dma_wait3A_534 = tpu.memref_squeeze %dma_wait3A_533 : memref<64x1x512xf32, #tpu.memory_space<hbm>> -> memref<64x512xf32, #tpu.memory_space<hbm>>
        %dma_wait3A_535 = arith.constant 0 : i32
        %dma_wait3A_536 = arith.constant 0 : i32
        %dma_wait3A_537 = tpu.memref_slice %arg6[%dma_wait3A_521, %dma_wait3A_535, %dma_wait3A_536] : memref<2x64x512xf32, #tpu.memory_space<vmem>> -> memref<1x64x512xf32, #tpu.memory_space<vmem>>
        %dma_wait3A_538 = tpu.memref_squeeze %dma_wait3A_537 : memref<1x64x512xf32, #tpu.memory_space<vmem>> -> memref<64x512xf32, #tpu.memory_space<vmem>>
        tpu.wait_dma2 semaphore(%arg10 : memref<!tpu.dma_semaphore, #tpu.memory_space<semaphore_mem>>) src(%dma_wait3A_538 : memref<64x512xf32, #tpu.memory_space<vmem>>) dst(%dma_wait3A_534 : memref<64x512xf32, #tpu.memory_space<hbm>>)
      } else {
      }
      %dma_start3A_66 = arith.constant 1 : i32
      %dma_start3A_67 = arith.constant 1 : i32
      %dma_start3A_68 = arith.constant 0 : i32
      %dma_start3A_69 = arith.constant 0 : i32
      %dma_start3A_70 = tpu.memref_slice %arg6[%dma_start3A_67, %dma_start3A_68, %dma_start3A_69] : memref<2x64x512xf32, #tpu.memory_space<vmem>> -> memref<1x64x512xf32, #tpu.memory_space<vmem>>
      %dma_start3A_71 = tpu.memref_squeeze %dma_start3A_70 : memref<1x64x512xf32, #tpu.memory_space<vmem>> -> memref<64x512xf32, #tpu.memory_space<vmem>>
      %dma_start3A_72 = tpu.memref_slice %arg5[%dma_start3A_66, %multiple_of3A] : memref<10x512xi32, #tpu.memory_space<vmem>> -> memref<1x64xi32, #tpu.memory_space<vmem>>
      %dma_start3A_73 = tpu.memref_squeeze %dma_start3A_72 : memref<1x64xi32, #tpu.memory_space<vmem>> -> memref<64xi32, #tpu.memory_space<vmem>>
      %dma_start3A_74 = arith.constant 0 : i32
      %dma_start3A_75 = arith.constant 0 : i32
      %dma_start3A_76 = tpu.memref_slice %arg2[%dma_start3A_74, %dma_start3A_75] : memref<156x512xf32, #tpu.memory_space<hbm>> -> memref<156x512xf32, #tpu.memory_space<hbm>>
      tpu.enqueue_indirect_dma source(%dma_start3A_76 : memref<156x512xf32, #tpu.memory_space<hbm>>) target(%dma_start3A_71 : memref<64x512xf32, #tpu.memory_space<vmem>>) offsets(%dma_start3A_73 : memref<64xi32, #tpu.memory_space<vmem>>) semaphore(%arg8 : memref<!tpu.dma_semaphore, #tpu.memory_space<semaphore_mem>>)
      %dma_wait3A_77 = arith.constant 0 : i32
      %dma_wait3A_78 = arith.constant 0 : i32
      %dma_wait3A_79 = arith.constant 0 : i32
      %dma_wait3A_80 = arith.constant 0 : i32
      %dma_wait3A_81 = tpu.memref_slice %arg6[%dma_wait3A_78, %dma_wait3A_79, %dma_wait3A_80] : memref<2x64x512xf32, #tpu.memory_space<vmem>> -> memref<1x64x512xf32, #tpu.memory_space<vmem>>
      %dma_wait3A_82 = tpu.memref_squeeze %dma_wait3A_81 : memref<1x64x512xf32, #tpu.memory_space<vmem>> -> memref<64x512xf32, #tpu.memory_space<vmem>>
      %dma_wait3A_83 = tpu.memref_slice %arg5[%dma_wait3A_77, %multiple_of3A] : memref<10x512xi32, #tpu.memory_space<vmem>> -> memref<1x64xi32, #tpu.memory_space<vmem>>
      %dma_wait3A_84 = tpu.memref_squeeze %dma_wait3A_83 : memref<1x64xi32, #tpu.memory_space<vmem>> -> memref<64xi32, #tpu.memory_space<vmem>>
      %dma_wait3A_85 = arith.constant 0 : i32
      %dma_wait3A_86 = arith.constant 0 : i32
      %dma_wait3A_87 = tpu.memref_slice %arg2[%dma_wait3A_85, %dma_wait3A_86] : memref<156x512xf32, #tpu.memory_space<hbm>> -> memref<156x512xf32, #tpu.memory_space<hbm>>
      tpu.wait_indirect_dma semaphore(%arg7 : memref<!tpu.dma_semaphore, #tpu.memory_space<semaphore_mem>>) src(%dma_wait3A_87 : memref<156x512xf32, #tpu.memory_space<hbm>>) dst(%dma_wait3A_82 : memref<64x512xf32, #tpu.memory_space<vmem>>)
      %add3A_88 = arith.constant 0 : i32
      %add3A_89 = arith.addi %add3A_88, %mul3A_2 : i32
      %add3A_90 = arith.addi %add3A_89, %multiple_of3A : i32
      %dma_start3A_91 = arith.constant 0 : i32
      %dma_start3A_92 = arith.constant 0 : i32
      %dma_start3A_93 = arith.constant 0 : i32
      %dma_start3A_94 = arith.constant 0 : i32
      %dma_start3A_95 = tpu.memref_slice %arg6[%dma_start3A_91, %dma_start3A_93, %dma_start3A_94] : memref<2x64x512xf32, #tpu.memory_space<vmem>> -> memref<1x64x512xf32, #tpu.memory_space<vmem>>
      %dma_start3A_96 = tpu.memref_squeeze %dma_start3A_95 : memref<1x64x512xf32, #tpu.memory_space<vmem>> -> memref<64x512xf32, #tpu.memory_space<vmem>>
      %dma_start3A_97 = arith.constant 0 : i32
      %dma_start3A_98 = tpu.memref_slice %arg4[%add3A_90, %dma_start3A_92, %dma_start3A_97] : memref<16384x10x512xf32, #tpu.memory_space<hbm>> -> memref<64x1x512xf32, #tpu.memory_space<hbm>>
      %dma_start3A_99 = tpu.memref_squeeze %dma_start3A_98 : memref<64x1x512xf32, #tpu.memory_space<hbm>> -> memref<64x512xf32, #tpu.memory_space<hbm>>
      %dma_start3A_100 = arith.constant 0 : i32
      %dma_start3A_101 = tpu.memref_slice %arg4[%add3A_90, %dma_start3A_92, %dma_start3A_100] : memref<16384x10x512xf32, #tpu.memory_space<hbm>> -> memref<64x1x512xf32, #tpu.memory_space<hbm>>
      %dma_start3A_102 = tpu.memref_squeeze %dma_start3A_101 : memref<64x1x512xf32, #tpu.memory_space<hbm>> -> memref<64x512xf32, #tpu.memory_space<hbm>>
      %dma_start3A_103 = arith.constant 0 : i32
      %dma_start3A_104 = arith.constant 0 : i32
      %dma_start3A_105 = tpu.memref_slice %arg6[%dma_start3A_91, %dma_start3A_103, %dma_start3A_104] : memref<2x64x512xf32, #tpu.memory_space<vmem>> -> memref<1x64x512xf32, #tpu.memory_space<vmem>>
      %dma_start3A_106 = tpu.memref_squeeze %dma_start3A_105 : memref<1x64x512xf32, #tpu.memory_space<vmem>> -> memref<64x512xf32, #tpu.memory_space<vmem>>
      tpu.enqueue_dma source(%dma_start3A_106 : memref<64x512xf32, #tpu.memory_space<vmem>>) target(%dma_start3A_102 : memref<64x512xf32, #tpu.memory_space<hbm>>) target_semaphore(%arg9 : memref<!tpu.dma_semaphore, #tpu.memory_space<semaphore_mem>>)
      %gt3A_107 = arith.constant 0 : i32
      %gt3A_108 = arith.cmpi sgt, %scan3A_43, %gt3A_107 : i32
      %or3A_109 = arith.constant true
      %or3A_110 = arith.ori %gt3A_108, %or3A_109 : i1
      %convert_element_type3A_111 = arith.extui %or3A_110 : i1 to i32
      %cond3A_112 = arith.constant 0 : i32
      %cond3A_113 = arith.cmpi ne, %convert_element_type3A_111, %cond3A_112 : i32
      scf.if %cond3A_113 {
        %dma_wait3A_521 = arith.constant 0 : i32
        %dma_wait3A_522 = arith.constant 0 : i32
        %dma_wait3A_523 = arith.constant 0 : i32
        %dma_wait3A_524 = arith.constant 0 : i32
        %dma_wait3A_525 = tpu.memref_slice %arg6[%dma_wait3A_521, %dma_wait3A_523, %dma_wait3A_524] : memref<2x64x512xf32, #tpu.memory_space<vmem>> -> memref<1x64x512xf32, #tpu.memory_space<vmem>>
        %dma_wait3A_526 = tpu.memref_squeeze %dma_wait3A_525 : memref<1x64x512xf32, #tpu.memory_space<vmem>> -> memref<64x512xf32, #tpu.memory_space<vmem>>
        %dma_wait3A_527 = arith.constant 0 : i32
        %dma_wait3A_528 = arith.constant 0 : i32
        %dma_wait3A_529 = tpu.memref_slice %arg4[%dma_wait3A_527, %dma_wait3A_522, %dma_wait3A_528] : memref<16384x10x512xf32, #tpu.memory_space<hbm>> -> memref<64x1x512xf32, #tpu.memory_space<hbm>>
        %dma_wait3A_530 = tpu.memref_squeeze %dma_wait3A_529 : memref<64x1x512xf32, #tpu.memory_space<hbm>> -> memref<64x512xf32, #tpu.memory_space<hbm>>
        %dma_wait3A_531 = arith.constant 0 : i32
        %dma_wait3A_532 = arith.constant 0 : i32
        %dma_wait3A_533 = tpu.memref_slice %arg4[%dma_wait3A_531, %dma_wait3A_522, %dma_wait3A_532] : memref<16384x10x512xf32, #tpu.memory_space<hbm>> -> memref<64x1x512xf32, #tpu.memory_space<hbm>>
        %dma_wait3A_534 = tpu.memref_squeeze %dma_wait3A_533 : memref<64x1x512xf32, #tpu.memory_space<hbm>> -> memref<64x512xf32, #tpu.memory_space<hbm>>
        %dma_wait3A_535 = arith.constant 0 : i32
        %dma_wait3A_536 = arith.constant 0 : i32
        %dma_wait3A_537 = tpu.memref_slice %arg6[%dma_wait3A_521, %dma_wait3A_535, %dma_wait3A_536] : memref<2x64x512xf32, #tpu.memory_space<vmem>> -> memref<1x64x512xf32, #tpu.memory_space<vmem>>
        %dma_wait3A_538 = tpu.memref_squeeze %dma_wait3A_537 : memref<1x64x512xf32, #tpu.memory_space<vmem>> -> memref<64x512xf32, #tpu.memory_space<vmem>>
        tpu.wait_dma2 semaphore(%arg9 : memref<!tpu.dma_semaphore, #tpu.memory_space<semaphore_mem>>) src(%dma_wait3A_538 : memref<64x512xf32, #tpu.memory_space<vmem>>) dst(%dma_wait3A_534 : memref<64x512xf32, #tpu.memory_space<hbm>>)
      } else {
      }
      %dma_start3A_114 = arith.constant 2 : i32
      %dma_start3A_115 = arith.constant 0 : i32
      %dma_start3A_116 = arith.constant 0 : i32
      %dma_start3A_117 = arith.constant 0 : i32
      %dma_start3A_118 = tpu.memref_slice %arg6[%dma_start3A_115, %dma_start3A_116, %dma_start3A_117] : memref<2x64x512xf32, #tpu.memory_space<vmem>> -> memref<1x64x512xf32, #tpu.memory_space<vmem>>
      %dma_start3A_119 = tpu.memref_squeeze %dma_start3A_118 : memref<1x64x512xf32, #tpu.memory_space<vmem>> -> memref<64x512xf32, #tpu.memory_space<vmem>>
      %dma_start3A_120 = tpu.memref_slice %arg5[%dma_start3A_114, %multiple_of3A] : memref<10x512xi32, #tpu.memory_space<vmem>> -> memref<1x64xi32, #tpu.memory_space<vmem>>
      %dma_start3A_121 = tpu.memref_squeeze %dma_start3A_120 : memref<1x64xi32, #tpu.memory_space<vmem>> -> memref<64xi32, #tpu.memory_space<vmem>>
      %dma_start3A_122 = arith.constant 0 : i32
      %dma_start3A_123 = arith.constant 0 : i32
      %dma_start3A_124 = tpu.memref_slice %arg2[%dma_start3A_122, %dma_start3A_123] : memref<156x512xf32, #tpu.memory_space<hbm>> -> memref<156x512xf32, #tpu.memory_space<hbm>>
      tpu.enqueue_indirect_dma source(%dma_start3A_124 : memref<156x512xf32, #tpu.memory_space<hbm>>) target(%dma_start3A_119 : memref<64x512xf32, #tpu.memory_space<vmem>>) offsets(%dma_start3A_121 : memref<64xi32, #tpu.memory_space<vmem>>) semaphore(%arg7 : memref<!tpu.dma_semaphore, #tpu.memory_space<semaphore_mem>>)
      %dma_wait3A_125 = arith.constant 1 : i32
      %dma_wait3A_126 = arith.constant 1 : i32
      %dma_wait3A_127 = arith.constant 0 : i32
      %dma_wait3A_128 = arith.constant 0 : i32
      %dma_wait3A_129 = tpu.memref_slice %arg6[%dma_wait3A_126, %dma_wait3A_127, %dma_wait3A_128] : memref<2x64x512xf32, #tpu.memory_space<vmem>> -> memref<1x64x512xf32, #tpu.memory_space<vmem>>
      %dma_wait3A_130 = tpu.memref_squeeze %dma_wait3A_129 : memref<1x64x512xf32, #tpu.memory_space<vmem>> -> memref<64x512xf32, #tpu.memory_space<vmem>>
      %dma_wait3A_131 = tpu.memref_slice %arg5[%dma_wait3A_125, %multiple_of3A] : memref<10x512xi32, #tpu.memory_space<vmem>> -> memref<1x64xi32, #tpu.memory_space<vmem>>
      %dma_wait3A_132 = tpu.memref_squeeze %dma_wait3A_131 : memref<1x64xi32, #tpu.memory_space<vmem>> -> memref<64xi32, #tpu.memory_space<vmem>>
      %dma_wait3A_133 = arith.constant 0 : i32
      %dma_wait3A_134 = arith.constant 0 : i32
      %dma_wait3A_135 = tpu.memref_slice %arg2[%dma_wait3A_133, %dma_wait3A_134] : memref<156x512xf32, #tpu.memory_space<hbm>> -> memref<156x512xf32, #tpu.memory_space<hbm>>
      tpu.wait_indirect_dma semaphore(%arg8 : memref<!tpu.dma_semaphore, #tpu.memory_space<semaphore_mem>>) src(%dma_wait3A_135 : memref<156x512xf32, #tpu.memory_space<hbm>>) dst(%dma_wait3A_130 : memref<64x512xf32, #tpu.memory_space<vmem>>)
      %add3A_136 = arith.constant 0 : i32
      %add3A_137 = arith.addi %add3A_136, %mul3A_2 : i32
      %add3A_138 = arith.addi %add3A_137, %multiple_of3A : i32
      %dma_start3A_139 = arith.constant 1 : i32
      %dma_start3A_140 = arith.constant 1 : i32
      %dma_start3A_141 = arith.constant 0 : i32
      %dma_start3A_142 = arith.constant 0 : i32
      %dma_start3A_143 = tpu.memref_slice %arg6[%dma_start3A_139, %dma_start3A_141, %dma_start3A_142] : memref<2x64x512xf32, #tpu.memory_space<vmem>> -> memref<1x64x512xf32, #tpu.memory_space<vmem>>
      %dma_start3A_144 = tpu.memref_squeeze %dma_start3A_143 : memref<1x64x512xf32, #tpu.memory_space<vmem>> -> memref<64x512xf32, #tpu.memory_space<vmem>>
      %dma_start3A_145 = arith.constant 0 : i32
      %dma_start3A_146 = tpu.memref_slice %arg4[%add3A_138, %dma_start3A_140, %dma_start3A_145] : memref<16384x10x512xf32, #tpu.memory_space<hbm>> -> memref<64x1x512xf32, #tpu.memory_space<hbm>>
      %dma_start3A_147 = tpu.memref_squeeze %dma_start3A_146 : memref<64x1x512xf32, #tpu.memory_space<hbm>> -> memref<64x512xf32, #tpu.memory_space<hbm>>
      %dma_start3A_148 = arith.constant 0 : i32
      %dma_start3A_149 = tpu.memref_slice %arg4[%add3A_138, %dma_start3A_140, %dma_start3A_148] : memref<16384x10x512xf32, #tpu.memory_space<hbm>> -> memref<64x1x512xf32, #tpu.memory_space<hbm>>
      %dma_start3A_150 = tpu.memref_squeeze %dma_start3A_149 : memref<64x1x512xf32, #tpu.memory_space<hbm>> -> memref<64x512xf32, #tpu.memory_space<hbm>>
      %dma_start3A_151 = arith.constant 0 : i32
      %dma_start3A_152 = arith.constant 0 : i32
      %dma_start3A_153 = tpu.memref_slice %arg6[%dma_start3A_139, %dma_start3A_151, %dma_start3A_152] : memref<2x64x512xf32, #tpu.memory_space<vmem>> -> memref<1x64x512xf32, #tpu.memory_space<vmem>>
      %dma_start3A_154 = tpu.memref_squeeze %dma_start3A_153 : memref<1x64x512xf32, #tpu.memory_space<vmem>> -> memref<64x512xf32, #tpu.memory_space<vmem>>
      tpu.enqueue_dma source(%dma_start3A_154 : memref<64x512xf32, #tpu.memory_space<vmem>>) target(%dma_start3A_150 : memref<64x512xf32, #tpu.memory_space<hbm>>) target_semaphore(%arg10 : memref<!tpu.dma_semaphore, #tpu.memory_space<semaphore_mem>>)
      %gt3A_155 = arith.constant 0 : i32
      %gt3A_156 = arith.cmpi sgt, %scan3A_43, %gt3A_155 : i32
      %or3A_157 = arith.constant true
      %or3A_158 = arith.ori %gt3A_156, %or3A_157 : i1
      %convert_element_type3A_159 = arith.extui %or3A_158 : i1 to i32
      %cond3A_160 = arith.constant 0 : i32
      %cond3A_161 = arith.cmpi ne, %convert_element_type3A_159, %cond3A_160 : i32
      scf.if %cond3A_161 {
        %dma_wait3A_521 = arith.constant 1 : i32
        %dma_wait3A_522 = arith.constant 0 : i32
        %dma_wait3A_523 = arith.constant 0 : i32
        %dma_wait3A_524 = arith.constant 0 : i32
        %dma_wait3A_525 = tpu.memref_slice %arg6[%dma_wait3A_521, %dma_wait3A_523, %dma_wait3A_524] : memref<2x64x512xf32, #tpu.memory_space<vmem>> -> memref<1x64x512xf32, #tpu.memory_space<vmem>>
        %dma_wait3A_526 = tpu.memref_squeeze %dma_wait3A_525 : memref<1x64x512xf32, #tpu.memory_space<vmem>> -> memref<64x512xf32, #tpu.memory_space<vmem>>
        %dma_wait3A_527 = arith.constant 0 : i32
        %dma_wait3A_528 = arith.constant 0 : i32
        %dma_wait3A_529 = tpu.memref_slice %arg4[%dma_wait3A_527, %dma_wait3A_522, %dma_wait3A_528] : memref<16384x10x512xf32, #tpu.memory_space<hbm>> -> memref<64x1x512xf32, #tpu.memory_space<hbm>>
        %dma_wait3A_530 = tpu.memref_squeeze %dma_wait3A_529 : memref<64x1x512xf32, #tpu.memory_space<hbm>> -> memref<64x512xf32, #tpu.memory_space<hbm>>
        %dma_wait3A_531 = arith.constant 0 : i32
        %dma_wait3A_532 = arith.constant 0 : i32
        %dma_wait3A_533 = tpu.memref_slice %arg4[%dma_wait3A_531, %dma_wait3A_522, %dma_wait3A_532] : memref<16384x10x512xf32, #tpu.memory_space<hbm>> -> memref<64x1x512xf32, #tpu.memory_space<hbm>>
        %dma_wait3A_534 = tpu.memref_squeeze %dma_wait3A_533 : memref<64x1x512xf32, #tpu.memory_space<hbm>> -> memref<64x512xf32, #tpu.memory_space<hbm>>
        %dma_wait3A_535 = arith.constant 0 : i32
        %dma_wait3A_536 = arith.constant 0 : i32
        %dma_wait3A_537 = tpu.memref_slice %arg6[%dma_wait3A_521, %dma_wait3A_535, %dma_wait3A_536] : memref<2x64x512xf32, #tpu.memory_space<vmem>> -> memref<1x64x512xf32, #tpu.memory_space<vmem>>
        %dma_wait3A_538 = tpu.memref_squeeze %dma_wait3A_537 : memref<1x64x512xf32, #tpu.memory_space<vmem>> -> memref<64x512xf32, #tpu.memory_space<vmem>>
        tpu.wait_dma2 semaphore(%arg10 : memref<!tpu.dma_semaphore, #tpu.memory_space<semaphore_mem>>) src(%dma_wait3A_538 : memref<64x512xf32, #tpu.memory_space<vmem>>) dst(%dma_wait3A_534 : memref<64x512xf32, #tpu.memory_space<hbm>>)
      } else {
      }
      %dma_start3A_162 = arith.constant 3 : i32
      %dma_start3A_163 = arith.constant 1 : i32
      %dma_start3A_164 = arith.constant 0 : i32
      %dma_start3A_165 = arith.constant 0 : i32
      %dma_start3A_166 = tpu.memref_slice %arg6[%dma_start3A_163, %dma_start3A_164, %dma_start3A_165] : memref<2x64x512xf32, #tpu.memory_space<vmem>> -> memref<1x64x512xf32, #tpu.memory_space<vmem>>
      %dma_start3A_167 = tpu.memref_squeeze %dma_start3A_166 : memref<1x64x512xf32, #tpu.memory_space<vmem>> -> memref<64x512xf32, #tpu.memory_space<vmem>>
      %dma_start3A_168 = tpu.memref_slice %arg5[%dma_start3A_162, %multiple_of3A] : memref<10x512xi32, #tpu.memory_space<vmem>> -> memref<1x64xi32, #tpu.memory_space<vmem>>
      %dma_start3A_169 = tpu.memref_squeeze %dma_start3A_168 : memref<1x64xi32, #tpu.memory_space<vmem>> -> memref<64xi32, #tpu.memory_space<vmem>>
      %dma_start3A_170 = arith.constant 0 : i32
      %dma_start3A_171 = arith.constant 0 : i32
      %dma_start3A_172 = tpu.memref_slice %arg2[%dma_start3A_170, %dma_start3A_171] : memref<156x512xf32, #tpu.memory_space<hbm>> -> memref<156x512xf32, #tpu.memory_space<hbm>>
      tpu.enqueue_indirect_dma source(%dma_start3A_172 : memref<156x512xf32, #tpu.memory_space<hbm>>) target(%dma_start3A_167 : memref<64x512xf32, #tpu.memory_space<vmem>>) offsets(%dma_start3A_169 : memref<64xi32, #tpu.memory_space<vmem>>) semaphore(%arg8 : memref<!tpu.dma_semaphore, #tpu.memory_space<semaphore_mem>>)
      %dma_wait3A_173 = arith.constant 2 : i32
      %dma_wait3A_174 = arith.constant 0 : i32
      %dma_wait3A_175 = arith.constant 0 : i32
      %dma_wait3A_176 = arith.constant 0 : i32
      %dma_wait3A_177 = tpu.memref_slice %arg6[%dma_wait3A_174, %dma_wait3A_175, %dma_wait3A_176] : memref<2x64x512xf32, #tpu.memory_space<vmem>> -> memref<1x64x512xf32, #tpu.memory_space<vmem>>
      %dma_wait3A_178 = tpu.memref_squeeze %dma_wait3A_177 : memref<1x64x512xf32, #tpu.memory_space<vmem>> -> memref<64x512xf32, #tpu.memory_space<vmem>>
      %dma_wait3A_179 = tpu.memref_slice %arg5[%dma_wait3A_173, %multiple_of3A] : memref<10x512xi32, #tpu.memory_space<vmem>> -> memref<1x64xi32, #tpu.memory_space<vmem>>
      %dma_wait3A_180 = tpu.memref_squeeze %dma_wait3A_179 : memref<1x64xi32, #tpu.memory_space<vmem>> -> memref<64xi32, #tpu.memory_space<vmem>>
      %dma_wait3A_181 = arith.constant 0 : i32
      %dma_wait3A_182 = arith.constant 0 : i32
      %dma_wait3A_183 = tpu.memref_slice %arg2[%dma_wait3A_181, %dma_wait3A_182] : memref<156x512xf32, #tpu.memory_space<hbm>> -> memref<156x512xf32, #tpu.memory_space<hbm>>
      tpu.wait_indirect_dma semaphore(%arg7 : memref<!tpu.dma_semaphore, #tpu.memory_space<semaphore_mem>>) src(%dma_wait3A_183 : memref<156x512xf32, #tpu.memory_space<hbm>>) dst(%dma_wait3A_178 : memref<64x512xf32, #tpu.memory_space<vmem>>)
      %add3A_184 = arith.constant 0 : i32
      %add3A_185 = arith.addi %add3A_184, %mul3A_2 : i32
      %add3A_186 = arith.addi %add3A_185, %multiple_of3A : i32
      %dma_start3A_187 = arith.constant 0 : i32
      %dma_start3A_188 = arith.constant 2 : i32
      %dma_start3A_189 = arith.constant 0 : i32
      %dma_start3A_190 = arith.constant 0 : i32
      %dma_start3A_191 = tpu.memref_slice %arg6[%dma_start3A_187, %dma_start3A_189, %dma_start3A_190] : memref<2x64x512xf32, #tpu.memory_space<vmem>> -> memref<1x64x512xf32, #tpu.memory_space<vmem>>
      %dma_start3A_192 = tpu.memref_squeeze %dma_start3A_191 : memref<1x64x512xf32, #tpu.memory_space<vmem>> -> memref<64x512xf32, #tpu.memory_space<vmem>>
      %dma_start3A_193 = arith.constant 0 : i32
      %dma_start3A_194 = tpu.memref_slice %arg4[%add3A_186, %dma_start3A_188, %dma_start3A_193] : memref<16384x10x512xf32, #tpu.memory_space<hbm>> -> memref<64x1x512xf32, #tpu.memory_space<hbm>>
      %dma_start3A_195 = tpu.memref_squeeze %dma_start3A_194 : memref<64x1x512xf32, #tpu.memory_space<hbm>> -> memref<64x512xf32, #tpu.memory_space<hbm>>
      %dma_start3A_196 = arith.constant 0 : i32
      %dma_start3A_197 = tpu.memref_slice %arg4[%add3A_186, %dma_start3A_188, %dma_start3A_196] : memref<16384x10x512xf32, #tpu.memory_space<hbm>> -> memref<64x1x512xf32, #tpu.memory_space<hbm>>
      %dma_start3A_198 = tpu.memref_squeeze %dma_start3A_197 : memref<64x1x512xf32, #tpu.memory_space<hbm>> -> memref<64x512xf32, #tpu.memory_space<hbm>>
      %dma_start3A_199 = arith.constant 0 : i32
      %dma_start3A_200 = arith.constant 0 : i32
      %dma_start3A_201 = tpu.memref_slice %arg6[%dma_start3A_187, %dma_start3A_199, %dma_start3A_200] : memref<2x64x512xf32, #tpu.memory_space<vmem>> -> memref<1x64x512xf32, #tpu.memory_space<vmem>>
      %dma_start3A_202 = tpu.memref_squeeze %dma_start3A_201 : memref<1x64x512xf32, #tpu.memory_space<vmem>> -> memref<64x512xf32, #tpu.memory_space<vmem>>
      tpu.enqueue_dma source(%dma_start3A_202 : memref<64x512xf32, #tpu.memory_space<vmem>>) target(%dma_start3A_198 : memref<64x512xf32, #tpu.memory_space<hbm>>) target_semaphore(%arg9 : memref<!tpu.dma_semaphore, #tpu.memory_space<semaphore_mem>>)
      %gt3A_203 = arith.constant 0 : i32
      %gt3A_204 = arith.cmpi sgt, %scan3A_43, %gt3A_203 : i32
      %or3A_205 = arith.constant true
      %or3A_206 = arith.ori %gt3A_204, %or3A_205 : i1
      %convert_element_type3A_207 = arith.extui %or3A_206 : i1 to i32
      %cond3A_208 = arith.constant 0 : i32
      %cond3A_209 = arith.cmpi ne, %convert_element_type3A_207, %cond3A_208 : i32
      scf.if %cond3A_209 {
        %dma_wait3A_521 = arith.constant 0 : i32
        %dma_wait3A_522 = arith.constant 0 : i32
        %dma_wait3A_523 = arith.constant 0 : i32
        %dma_wait3A_524 = arith.constant 0 : i32
        %dma_wait3A_525 = tpu.memref_slice %arg6[%dma_wait3A_521, %dma_wait3A_523, %dma_wait3A_524] : memref<2x64x512xf32, #tpu.memory_space<vmem>> -> memref<1x64x512xf32, #tpu.memory_space<vmem>>
        %dma_wait3A_526 = tpu.memref_squeeze %dma_wait3A_525 : memref<1x64x512xf32, #tpu.memory_space<vmem>> -> memref<64x512xf32, #tpu.memory_space<vmem>>
        %dma_wait3A_527 = arith.constant 0 : i32
        %dma_wait3A_528 = arith.constant 0 : i32
        %dma_wait3A_529 = tpu.memref_slice %arg4[%dma_wait3A_527, %dma_wait3A_522, %dma_wait3A_528] : memref<16384x10x512xf32, #tpu.memory_space<hbm>> -> memref<64x1x512xf32, #tpu.memory_space<hbm>>
        %dma_wait3A_530 = tpu.memref_squeeze %dma_wait3A_529 : memref<64x1x512xf32, #tpu.memory_space<hbm>> -> memref<64x512xf32, #tpu.memory_space<hbm>>
        %dma_wait3A_531 = arith.constant 0 : i32
        %dma_wait3A_532 = arith.constant 0 : i32
        %dma_wait3A_533 = tpu.memref_slice %arg4[%dma_wait3A_531, %dma_wait3A_522, %dma_wait3A_532] : memref<16384x10x512xf32, #tpu.memory_space<hbm>> -> memref<64x1x512xf32, #tpu.memory_space<hbm>>
        %dma_wait3A_534 = tpu.memref_squeeze %dma_wait3A_533 : memref<64x1x512xf32, #tpu.memory_space<hbm>> -> memref<64x512xf32, #tpu.memory_space<hbm>>
        %dma_wait3A_535 = arith.constant 0 : i32
        %dma_wait3A_536 = arith.constant 0 : i32
        %dma_wait3A_537 = tpu.memref_slice %arg6[%dma_wait3A_521, %dma_wait3A_535, %dma_wait3A_536] : memref<2x64x512xf32, #tpu.memory_space<vmem>> -> memref<1x64x512xf32, #tpu.memory_space<vmem>>
        %dma_wait3A_538 = tpu.memref_squeeze %dma_wait3A_537 : memref<1x64x512xf32, #tpu.memory_space<vmem>> -> memref<64x512xf32, #tpu.memory_space<vmem>>
        tpu.wait_dma2 semaphore(%arg9 : memref<!tpu.dma_semaphore, #tpu.memory_space<semaphore_mem>>) src(%dma_wait3A_538 : memref<64x512xf32, #tpu.memory_space<vmem>>) dst(%dma_wait3A_534 : memref<64x512xf32, #tpu.memory_space<hbm>>)
      } else {
      }
      %dma_start3A_210 = arith.constant 4 : i32
      %dma_start3A_211 = arith.constant 0 : i32
      %dma_start3A_212 = arith.constant 0 : i32
      %dma_start3A_213 = arith.constant 0 : i32
      %dma_start3A_214 = tpu.memref_slice %arg6[%dma_start3A_211, %dma_start3A_212, %dma_start3A_213] : memref<2x64x512xf32, #tpu.memory_space<vmem>> -> memref<1x64x512xf32, #tpu.memory_space<vmem>>
      %dma_start3A_215 = tpu.memref_squeeze %dma_start3A_214 : memref<1x64x512xf32, #tpu.memory_space<vmem>> -> memref<64x512xf32, #tpu.memory_space<vmem>>
      %dma_start3A_216 = tpu.memref_slice %arg5[%dma_start3A_210, %multiple_of3A] : memref<10x512xi32, #tpu.memory_space<vmem>> -> memref<1x64xi32, #tpu.memory_space<vmem>>
      %dma_start3A_217 = tpu.memref_squeeze %dma_start3A_216 : memref<1x64xi32, #tpu.memory_space<vmem>> -> memref<64xi32, #tpu.memory_space<vmem>>
      %dma_start3A_218 = arith.constant 0 : i32
      %dma_start3A_219 = arith.constant 0 : i32
      %dma_start3A_220 = tpu.memref_slice %arg2[%dma_start3A_218, %dma_start3A_219] : memref<156x512xf32, #tpu.memory_space<hbm>> -> memref<156x512xf32, #tpu.memory_space<hbm>>
      tpu.enqueue_indirect_dma source(%dma_start3A_220 : memref<156x512xf32, #tpu.memory_space<hbm>>) target(%dma_start3A_215 : memref<64x512xf32, #tpu.memory_space<vmem>>) offsets(%dma_start3A_217 : memref<64xi32, #tpu.memory_space<vmem>>) semaphore(%arg7 : memref<!tpu.dma_semaphore, #tpu.memory_space<semaphore_mem>>)
      %dma_wait3A_221 = arith.constant 3 : i32
      %dma_wait3A_222 = arith.constant 1 : i32
      %dma_wait3A_223 = arith.constant 0 : i32
      %dma_wait3A_224 = arith.constant 0 : i32
      %dma_wait3A_225 = tpu.memref_slice %arg6[%dma_wait3A_222, %dma_wait3A_223, %dma_wait3A_224] : memref<2x64x512xf32, #tpu.memory_space<vmem>> -> memref<1x64x512xf32, #tpu.memory_space<vmem>>
      %dma_wait3A_226 = tpu.memref_squeeze %dma_wait3A_225 : memref<1x64x512xf32, #tpu.memory_space<vmem>> -> memref<64x512xf32, #tpu.memory_space<vmem>>
      %dma_wait3A_227 = tpu.memref_slice %arg5[%dma_wait3A_221, %multiple_of3A] : memref<10x512xi32, #tpu.memory_space<vmem>> -> memref<1x64xi32, #tpu.memory_space<vmem>>
      %dma_wait3A_228 = tpu.memref_squeeze %dma_wait3A_227 : memref<1x64xi32, #tpu.memory_space<vmem>> -> memref<64xi32, #tpu.memory_space<vmem>>
      %dma_wait3A_229 = arith.constant 0 : i32
      %dma_wait3A_230 = arith.constant 0 : i32
      %dma_wait3A_231 = tpu.memref_slice %arg2[%dma_wait3A_229, %dma_wait3A_230] : memref<156x512xf32, #tpu.memory_space<hbm>> -> memref<156x512xf32, #tpu.memory_space<hbm>>
      tpu.wait_indirect_dma semaphore(%arg8 : memref<!tpu.dma_semaphore, #tpu.memory_space<semaphore_mem>>) src(%dma_wait3A_231 : memref<156x512xf32, #tpu.memory_space<hbm>>) dst(%dma_wait3A_226 : memref<64x512xf32, #tpu.memory_space<vmem>>)
      %add3A_232 = arith.constant 0 : i32
      %add3A_233 = arith.addi %add3A_232, %mul3A_2 : i32
      %add3A_234 = arith.addi %add3A_233, %multiple_of3A : i32
      %dma_start3A_235 = arith.constant 1 : i32
      %dma_start3A_236 = arith.constant 3 : i32
      %dma_start3A_237 = arith.constant 0 : i32
      %dma_start3A_238 = arith.constant 0 : i32
      %dma_start3A_239 = tpu.memref_slice %arg6[%dma_start3A_235, %dma_start3A_237, %dma_start3A_238] : memref<2x64x512xf32, #tpu.memory_space<vmem>> -> memref<1x64x512xf32, #tpu.memory_space<vmem>>
      %dma_start3A_240 = tpu.memref_squeeze %dma_start3A_239 : memref<1x64x512xf32, #tpu.memory_space<vmem>> -> memref<64x512xf32, #tpu.memory_space<vmem>>
      %dma_start3A_241 = arith.constant 0 : i32
      %dma_start3A_242 = tpu.memref_slice %arg4[%add3A_234, %dma_start3A_236, %dma_start3A_241] : memref<16384x10x512xf32, #tpu.memory_space<hbm>> -> memref<64x1x512xf32, #tpu.memory_space<hbm>>
      %dma_start3A_243 = tpu.memref_squeeze %dma_start3A_242 : memref<64x1x512xf32, #tpu.memory_space<hbm>> -> memref<64x512xf32, #tpu.memory_space<hbm>>
      %dma_start3A_244 = arith.constant 0 : i32
      %dma_start3A_245 = tpu.memref_slice %arg4[%add3A_234, %dma_start3A_236, %dma_start3A_244] : memref<16384x10x512xf32, #tpu.memory_space<hbm>> -> memref<64x1x512xf32, #tpu.memory_space<hbm>>
      %dma_start3A_246 = tpu.memref_squeeze %dma_start3A_245 : memref<64x1x512xf32, #tpu.memory_space<hbm>> -> memref<64x512xf32, #tpu.memory_space<hbm>>
      %dma_start3A_247 = arith.constant 0 : i32
      %dma_start3A_248 = arith.constant 0 : i32
      %dma_start3A_249 = tpu.memref_slice %arg6[%dma_start3A_235, %dma_start3A_247, %dma_start3A_248] : memref<2x64x512xf32, #tpu.memory_space<vmem>> -> memref<1x64x512xf32, #tpu.memory_space<vmem>>
      %dma_start3A_250 = tpu.memref_squeeze %dma_start3A_249 : memref<1x64x512xf32, #tpu.memory_space<vmem>> -> memref<64x512xf32, #tpu.memory_space<vmem>>
      tpu.enqueue_dma source(%dma_start3A_250 : memref<64x512xf32, #tpu.memory_space<vmem>>) target(%dma_start3A_246 : memref<64x512xf32, #tpu.memory_space<hbm>>) target_semaphore(%arg10 : memref<!tpu.dma_semaphore, #tpu.memory_space<semaphore_mem>>)
      %gt3A_251 = arith.constant 0 : i32
      %gt3A_252 = arith.cmpi sgt, %scan3A_43, %gt3A_251 : i32
      %or3A_253 = arith.constant true
      %or3A_254 = arith.ori %gt3A_252, %or3A_253 : i1
      %convert_element_type3A_255 = arith.extui %or3A_254 : i1 to i32
      %cond3A_256 = arith.constant 0 : i32
      %cond3A_257 = arith.cmpi ne, %convert_element_type3A_255, %cond3A_256 : i32
      scf.if %cond3A_257 {
        %dma_wait3A_521 = arith.constant 1 : i32
        %dma_wait3A_522 = arith.constant 0 : i32
        %dma_wait3A_523 = arith.constant 0 : i32
        %dma_wait3A_524 = arith.constant 0 : i32
        %dma_wait3A_525 = tpu.memref_slice %arg6[%dma_wait3A_521, %dma_wait3A_523, %dma_wait3A_524] : memref<2x64x512xf32, #tpu.memory_space<vmem>> -> memref<1x64x512xf32, #tpu.memory_space<vmem>>
        %dma_wait3A_526 = tpu.memref_squeeze %dma_wait3A_525 : memref<1x64x512xf32, #tpu.memory_space<vmem>> -> memref<64x512xf32, #tpu.memory_space<vmem>>
        %dma_wait3A_527 = arith.constant 0 : i32
        %dma_wait3A_528 = arith.constant 0 : i32
        %dma_wait3A_529 = tpu.memref_slice %arg4[%dma_wait3A_527, %dma_wait3A_522, %dma_wait3A_528] : memref<16384x10x512xf32, #tpu.memory_space<hbm>> -> memref<64x1x512xf32, #tpu.memory_space<hbm>>
        %dma_wait3A_530 = tpu.memref_squeeze %dma_wait3A_529 : memref<64x1x512xf32, #tpu.memory_space<hbm>> -> memref<64x512xf32, #tpu.memory_space<hbm>>
        %dma_wait3A_531 = arith.constant 0 : i32
        %dma_wait3A_532 = arith.constant 0 : i32
        %dma_wait3A_533 = tpu.memref_slice %arg4[%dma_wait3A_531, %dma_wait3A_522, %dma_wait3A_532] : memref<16384x10x512xf32, #tpu.memory_space<hbm>> -> memref<64x1x512xf32, #tpu.memory_space<hbm>>
        %dma_wait3A_534 = tpu.memref_squeeze %dma_wait3A_533 : memref<64x1x512xf32, #tpu.memory_space<hbm>> -> memref<64x512xf32, #tpu.memory_space<hbm>>
        %dma_wait3A_535 = arith.constant 0 : i32
        %dma_wait3A_536 = arith.constant 0 : i32
        %dma_wait3A_537 = tpu.memref_slice %arg6[%dma_wait3A_521, %dma_wait3A_535, %dma_wait3A_536] : memref<2x64x512xf32, #tpu.memory_space<vmem>> -> memref<1x64x512xf32, #tpu.memory_space<vmem>>
        %dma_wait3A_538 = tpu.memref_squeeze %dma_wait3A_537 : memref<1x64x512xf32, #tpu.memory_space<vmem>> -> memref<64x512xf32, #tpu.memory_space<vmem>>
        tpu.wait_dma2 semaphore(%arg10 : memref<!tpu.dma_semaphore, #tpu.memory_space<semaphore_mem>>) src(%dma_wait3A_538 : memref<64x512xf32, #tpu.memory_space<vmem>>) dst(%dma_wait3A_534 : memref<64x512xf32, #tpu.memory_space<hbm>>)
      } else {
      }
      %dma_start3A_258 = arith.constant 5 : i32
      %dma_start3A_259 = arith.constant 1 : i32
      %dma_start3A_260 = arith.constant 0 : i32
      %dma_start3A_261 = arith.constant 0 : i32
      %dma_start3A_262 = tpu.memref_slice %arg6[%dma_start3A_259, %dma_start3A_260, %dma_start3A_261] : memref<2x64x512xf32, #tpu.memory_space<vmem>> -> memref<1x64x512xf32, #tpu.memory_space<vmem>>
      %dma_start3A_263 = tpu.memref_squeeze %dma_start3A_262 : memref<1x64x512xf32, #tpu.memory_space<vmem>> -> memref<64x512xf32, #tpu.memory_space<vmem>>
      %dma_start3A_264 = tpu.memref_slice %arg5[%dma_start3A_258, %multiple_of3A] : memref<10x512xi32, #tpu.memory_space<vmem>> -> memref<1x64xi32, #tpu.memory_space<vmem>>
      %dma_start3A_265 = tpu.memref_squeeze %dma_start3A_264 : memref<1x64xi32, #tpu.memory_space<vmem>> -> memref<64xi32, #tpu.memory_space<vmem>>
      %dma_start3A_266 = arith.constant 0 : i32
      %dma_start3A_267 = arith.constant 0 : i32
      %dma_start3A_268 = tpu.memref_slice %arg2[%dma_start3A_266, %dma_start3A_267] : memref<156x512xf32, #tpu.memory_space<hbm>> -> memref<156x512xf32, #tpu.memory_space<hbm>>
      tpu.enqueue_indirect_dma source(%dma_start3A_268 : memref<156x512xf32, #tpu.memory_space<hbm>>) target(%dma_start3A_263 : memref<64x512xf32, #tpu.memory_space<vmem>>) offsets(%dma_start3A_265 : memref<64xi32, #tpu.memory_space<vmem>>) semaphore(%arg8 : memref<!tpu.dma_semaphore, #tpu.memory_space<semaphore_mem>>)
      %dma_wait3A_269 = arith.constant 4 : i32
      %dma_wait3A_270 = arith.constant 0 : i32
      %dma_wait3A_271 = arith.constant 0 : i32
      %dma_wait3A_272 = arith.constant 0 : i32
      %dma_wait3A_273 = tpu.memref_slice %arg6[%dma_wait3A_270, %dma_wait3A_271, %dma_wait3A_272] : memref<2x64x512xf32, #tpu.memory_space<vmem>> -> memref<1x64x512xf32, #tpu.memory_space<vmem>>
      %dma_wait3A_274 = tpu.memref_squeeze %dma_wait3A_273 : memref<1x64x512xf32, #tpu.memory_space<vmem>> -> memref<64x512xf32, #tpu.memory_space<vmem>>
      %dma_wait3A_275 = tpu.memref_slice %arg5[%dma_wait3A_269, %multiple_of3A] : memref<10x512xi32, #tpu.memory_space<vmem>> -> memref<1x64xi32, #tpu.memory_space<vmem>>
      %dma_wait3A_276 = tpu.memref_squeeze %dma_wait3A_275 : memref<1x64xi32, #tpu.memory_space<vmem>> -> memref<64xi32, #tpu.memory_space<vmem>>
      %dma_wait3A_277 = arith.constant 0 : i32
      %dma_wait3A_278 = arith.constant 0 : i32
      %dma_wait3A_279 = tpu.memref_slice %arg2[%dma_wait3A_277, %dma_wait3A_278] : memref<156x512xf32, #tpu.memory_space<hbm>> -> memref<156x512xf32, #tpu.memory_space<hbm>>
      tpu.wait_indirect_dma semaphore(%arg7 : memref<!tpu.dma_semaphore, #tpu.memory_space<semaphore_mem>>) src(%dma_wait3A_279 : memref<156x512xf32, #tpu.memory_space<hbm>>) dst(%dma_wait3A_274 : memref<64x512xf32, #tpu.memory_space<vmem>>)
      %add3A_280 = arith.constant 0 : i32
      %add3A_281 = arith.addi %add3A_280, %mul3A_2 : i32
      %add3A_282 = arith.addi %add3A_281, %multiple_of3A : i32
      %dma_start3A_283 = arith.constant 0 : i32
      %dma_start3A_284 = arith.constant 4 : i32
      %dma_start3A_285 = arith.constant 0 : i32
      %dma_start3A_286 = arith.constant 0 : i32
      %dma_start3A_287 = tpu.memref_slice %arg6[%dma_start3A_283, %dma_start3A_285, %dma_start3A_286] : memref<2x64x512xf32, #tpu.memory_space<vmem>> -> memref<1x64x512xf32, #tpu.memory_space<vmem>>
      %dma_start3A_288 = tpu.memref_squeeze %dma_start3A_287 : memref<1x64x512xf32, #tpu.memory_space<vmem>> -> memref<64x512xf32, #tpu.memory_space<vmem>>
      %dma_start3A_289 = arith.constant 0 : i32
      %dma_start3A_290 = tpu.memref_slice %arg4[%add3A_282, %dma_start3A_284, %dma_start3A_289] : memref<16384x10x512xf32, #tpu.memory_space<hbm>> -> memref<64x1x512xf32, #tpu.memory_space<hbm>>
      %dma_start3A_291 = tpu.memref_squeeze %dma_start3A_290 : memref<64x1x512xf32, #tpu.memory_space<hbm>> -> memref<64x512xf32, #tpu.memory_space<hbm>>
      %dma_start3A_292 = arith.constant 0 : i32
      %dma_start3A_293 = tpu.memref_slice %arg4[%add3A_282, %dma_start3A_284, %dma_start3A_292] : memref<16384x10x512xf32, #tpu.memory_space<hbm>> -> memref<64x1x512xf32, #tpu.memory_space<hbm>>
      %dma_start3A_294 = tpu.memref_squeeze %dma_start3A_293 : memref<64x1x512xf32, #tpu.memory_space<hbm>> -> memref<64x512xf32, #tpu.memory_space<hbm>>
      %dma_start3A_295 = arith.constant 0 : i32
      %dma_start3A_296 = arith.constant 0 : i32
      %dma_start3A_297 = tpu.memref_slice %arg6[%dma_start3A_283, %dma_start3A_295, %dma_start3A_296] : memref<2x64x512xf32, #tpu.memory_space<vmem>> -> memref<1x64x512xf32, #tpu.memory_space<vmem>>
      %dma_start3A_298 = tpu.memref_squeeze %dma_start3A_297 : memref<1x64x512xf32, #tpu.memory_space<vmem>> -> memref<64x512xf32, #tpu.memory_space<vmem>>
      tpu.enqueue_dma source(%dma_start3A_298 : memref<64x512xf32, #tpu.memory_space<vmem>>) target(%dma_start3A_294 : memref<64x512xf32, #tpu.memory_space<hbm>>) target_semaphore(%arg9 : memref<!tpu.dma_semaphore, #tpu.memory_space<semaphore_mem>>)
      %gt3A_299 = arith.constant 0 : i32
      %gt3A_300 = arith.cmpi sgt, %scan3A_43, %gt3A_299 : i32
      %or3A_301 = arith.constant true
      %or3A_302 = arith.ori %gt3A_300, %or3A_301 : i1
      %convert_element_type3A_303 = arith.extui %or3A_302 : i1 to i32
      %cond3A_304 = arith.constant 0 : i32
      %cond3A_305 = arith.cmpi ne, %convert_element_type3A_303, %cond3A_304 : i32
      scf.if %cond3A_305 {
        %dma_wait3A_521 = arith.constant 0 : i32
        %dma_wait3A_522 = arith.constant 0 : i32
        %dma_wait3A_523 = arith.constant 0 : i32
        %dma_wait3A_524 = arith.constant 0 : i32
        %dma_wait3A_525 = tpu.memref_slice %arg6[%dma_wait3A_521, %dma_wait3A_523, %dma_wait3A_524] : memref<2x64x512xf32, #tpu.memory_space<vmem>> -> memref<1x64x512xf32, #tpu.memory_space<vmem>>
        %dma_wait3A_526 = tpu.memref_squeeze %dma_wait3A_525 : memref<1x64x512xf32, #tpu.memory_space<vmem>> -> memref<64x512xf32, #tpu.memory_space<vmem>>
        %dma_wait3A_527 = arith.constant 0 : i32
        %dma_wait3A_528 = arith.constant 0 : i32
        %dma_wait3A_529 = tpu.memref_slice %arg4[%dma_wait3A_527, %dma_wait3A_522, %dma_wait3A_528] : memref<16384x10x512xf32, #tpu.memory_space<hbm>> -> memref<64x1x512xf32, #tpu.memory_space<hbm>>
        %dma_wait3A_530 = tpu.memref_squeeze %dma_wait3A_529 : memref<64x1x512xf32, #tpu.memory_space<hbm>> -> memref<64x512xf32, #tpu.memory_space<hbm>>
        %dma_wait3A_531 = arith.constant 0 : i32
        %dma_wait3A_532 = arith.constant 0 : i32
        %dma_wait3A_533 = tpu.memref_slice %arg4[%dma_wait3A_531, %dma_wait3A_522, %dma_wait3A_532] : memref<16384x10x512xf32, #tpu.memory_space<hbm>> -> memref<64x1x512xf32, #tpu.memory_space<hbm>>
        %dma_wait3A_534 = tpu.memref_squeeze %dma_wait3A_533 : memref<64x1x512xf32, #tpu.memory_space<hbm>> -> memref<64x512xf32, #tpu.memory_space<hbm>>
        %dma_wait3A_535 = arith.constant 0 : i32
        %dma_wait3A_536 = arith.constant 0 : i32
        %dma_wait3A_537 = tpu.memref_slice %arg6[%dma_wait3A_521, %dma_wait3A_535, %dma_wait3A_536] : memref<2x64x512xf32, #tpu.memory_space<vmem>> -> memref<1x64x512xf32, #tpu.memory_space<vmem>>
        %dma_wait3A_538 = tpu.memref_squeeze %dma_wait3A_537 : memref<1x64x512xf32, #tpu.memory_space<vmem>> -> memref<64x512xf32, #tpu.memory_space<vmem>>
        tpu.wait_dma2 semaphore(%arg9 : memref<!tpu.dma_semaphore, #tpu.memory_space<semaphore_mem>>) src(%dma_wait3A_538 : memref<64x512xf32, #tpu.memory_space<vmem>>) dst(%dma_wait3A_534 : memref<64x512xf32, #tpu.memory_space<hbm>>)
      } else {
      }
      %dma_start3A_306 = arith.constant 6 : i32
      %dma_start3A_307 = arith.constant 0 : i32
      %dma_start3A_308 = arith.constant 0 : i32
      %dma_start3A_309 = arith.constant 0 : i32
      %dma_start3A_310 = tpu.memref_slice %arg6[%dma_start3A_307, %dma_start3A_308, %dma_start3A_309] : memref<2x64x512xf32, #tpu.memory_space<vmem>> -> memref<1x64x512xf32, #tpu.memory_space<vmem>>
      %dma_start3A_311 = tpu.memref_squeeze %dma_start3A_310 : memref<1x64x512xf32, #tpu.memory_space<vmem>> -> memref<64x512xf32, #tpu.memory_space<vmem>>
      %dma_start3A_312 = tpu.memref_slice %arg5[%dma_start3A_306, %multiple_of3A] : memref<10x512xi32, #tpu.memory_space<vmem>> -> memref<1x64xi32, #tpu.memory_space<vmem>>
      %dma_start3A_313 = tpu.memref_squeeze %dma_start3A_312 : memref<1x64xi32, #tpu.memory_space<vmem>> -> memref<64xi32, #tpu.memory_space<vmem>>
      %dma_start3A_314 = arith.constant 0 : i32
      %dma_start3A_315 = arith.constant 0 : i32
      %dma_start3A_316 = tpu.memref_slice %arg2[%dma_start3A_314, %dma_start3A_315] : memref<156x512xf32, #tpu.memory_space<hbm>> -> memref<156x512xf32, #tpu.memory_space<hbm>>
      tpu.enqueue_indirect_dma source(%dma_start3A_316 : memref<156x512xf32, #tpu.memory_space<hbm>>) target(%dma_start3A_311 : memref<64x512xf32, #tpu.memory_space<vmem>>) offsets(%dma_start3A_313 : memref<64xi32, #tpu.memory_space<vmem>>) semaphore(%arg7 : memref<!tpu.dma_semaphore, #tpu.memory_space<semaphore_mem>>)
      %dma_wait3A_317 = arith.constant 5 : i32
      %dma_wait3A_318 = arith.constant 1 : i32
      %dma_wait3A_319 = arith.constant 0 : i32
      %dma_wait3A_320 = arith.constant 0 : i32
      %dma_wait3A_321 = tpu.memref_slice %arg6[%dma_wait3A_318, %dma_wait3A_319, %dma_wait3A_320] : memref<2x64x512xf32, #tpu.memory_space<vmem>> -> memref<1x64x512xf32, #tpu.memory_space<vmem>>
      %dma_wait3A_322 = tpu.memref_squeeze %dma_wait3A_321 : memref<1x64x512xf32, #tpu.memory_space<vmem>> -> memref<64x512xf32, #tpu.memory_space<vmem>>
      %dma_wait3A_323 = tpu.memref_slice %arg5[%dma_wait3A_317, %multiple_of3A] : memref<10x512xi32, #tpu.memory_space<vmem>> -> memref<1x64xi32, #tpu.memory_space<vmem>>
      %dma_wait3A_324 = tpu.memref_squeeze %dma_wait3A_323 : memref<1x64xi32, #tpu.memory_space<vmem>> -> memref<64xi32, #tpu.memory_space<vmem>>
      %dma_wait3A_325 = arith.constant 0 : i32
      %dma_wait3A_326 = arith.constant 0 : i32
      %dma_wait3A_327 = tpu.memref_slice %arg2[%dma_wait3A_325, %dma_wait3A_326] : memref<156x512xf32, #tpu.memory_space<hbm>> -> memref<156x512xf32, #tpu.memory_space<hbm>>
      tpu.wait_indirect_dma semaphore(%arg8 : memref<!tpu.dma_semaphore, #tpu.memory_space<semaphore_mem>>) src(%dma_wait3A_327 : memref<156x512xf32, #tpu.memory_space<hbm>>) dst(%dma_wait3A_322 : memref<64x512xf32, #tpu.memory_space<vmem>>)
      %add3A_328 = arith.constant 0 : i32
      %add3A_329 = arith.addi %add3A_328, %mul3A_2 : i32
      %add3A_330 = arith.addi %add3A_329, %multiple_of3A : i32
      %dma_start3A_331 = arith.constant 1 : i32
      %dma_start3A_332 = arith.constant 5 : i32
      %dma_start3A_333 = arith.constant 0 : i32
      %dma_start3A_334 = arith.constant 0 : i32
      %dma_start3A_335 = tpu.memref_slice %arg6[%dma_start3A_331, %dma_start3A_333, %dma_start3A_334] : memref<2x64x512xf32, #tpu.memory_space<vmem>> -> memref<1x64x512xf32, #tpu.memory_space<vmem>>
      %dma_start3A_336 = tpu.memref_squeeze %dma_start3A_335 : memref<1x64x512xf32, #tpu.memory_space<vmem>> -> memref<64x512xf32, #tpu.memory_space<vmem>>
      %dma_start3A_337 = arith.constant 0 : i32
      %dma_start3A_338 = tpu.memref_slice %arg4[%add3A_330, %dma_start3A_332, %dma_start3A_337] : memref<16384x10x512xf32, #tpu.memory_space<hbm>> -> memref<64x1x512xf32, #tpu.memory_space<hbm>>
      %dma_start3A_339 = tpu.memref_squeeze %dma_start3A_338 : memref<64x1x512xf32, #tpu.memory_space<hbm>> -> memref<64x512xf32, #tpu.memory_space<hbm>>
      %dma_start3A_340 = arith.constant 0 : i32
      %dma_start3A_341 = tpu.memref_slice %arg4[%add3A_330, %dma_start3A_332, %dma_start3A_340] : memref<16384x10x512xf32, #tpu.memory_space<hbm>> -> memref<64x1x512xf32, #tpu.memory_space<hbm>>
      %dma_start3A_342 = tpu.memref_squeeze %dma_start3A_341 : memref<64x1x512xf32, #tpu.memory_space<hbm>> -> memref<64x512xf32, #tpu.memory_space<hbm>>
      %dma_start3A_343 = arith.constant 0 : i32
      %dma_start3A_344 = arith.constant 0 : i32
      %dma_start3A_345 = tpu.memref_slice %arg6[%dma_start3A_331, %dma_start3A_343, %dma_start3A_344] : memref<2x64x512xf32, #tpu.memory_space<vmem>> -> memref<1x64x512xf32, #tpu.memory_space<vmem>>
      %dma_start3A_346 = tpu.memref_squeeze %dma_start3A_345 : memref<1x64x512xf32, #tpu.memory_space<vmem>> -> memref<64x512xf32, #tpu.memory_space<vmem>>
      tpu.enqueue_dma source(%dma_start3A_346 : memref<64x512xf32, #tpu.memory_space<vmem>>) target(%dma_start3A_342 : memref<64x512xf32, #tpu.memory_space<hbm>>) target_semaphore(%arg10 : memref<!tpu.dma_semaphore, #tpu.memory_space<semaphore_mem>>)
      %gt3A_347 = arith.constant 0 : i32
      %gt3A_348 = arith.cmpi sgt, %scan3A_43, %gt3A_347 : i32
      %or3A_349 = arith.constant true
      %or3A_350 = arith.ori %gt3A_348, %or3A_349 : i1
      %convert_element_type3A_351 = arith.extui %or3A_350 : i1 to i32
      %cond3A_352 = arith.constant 0 : i32
      %cond3A_353 = arith.cmpi ne, %convert_element_type3A_351, %cond3A_352 : i32
      scf.if %cond3A_353 {
        %dma_wait3A_521 = arith.constant 1 : i32
        %dma_wait3A_522 = arith.constant 0 : i32
        %dma_wait3A_523 = arith.constant 0 : i32
        %dma_wait3A_524 = arith.constant 0 : i32
        %dma_wait3A_525 = tpu.memref_slice %arg6[%dma_wait3A_521, %dma_wait3A_523, %dma_wait3A_524] : memref<2x64x512xf32, #tpu.memory_space<vmem>> -> memref<1x64x512xf32, #tpu.memory_space<vmem>>
        %dma_wait3A_526 = tpu.memref_squeeze %dma_wait3A_525 : memref<1x64x512xf32, #tpu.memory_space<vmem>> -> memref<64x512xf32, #tpu.memory_space<vmem>>
        %dma_wait3A_527 = arith.constant 0 : i32
        %dma_wait3A_528 = arith.constant 0 : i32
        %dma_wait3A_529 = tpu.memref_slice %arg4[%dma_wait3A_527, %dma_wait3A_522, %dma_wait3A_528] : memref<16384x10x512xf32, #tpu.memory_space<hbm>> -> memref<64x1x512xf32, #tpu.memory_space<hbm>>
        %dma_wait3A_530 = tpu.memref_squeeze %dma_wait3A_529 : memref<64x1x512xf32, #tpu.memory_space<hbm>> -> memref<64x512xf32, #tpu.memory_space<hbm>>
        %dma_wait3A_531 = arith.constant 0 : i32
        %dma_wait3A_532 = arith.constant 0 : i32
        %dma_wait3A_533 = tpu.memref_slice %arg4[%dma_wait3A_531, %dma_wait3A_522, %dma_wait3A_532] : memref<16384x10x512xf32, #tpu.memory_space<hbm>> -> memref<64x1x512xf32, #tpu.memory_space<hbm>>
        %dma_wait3A_534 = tpu.memref_squeeze %dma_wait3A_533 : memref<64x1x512xf32, #tpu.memory_space<hbm>> -> memref<64x512xf32, #tpu.memory_space<hbm>>
        %dma_wait3A_535 = arith.constant 0 : i32
        %dma_wait3A_536 = arith.constant 0 : i32
        %dma_wait3A_537 = tpu.memref_slice %arg6[%dma_wait3A_521, %dma_wait3A_535, %dma_wait3A_536] : memref<2x64x512xf32, #tpu.memory_space<vmem>> -> memref<1x64x512xf32, #tpu.memory_space<vmem>>
        %dma_wait3A_538 = tpu.memref_squeeze %dma_wait3A_537 : memref<1x64x512xf32, #tpu.memory_space<vmem>> -> memref<64x512xf32, #tpu.memory_space<vmem>>
        tpu.wait_dma2 semaphore(%arg10 : memref<!tpu.dma_semaphore, #tpu.memory_space<semaphore_mem>>) src(%dma_wait3A_538 : memref<64x512xf32, #tpu.memory_space<vmem>>) dst(%dma_wait3A_534 : memref<64x512xf32, #tpu.memory_space<hbm>>)
      } else {
      }
      %dma_start3A_354 = arith.constant 7 : i32
      %dma_start3A_355 = arith.constant 1 : i32
      %dma_start3A_356 = arith.constant 0 : i32
      %dma_start3A_357 = arith.constant 0 : i32
      %dma_start3A_358 = tpu.memref_slice %arg6[%dma_start3A_355, %dma_start3A_356, %dma_start3A_357] : memref<2x64x512xf32, #tpu.memory_space<vmem>> -> memref<1x64x512xf32, #tpu.memory_space<vmem>>
      %dma_start3A_359 = tpu.memref_squeeze %dma_start3A_358 : memref<1x64x512xf32, #tpu.memory_space<vmem>> -> memref<64x512xf32, #tpu.memory_space<vmem>>
      %dma_start3A_360 = tpu.memref_slice %arg5[%dma_start3A_354, %multiple_of3A] : memref<10x512xi32, #tpu.memory_space<vmem>> -> memref<1x64xi32, #tpu.memory_space<vmem>>
      %dma_start3A_361 = tpu.memref_squeeze %dma_start3A_360 : memref<1x64xi32, #tpu.memory_space<vmem>> -> memref<64xi32, #tpu.memory_space<vmem>>
      %dma_start3A_362 = arith.constant 0 : i32
      %dma_start3A_363 = arith.constant 0 : i32
      %dma_start3A_364 = tpu.memref_slice %arg2[%dma_start3A_362, %dma_start3A_363] : memref<156x512xf32, #tpu.memory_space<hbm>> -> memref<156x512xf32, #tpu.memory_space<hbm>>
      tpu.enqueue_indirect_dma source(%dma_start3A_364 : memref<156x512xf32, #tpu.memory_space<hbm>>) target(%dma_start3A_359 : memref<64x512xf32, #tpu.memory_space<vmem>>) offsets(%dma_start3A_361 : memref<64xi32, #tpu.memory_space<vmem>>) semaphore(%arg8 : memref<!tpu.dma_semaphore, #tpu.memory_space<semaphore_mem>>)
      %dma_wait3A_365 = arith.constant 6 : i32
      %dma_wait3A_366 = arith.constant 0 : i32
      %dma_wait3A_367 = arith.constant 0 : i32
      %dma_wait3A_368 = arith.constant 0 : i32
      %dma_wait3A_369 = tpu.memref_slice %arg6[%dma_wait3A_366, %dma_wait3A_367, %dma_wait3A_368] : memref<2x64x512xf32, #tpu.memory_space<vmem>> -> memref<1x64x512xf32, #tpu.memory_space<vmem>>
      %dma_wait3A_370 = tpu.memref_squeeze %dma_wait3A_369 : memref<1x64x512xf32, #tpu.memory_space<vmem>> -> memref<64x512xf32, #tpu.memory_space<vmem>>
      %dma_wait3A_371 = tpu.memref_slice %arg5[%dma_wait3A_365, %multiple_of3A] : memref<10x512xi32, #tpu.memory_space<vmem>> -> memref<1x64xi32, #tpu.memory_space<vmem>>
      %dma_wait3A_372 = tpu.memref_squeeze %dma_wait3A_371 : memref<1x64xi32, #tpu.memory_space<vmem>> -> memref<64xi32, #tpu.memory_space<vmem>>
      %dma_wait3A_373 = arith.constant 0 : i32
      %dma_wait3A_374 = arith.constant 0 : i32
      %dma_wait3A_375 = tpu.memref_slice %arg2[%dma_wait3A_373, %dma_wait3A_374] : memref<156x512xf32, #tpu.memory_space<hbm>> -> memref<156x512xf32, #tpu.memory_space<hbm>>
      tpu.wait_indirect_dma semaphore(%arg7 : memref<!tpu.dma_semaphore, #tpu.memory_space<semaphore_mem>>) src(%dma_wait3A_375 : memref<156x512xf32, #tpu.memory_space<hbm>>) dst(%dma_wait3A_370 : memref<64x512xf32, #tpu.memory_space<vmem>>)
      %add3A_376 = arith.constant 0 : i32
      %add3A_377 = arith.addi %add3A_376, %mul3A_2 : i32
      %add3A_378 = arith.addi %add3A_377, %multiple_of3A : i32
      %dma_start3A_379 = arith.constant 0 : i32
      %dma_start3A_380 = arith.constant 6 : i32
      %dma_start3A_381 = arith.constant 0 : i32
      %dma_start3A_382 = arith.constant 0 : i32
      %dma_start3A_383 = tpu.memref_slice %arg6[%dma_start3A_379, %dma_start3A_381, %dma_start3A_382] : memref<2x64x512xf32, #tpu.memory_space<vmem>> -> memref<1x64x512xf32, #tpu.memory_space<vmem>>
      %dma_start3A_384 = tpu.memref_squeeze %dma_start3A_383 : memref<1x64x512xf32, #tpu.memory_space<vmem>> -> memref<64x512xf32, #tpu.memory_space<vmem>>
      %dma_start3A_385 = arith.constant 0 : i32
      %dma_start3A_386 = tpu.memref_slice %arg4[%add3A_378, %dma_start3A_380, %dma_start3A_385] : memref<16384x10x512xf32, #tpu.memory_space<hbm>> -> memref<64x1x512xf32, #tpu.memory_space<hbm>>
      %dma_start3A_387 = tpu.memref_squeeze %dma_start3A_386 : memref<64x1x512xf32, #tpu.memory_space<hbm>> -> memref<64x512xf32, #tpu.memory_space<hbm>>
      %dma_start3A_388 = arith.constant 0 : i32
      %dma_start3A_389 = tpu.memref_slice %arg4[%add3A_378, %dma_start3A_380, %dma_start3A_388] : memref<16384x10x512xf32, #tpu.memory_space<hbm>> -> memref<64x1x512xf32, #tpu.memory_space<hbm>>
      %dma_start3A_390 = tpu.memref_squeeze %dma_start3A_389 : memref<64x1x512xf32, #tpu.memory_space<hbm>> -> memref<64x512xf32, #tpu.memory_space<hbm>>
      %dma_start3A_391 = arith.constant 0 : i32
      %dma_start3A_392 = arith.constant 0 : i32
      %dma_start3A_393 = tpu.memref_slice %arg6[%dma_start3A_379, %dma_start3A_391, %dma_start3A_392] : memref<2x64x512xf32, #tpu.memory_space<vmem>> -> memref<1x64x512xf32, #tpu.memory_space<vmem>>
      %dma_start3A_394 = tpu.memref_squeeze %dma_start3A_393 : memref<1x64x512xf32, #tpu.memory_space<vmem>> -> memref<64x512xf32, #tpu.memory_space<vmem>>
      tpu.enqueue_dma source(%dma_start3A_394 : memref<64x512xf32, #tpu.memory_space<vmem>>) target(%dma_start3A_390 : memref<64x512xf32, #tpu.memory_space<hbm>>) target_semaphore(%arg9 : memref<!tpu.dma_semaphore, #tpu.memory_space<semaphore_mem>>)
      %gt3A_395 = arith.constant 0 : i32
      %gt3A_396 = arith.cmpi sgt, %scan3A_43, %gt3A_395 : i32
      %or3A_397 = arith.constant true
      %or3A_398 = arith.ori %gt3A_396, %or3A_397 : i1
      %convert_element_type3A_399 = arith.extui %or3A_398 : i1 to i32
      %cond3A_400 = arith.constant 0 : i32
      %cond3A_401 = arith.cmpi ne, %convert_element_type3A_399, %cond3A_400 : i32
      scf.if %cond3A_401 {
        %dma_wait3A_521 = arith.constant 0 : i32
        %dma_wait3A_522 = arith.constant 0 : i32
        %dma_wait3A_523 = arith.constant 0 : i32
        %dma_wait3A_524 = arith.constant 0 : i32
        %dma_wait3A_525 = tpu.memref_slice %arg6[%dma_wait3A_521, %dma_wait3A_523, %dma_wait3A_524] : memref<2x64x512xf32, #tpu.memory_space<vmem>> -> memref<1x64x512xf32, #tpu.memory_space<vmem>>
        %dma_wait3A_526 = tpu.memref_squeeze %dma_wait3A_525 : memref<1x64x512xf32, #tpu.memory_space<vmem>> -> memref<64x512xf32, #tpu.memory_space<vmem>>
        %dma_wait3A_527 = arith.constant 0 : i32
        %dma_wait3A_528 = arith.constant 0 : i32
        %dma_wait3A_529 = tpu.memref_slice %arg4[%dma_wait3A_527, %dma_wait3A_522, %dma_wait3A_528] : memref<16384x10x512xf32, #tpu.memory_space<hbm>> -> memref<64x1x512xf32, #tpu.memory_space<hbm>>
        %dma_wait3A_530 = tpu.memref_squeeze %dma_wait3A_529 : memref<64x1x512xf32, #tpu.memory_space<hbm>> -> memref<64x512xf32, #tpu.memory_space<hbm>>
        %dma_wait3A_531 = arith.constant 0 : i32
        %dma_wait3A_532 = arith.constant 0 : i32
        %dma_wait3A_533 = tpu.memref_slice %arg4[%dma_wait3A_531, %dma_wait3A_522, %dma_wait3A_532] : memref<16384x10x512xf32, #tpu.memory_space<hbm>> -> memref<64x1x512xf32, #tpu.memory_space<hbm>>
        %dma_wait3A_534 = tpu.memref_squeeze %dma_wait3A_533 : memref<64x1x512xf32, #tpu.memory_space<hbm>> -> memref<64x512xf32, #tpu.memory_space<hbm>>
        %dma_wait3A_535 = arith.constant 0 : i32
        %dma_wait3A_536 = arith.constant 0 : i32
        %dma_wait3A_537 = tpu.memref_slice %arg6[%dma_wait3A_521, %dma_wait3A_535, %dma_wait3A_536] : memref<2x64x512xf32, #tpu.memory_space<vmem>> -> memref<1x64x512xf32, #tpu.memory_space<vmem>>
        %dma_wait3A_538 = tpu.memref_squeeze %dma_wait3A_537 : memref<1x64x512xf32, #tpu.memory_space<vmem>> -> memref<64x512xf32, #tpu.memory_space<vmem>>
        tpu.wait_dma2 semaphore(%arg9 : memref<!tpu.dma_semaphore, #tpu.memory_space<semaphore_mem>>) src(%dma_wait3A_538 : memref<64x512xf32, #tpu.memory_space<vmem>>) dst(%dma_wait3A_534 : memref<64x512xf32, #tpu.memory_space<hbm>>)
      } else {
      }
      %dma_start3A_402 = arith.constant 8 : i32
      %dma_start3A_403 = arith.constant 0 : i32
      %dma_start3A_404 = arith.constant 0 : i32
      %dma_start3A_405 = arith.constant 0 : i32
      %dma_start3A_406 = tpu.memref_slice %arg6[%dma_start3A_403, %dma_start3A_404, %dma_start3A_405] : memref<2x64x512xf32, #tpu.memory_space<vmem>> -> memref<1x64x512xf32, #tpu.memory_space<vmem>>
      %dma_start3A_407 = tpu.memref_squeeze %dma_start3A_406 : memref<1x64x512xf32, #tpu.memory_space<vmem>> -> memref<64x512xf32, #tpu.memory_space<vmem>>
      %dma_start3A_408 = tpu.memref_slice %arg5[%dma_start3A_402, %multiple_of3A] : memref<10x512xi32, #tpu.memory_space<vmem>> -> memref<1x64xi32, #tpu.memory_space<vmem>>
      %dma_start3A_409 = tpu.memref_squeeze %dma_start3A_408 : memref<1x64xi32, #tpu.memory_space<vmem>> -> memref<64xi32, #tpu.memory_space<vmem>>
      %dma_start3A_410 = arith.constant 0 : i32
      %dma_start3A_411 = arith.constant 0 : i32
      %dma_start3A_412 = tpu.memref_slice %arg2[%dma_start3A_410, %dma_start3A_411] : memref<156x512xf32, #tpu.memory_space<hbm>> -> memref<156x512xf32, #tpu.memory_space<hbm>>
      tpu.enqueue_indirect_dma source(%dma_start3A_412 : memref<156x512xf32, #tpu.memory_space<hbm>>) target(%dma_start3A_407 : memref<64x512xf32, #tpu.memory_space<vmem>>) offsets(%dma_start3A_409 : memref<64xi32, #tpu.memory_space<vmem>>) semaphore(%arg7 : memref<!tpu.dma_semaphore, #tpu.memory_space<semaphore_mem>>)
      %dma_wait3A_413 = arith.constant 7 : i32
      %dma_wait3A_414 = arith.constant 1 : i32
      %dma_wait3A_415 = arith.constant 0 : i32
      %dma_wait3A_416 = arith.constant 0 : i32
      %dma_wait3A_417 = tpu.memref_slice %arg6[%dma_wait3A_414, %dma_wait3A_415, %dma_wait3A_416] : memref<2x64x512xf32, #tpu.memory_space<vmem>> -> memref<1x64x512xf32, #tpu.memory_space<vmem>>
      %dma_wait3A_418 = tpu.memref_squeeze %dma_wait3A_417 : memref<1x64x512xf32, #tpu.memory_space<vmem>> -> memref<64x512xf32, #tpu.memory_space<vmem>>
      %dma_wait3A_419 = tpu.memref_slice %arg5[%dma_wait3A_413, %multiple_of3A] : memref<10x512xi32, #tpu.memory_space<vmem>> -> memref<1x64xi32, #tpu.memory_space<vmem>>
      %dma_wait3A_420 = tpu.memref_squeeze %dma_wait3A_419 : memref<1x64xi32, #tpu.memory_space<vmem>> -> memref<64xi32, #tpu.memory_space<vmem>>
      %dma_wait3A_421 = arith.constant 0 : i32
      %dma_wait3A_422 = arith.constant 0 : i32
      %dma_wait3A_423 = tpu.memref_slice %arg2[%dma_wait3A_421, %dma_wait3A_422] : memref<156x512xf32, #tpu.memory_space<hbm>> -> memref<156x512xf32, #tpu.memory_space<hbm>>
      tpu.wait_indirect_dma semaphore(%arg8 : memref<!tpu.dma_semaphore, #tpu.memory_space<semaphore_mem>>) src(%dma_wait3A_423 : memref<156x512xf32, #tpu.memory_space<hbm>>) dst(%dma_wait3A_418 : memref<64x512xf32, #tpu.memory_space<vmem>>)
      %add3A_424 = arith.constant 0 : i32
      %add3A_425 = arith.addi %add3A_424, %mul3A_2 : i32
      %add3A_426 = arith.addi %add3A_425, %multiple_of3A : i32
      %dma_start3A_427 = arith.constant 1 : i32
      %dma_start3A_428 = arith.constant 7 : i32
      %dma_start3A_429 = arith.constant 0 : i32
      %dma_start3A_430 = arith.constant 0 : i32
      %dma_start3A_431 = tpu.memref_slice %arg6[%dma_start3A_427, %dma_start3A_429, %dma_start3A_430] : memref<2x64x512xf32, #tpu.memory_space<vmem>> -> memref<1x64x512xf32, #tpu.memory_space<vmem>>
      %dma_start3A_432 = tpu.memref_squeeze %dma_start3A_431 : memref<1x64x512xf32, #tpu.memory_space<vmem>> -> memref<64x512xf32, #tpu.memory_space<vmem>>
      %dma_start3A_433 = arith.constant 0 : i32
      %dma_start3A_434 = tpu.memref_slice %arg4[%add3A_426, %dma_start3A_428, %dma_start3A_433] : memref<16384x10x512xf32, #tpu.memory_space<hbm>> -> memref<64x1x512xf32, #tpu.memory_space<hbm>>
      %dma_start3A_435 = tpu.memref_squeeze %dma_start3A_434 : memref<64x1x512xf32, #tpu.memory_space<hbm>> -> memref<64x512xf32, #tpu.memory_space<hbm>>
      %dma_start3A_436 = arith.constant 0 : i32
      %dma_start3A_437 = tpu.memref_slice %arg4[%add3A_426, %dma_start3A_428, %dma_start3A_436] : memref<16384x10x512xf32, #tpu.memory_space<hbm>> -> memref<64x1x512xf32, #tpu.memory_space<hbm>>
      %dma_start3A_438 = tpu.memref_squeeze %dma_start3A_437 : memref<64x1x512xf32, #tpu.memory_space<hbm>> -> memref<64x512xf32, #tpu.memory_space<hbm>>
      %dma_start3A_439 = arith.constant 0 : i32
      %dma_start3A_440 = arith.constant 0 : i32
      %dma_start3A_441 = tpu.memref_slice %arg6[%dma_start3A_427, %dma_start3A_439, %dma_start3A_440] : memref<2x64x512xf32, #tpu.memory_space<vmem>> -> memref<1x64x512xf32, #tpu.memory_space<vmem>>
      %dma_start3A_442 = tpu.memref_squeeze %dma_start3A_441 : memref<1x64x512xf32, #tpu.memory_space<vmem>> -> memref<64x512xf32, #tpu.memory_space<vmem>>
      tpu.enqueue_dma source(%dma_start3A_442 : memref<64x512xf32, #tpu.memory_space<vmem>>) target(%dma_start3A_438 : memref<64x512xf32, #tpu.memory_space<hbm>>) target_semaphore(%arg10 : memref<!tpu.dma_semaphore, #tpu.memory_space<semaphore_mem>>)
      %gt3A_443 = arith.constant 0 : i32
      %gt3A_444 = arith.cmpi sgt, %scan3A_43, %gt3A_443 : i32
      %or3A_445 = arith.constant true
      %or3A_446 = arith.ori %gt3A_444, %or3A_445 : i1
      %convert_element_type3A_447 = arith.extui %or3A_446 : i1 to i32
      %cond3A_448 = arith.constant 0 : i32
      %cond3A_449 = arith.cmpi ne, %convert_element_type3A_447, %cond3A_448 : i32
      scf.if %cond3A_449 {
        %dma_wait3A_521 = arith.constant 1 : i32
        %dma_wait3A_522 = arith.constant 0 : i32
        %dma_wait3A_523 = arith.constant 0 : i32
        %dma_wait3A_524 = arith.constant 0 : i32
        %dma_wait3A_525 = tpu.memref_slice %arg6[%dma_wait3A_521, %dma_wait3A_523, %dma_wait3A_524] : memref<2x64x512xf32, #tpu.memory_space<vmem>> -> memref<1x64x512xf32, #tpu.memory_space<vmem>>
        %dma_wait3A_526 = tpu.memref_squeeze %dma_wait3A_525 : memref<1x64x512xf32, #tpu.memory_space<vmem>> -> memref<64x512xf32, #tpu.memory_space<vmem>>
        %dma_wait3A_527 = arith.constant 0 : i32
        %dma_wait3A_528 = arith.constant 0 : i32
        %dma_wait3A_529 = tpu.memref_slice %arg4[%dma_wait3A_527, %dma_wait3A_522, %dma_wait3A_528] : memref<16384x10x512xf32, #tpu.memory_space<hbm>> -> memref<64x1x512xf32, #tpu.memory_space<hbm>>
        %dma_wait3A_530 = tpu.memref_squeeze %dma_wait3A_529 : memref<64x1x512xf32, #tpu.memory_space<hbm>> -> memref<64x512xf32, #tpu.memory_space<hbm>>
        %dma_wait3A_531 = arith.constant 0 : i32
        %dma_wait3A_532 = arith.constant 0 : i32
        %dma_wait3A_533 = tpu.memref_slice %arg4[%dma_wait3A_531, %dma_wait3A_522, %dma_wait3A_532] : memref<16384x10x512xf32, #tpu.memory_space<hbm>> -> memref<64x1x512xf32, #tpu.memory_space<hbm>>
        %dma_wait3A_534 = tpu.memref_squeeze %dma_wait3A_533 : memref<64x1x512xf32, #tpu.memory_space<hbm>> -> memref<64x512xf32, #tpu.memory_space<hbm>>
        %dma_wait3A_535 = arith.constant 0 : i32
        %dma_wait3A_536 = arith.constant 0 : i32
        %dma_wait3A_537 = tpu.memref_slice %arg6[%dma_wait3A_521, %dma_wait3A_535, %dma_wait3A_536] : memref<2x64x512xf32, #tpu.memory_space<vmem>> -> memref<1x64x512xf32, #tpu.memory_space<vmem>>
        %dma_wait3A_538 = tpu.memref_squeeze %dma_wait3A_537 : memref<1x64x512xf32, #tpu.memory_space<vmem>> -> memref<64x512xf32, #tpu.memory_space<vmem>>
        tpu.wait_dma2 semaphore(%arg10 : memref<!tpu.dma_semaphore, #tpu.memory_space<semaphore_mem>>) src(%dma_wait3A_538 : memref<64x512xf32, #tpu.memory_space<vmem>>) dst(%dma_wait3A_534 : memref<64x512xf32, #tpu.memory_space<hbm>>)
      } else {
      }
      %dma_start3A_450 = arith.constant 9 : i32
      %dma_start3A_451 = arith.constant 1 : i32
      %dma_start3A_452 = arith.constant 0 : i32
      %dma_start3A_453 = arith.constant 0 : i32
      %dma_start3A_454 = tpu.memref_slice %arg6[%dma_start3A_451, %dma_start3A_452, %dma_start3A_453] : memref<2x64x512xf32, #tpu.memory_space<vmem>> -> memref<1x64x512xf32, #tpu.memory_space<vmem>>
      %dma_start3A_455 = tpu.memref_squeeze %dma_start3A_454 : memref<1x64x512xf32, #tpu.memory_space<vmem>> -> memref<64x512xf32, #tpu.memory_space<vmem>>
      %dma_start3A_456 = tpu.memref_slice %arg5[%dma_start3A_450, %multiple_of3A] : memref<10x512xi32, #tpu.memory_space<vmem>> -> memref<1x64xi32, #tpu.memory_space<vmem>>
      %dma_start3A_457 = tpu.memref_squeeze %dma_start3A_456 : memref<1x64xi32, #tpu.memory_space<vmem>> -> memref<64xi32, #tpu.memory_space<vmem>>
      %dma_start3A_458 = arith.constant 0 : i32
      %dma_start3A_459 = arith.constant 0 : i32
      %dma_start3A_460 = tpu.memref_slice %arg2[%dma_start3A_458, %dma_start3A_459] : memref<156x512xf32, #tpu.memory_space<hbm>> -> memref<156x512xf32, #tpu.memory_space<hbm>>
      tpu.enqueue_indirect_dma source(%dma_start3A_460 : memref<156x512xf32, #tpu.memory_space<hbm>>) target(%dma_start3A_455 : memref<64x512xf32, #tpu.memory_space<vmem>>) offsets(%dma_start3A_457 : memref<64xi32, #tpu.memory_space<vmem>>) semaphore(%arg8 : memref<!tpu.dma_semaphore, #tpu.memory_space<semaphore_mem>>)
      %dma_wait3A_461 = arith.constant 8 : i32
      %dma_wait3A_462 = arith.constant 0 : i32
      %dma_wait3A_463 = arith.constant 0 : i32
      %dma_wait3A_464 = arith.constant 0 : i32
      %dma_wait3A_465 = tpu.memref_slice %arg6[%dma_wait3A_462, %dma_wait3A_463, %dma_wait3A_464] : memref<2x64x512xf32, #tpu.memory_space<vmem>> -> memref<1x64x512xf32, #tpu.memory_space<vmem>>
      %dma_wait3A_466 = tpu.memref_squeeze %dma_wait3A_465 : memref<1x64x512xf32, #tpu.memory_space<vmem>> -> memref<64x512xf32, #tpu.memory_space<vmem>>
      %dma_wait3A_467 = tpu.memref_slice %arg5[%dma_wait3A_461, %multiple_of3A] : memref<10x512xi32, #tpu.memory_space<vmem>> -> memref<1x64xi32, #tpu.memory_space<vmem>>
      %dma_wait3A_468 = tpu.memref_squeeze %dma_wait3A_467 : memref<1x64xi32, #tpu.memory_space<vmem>> -> memref<64xi32, #tpu.memory_space<vmem>>
      %dma_wait3A_469 = arith.constant 0 : i32
      %dma_wait3A_470 = arith.constant 0 : i32
      %dma_wait3A_471 = tpu.memref_slice %arg2[%dma_wait3A_469, %dma_wait3A_470] : memref<156x512xf32, #tpu.memory_space<hbm>> -> memref<156x512xf32, #tpu.memory_space<hbm>>
      tpu.wait_indirect_dma semaphore(%arg7 : memref<!tpu.dma_semaphore, #tpu.memory_space<semaphore_mem>>) src(%dma_wait3A_471 : memref<156x512xf32, #tpu.memory_space<hbm>>) dst(%dma_wait3A_466 : memref<64x512xf32, #tpu.memory_space<vmem>>)
      %add3A_472 = arith.constant 0 : i32
      %add3A_473 = arith.addi %add3A_472, %mul3A_2 : i32
      %add3A_474 = arith.addi %add3A_473, %multiple_of3A : i32
      %dma_start3A_475 = arith.constant 0 : i32
      %dma_start3A_476 = arith.constant 8 : i32
      %dma_start3A_477 = arith.constant 0 : i32
      %dma_start3A_478 = arith.constant 0 : i32
      %dma_start3A_479 = tpu.memref_slice %arg6[%dma_start3A_475, %dma_start3A_477, %dma_start3A_478] : memref<2x64x512xf32, #tpu.memory_space<vmem>> -> memref<1x64x512xf32, #tpu.memory_space<vmem>>
      %dma_start3A_480 = tpu.memref_squeeze %dma_start3A_479 : memref<1x64x512xf32, #tpu.memory_space<vmem>> -> memref<64x512xf32, #tpu.memory_space<vmem>>
      %dma_start3A_481 = arith.constant 0 : i32
      %dma_start3A_482 = tpu.memref_slice %arg4[%add3A_474, %dma_start3A_476, %dma_start3A_481] : memref<16384x10x512xf32, #tpu.memory_space<hbm>> -> memref<64x1x512xf32, #tpu.memory_space<hbm>>
      %dma_start3A_483 = tpu.memref_squeeze %dma_start3A_482 : memref<64x1x512xf32, #tpu.memory_space<hbm>> -> memref<64x512xf32, #tpu.memory_space<hbm>>
      %dma_start3A_484 = arith.constant 0 : i32
      %dma_start3A_485 = tpu.memref_slice %arg4[%add3A_474, %dma_start3A_476, %dma_start3A_484] : memref<16384x10x512xf32, #tpu.memory_space<hbm>> -> memref<64x1x512xf32, #tpu.memory_space<hbm>>
      %dma_start3A_486 = tpu.memref_squeeze %dma_start3A_485 : memref<64x1x512xf32, #tpu.memory_space<hbm>> -> memref<64x512xf32, #tpu.memory_space<hbm>>
      %dma_start3A_487 = arith.constant 0 : i32
      %dma_start3A_488 = arith.constant 0 : i32
      %dma_start3A_489 = tpu.memref_slice %arg6[%dma_start3A_475, %dma_start3A_487, %dma_start3A_488] : memref<2x64x512xf32, #tpu.memory_space<vmem>> -> memref<1x64x512xf32, #tpu.memory_space<vmem>>
      %dma_start3A_490 = tpu.memref_squeeze %dma_start3A_489 : memref<1x64x512xf32, #tpu.memory_space<vmem>> -> memref<64x512xf32, #tpu.memory_space<vmem>>
      tpu.enqueue_dma source(%dma_start3A_490 : memref<64x512xf32, #tpu.memory_space<vmem>>) target(%dma_start3A_486 : memref<64x512xf32, #tpu.memory_space<hbm>>) target_semaphore(%arg9 : memref<!tpu.dma_semaphore, #tpu.memory_space<semaphore_mem>>)
      %dma_wait3A_491 = arith.constant 9 : i32
      %dma_wait3A_492 = arith.constant 1 : i32
      %dma_wait3A_493 = arith.constant 0 : i32
      %dma_wait3A_494 = arith.constant 0 : i32
      %dma_wait3A_495 = tpu.memref_slice %arg6[%dma_wait3A_492, %dma_wait3A_493, %dma_wait3A_494] : memref<2x64x512xf32, #tpu.memory_space<vmem>> -> memref<1x64x512xf32, #tpu.memory_space<vmem>>
      %dma_wait3A_496 = tpu.memref_squeeze %dma_wait3A_495 : memref<1x64x512xf32, #tpu.memory_space<vmem>> -> memref<64x512xf32, #tpu.memory_space<vmem>>
      %dma_wait3A_497 = tpu.memref_slice %arg5[%dma_wait3A_491, %multiple_of3A] : memref<10x512xi32, #tpu.memory_space<vmem>> -> memref<1x64xi32, #tpu.memory_space<vmem>>
      %dma_wait3A_498 = tpu.memref_squeeze %dma_wait3A_497 : memref<1x64xi32, #tpu.memory_space<vmem>> -> memref<64xi32, #tpu.memory_space<vmem>>
      %dma_wait3A_499 = arith.constant 0 : i32
      %dma_wait3A_500 = arith.constant 0 : i32
      %dma_wait3A_501 = tpu.memref_slice %arg2[%dma_wait3A_499, %dma_wait3A_500] : memref<156x512xf32, #tpu.memory_space<hbm>> -> memref<156x512xf32, #tpu.memory_space<hbm>>
      tpu.wait_indirect_dma semaphore(%arg8 : memref<!tpu.dma_semaphore, #tpu.memory_space<semaphore_mem>>) src(%dma_wait3A_501 : memref<156x512xf32, #tpu.memory_space<hbm>>) dst(%dma_wait3A_496 : memref<64x512xf32, #tpu.memory_space<vmem>>)
      %add3A_502 = arith.constant 0 : i32
      %add3A_503 = arith.addi %add3A_502, %mul3A_2 : i32
      %add3A_504 = arith.addi %add3A_503, %multiple_of3A : i32
      %dma_start3A_505 = arith.constant 1 : i32
      %dma_start3A_506 = arith.constant 9 : i32
      %dma_start3A_507 = arith.constant 0 : i32
      %dma_start3A_508 = arith.constant 0 : i32
      %dma_start3A_509 = tpu.memref_slice %arg6[%dma_start3A_505, %dma_start3A_507, %dma_start3A_508] : memref<2x64x512xf32, #tpu.memory_space<vmem>> -> memref<1x64x512xf32, #tpu.memory_space<vmem>>
      %dma_start3A_510 = tpu.memref_squeeze %dma_start3A_509 : memref<1x64x512xf32, #tpu.memory_space<vmem>> -> memref<64x512xf32, #tpu.memory_space<vmem>>
      %dma_start3A_511 = arith.constant 0 : i32
      %dma_start3A_512 = tpu.memref_slice %arg4[%add3A_504, %dma_start3A_506, %dma_start3A_511] : memref<16384x10x512xf32, #tpu.memory_space<hbm>> -> memref<64x1x512xf32, #tpu.memory_space<hbm>>
      %dma_start3A_513 = tpu.memref_squeeze %dma_start3A_512 : memref<64x1x512xf32, #tpu.memory_space<hbm>> -> memref<64x512xf32, #tpu.memory_space<hbm>>
      %dma_start3A_514 = arith.constant 0 : i32
      %dma_start3A_515 = tpu.memref_slice %arg4[%add3A_504, %dma_start3A_506, %dma_start3A_514] : memref<16384x10x512xf32, #tpu.memory_space<hbm>> -> memref<64x1x512xf32, #tpu.memory_space<hbm>>
      %dma_start3A_516 = tpu.memref_squeeze %dma_start3A_515 : memref<64x1x512xf32, #tpu.memory_space<hbm>> -> memref<64x512xf32, #tpu.memory_space<hbm>>
      %dma_start3A_517 = arith.constant 0 : i32
      %dma_start3A_518 = arith.constant 0 : i32
      %dma_start3A_519 = tpu.memref_slice %arg6[%dma_start3A_505, %dma_start3A_517, %dma_start3A_518] : memref<2x64x512xf32, #tpu.memory_space<vmem>> -> memref<1x64x512xf32, #tpu.memory_space<vmem>>
      %dma_start3A_520 = tpu.memref_squeeze %dma_start3A_519 : memref<1x64x512xf32, #tpu.memory_space<vmem>> -> memref<64x512xf32, #tpu.memory_space<vmem>>
      tpu.enqueue_dma source(%dma_start3A_520 : memref<64x512xf32, #tpu.memory_space<vmem>>) target(%dma_start3A_516 : memref<64x512xf32, #tpu.memory_space<hbm>>) target_semaphore(%arg10 : memref<!tpu.dma_semaphore, #tpu.memory_space<semaphore_mem>>)
    }
    %scan3A_7 = arith.constant 8 : i32
    %dma_wait3A = arith.constant 0 : i32
    %dma_wait3A_8 = arith.constant 0 : i32
    %dma_wait3A_9 = arith.constant 0 : i32
    %dma_wait3A_10 = arith.constant 0 : i32
    %dma_wait3A_11 = tpu.memref_slice %arg6[%dma_wait3A, %dma_wait3A_9, %dma_wait3A_10] : memref<2x64x512xf32, #tpu.memory_space<vmem>> -> memref<1x64x512xf32, #tpu.memory_space<vmem>>
    %dma_wait3A_12 = tpu.memref_squeeze %dma_wait3A_11 : memref<1x64x512xf32, #tpu.memory_space<vmem>> -> memref<64x512xf32, #tpu.memory_space<vmem>>
    %dma_wait3A_13 = arith.constant 0 : i32
    %dma_wait3A_14 = arith.constant 0 : i32
    %dma_wait3A_15 = tpu.memref_slice %arg4[%dma_wait3A_13, %dma_wait3A_8, %dma_wait3A_14] : memref<16384x10x512xf32, #tpu.memory_space<hbm>> -> memref<64x1x512xf32, #tpu.memory_space<hbm>>
    %dma_wait3A_16 = tpu.memref_squeeze %dma_wait3A_15 : memref<64x1x512xf32, #tpu.memory_space<hbm>> -> memref<64x512xf32, #tpu.memory_space<hbm>>
    %dma_wait3A_17 = arith.constant 0 : i32
    %dma_wait3A_18 = arith.constant 0 : i32
    %dma_wait3A_19 = tpu.memref_slice %arg4[%dma_wait3A_17, %dma_wait3A_8, %dma_wait3A_18] : memref<16384x10x512xf32, #tpu.memory_space<hbm>> -> memref<64x1x512xf32, #tpu.memory_space<hbm>>
    %dma_wait3A_20 = tpu.memref_squeeze %dma_wait3A_19 : memref<64x1x512xf32, #tpu.memory_space<hbm>> -> memref<64x512xf32, #tpu.memory_space<hbm>>
    %dma_wait3A_21 = arith.constant 0 : i32
    %dma_wait3A_22 = arith.constant 0 : i32
    %dma_wait3A_23 = tpu.memref_slice %arg6[%dma_wait3A, %dma_wait3A_21, %dma_wait3A_22] : memref<2x64x512xf32, #tpu.memory_space<vmem>> -> memref<1x64x512xf32, #tpu.memory_space<vmem>>
    %dma_wait3A_24 = tpu.memref_squeeze %dma_wait3A_23 : memref<1x64x512xf32, #tpu.memory_space<vmem>> -> memref<64x512xf32, #tpu.memory_space<vmem>>
    tpu.wait_dma2 semaphore(%arg9 : memref<!tpu.dma_semaphore, #tpu.memory_space<semaphore_mem>>) src(%dma_wait3A_24 : memref<64x512xf32, #tpu.memory_space<vmem>>) dst(%dma_wait3A_20 : memref<64x512xf32, #tpu.memory_space<hbm>>)
    %dma_wait3A_25 = arith.constant 1 : i32
    %dma_wait3A_26 = arith.constant 0 : i32
    %dma_wait3A_27 = arith.constant 0 : i32
    %dma_wait3A_28 = arith.constant 0 : i32
    %dma_wait3A_29 = tpu.memref_slice %arg6[%dma_wait3A_25, %dma_wait3A_27, %dma_wait3A_28] : memref<2x64x512xf32, #tpu.memory_space<vmem>> -> memref<1x64x512xf32, #tpu.memory_space<vmem>>
    %dma_wait3A_30 = tpu.memref_squeeze %dma_wait3A_29 : memref<1x64x512xf32, #tpu.memory_space<vmem>> -> memref<64x512xf32, #tpu.memory_space<vmem>>
    %dma_wait3A_31 = arith.constant 0 : i32
    %dma_wait3A_32 = arith.constant 0 : i32
    %dma_wait3A_33 = tpu.memref_slice %arg4[%dma_wait3A_31, %dma_wait3A_26, %dma_wait3A_32] : memref<16384x10x512xf32, #tpu.memory_space<hbm>> -> memref<64x1x512xf32, #tpu.memory_space<hbm>>
    %dma_wait3A_34 = tpu.memref_squeeze %dma_wait3A_33 : memref<64x1x512xf32, #tpu.memory_space<hbm>> -> memref<64x512xf32, #tpu.memory_space<hbm>>
    %dma_wait3A_35 = arith.constant 0 : i32
    %dma_wait3A_36 = arith.constant 0 : i32
    %dma_wait3A_37 = tpu.memref_slice %arg4[%dma_wait3A_35, %dma_wait3A_26, %dma_wait3A_36] : memref<16384x10x512xf32, #tpu.memory_space<hbm>> -> memref<64x1x512xf32, #tpu.memory_space<hbm>>
    %dma_wait3A_38 = tpu.memref_squeeze %dma_wait3A_37 : memref<64x1x512xf32, #tpu.memory_space<hbm>> -> memref<64x512xf32, #tpu.memory_space<hbm>>
    %dma_wait3A_39 = arith.constant 0 : i32
    %dma_wait3A_40 = arith.constant 0 : i32
    %dma_wait3A_41 = tpu.memref_slice %arg6[%dma_wait3A_25, %dma_wait3A_39, %dma_wait3A_40] : memref<2x64x512xf32, #tpu.memory_space<vmem>> -> memref<1x64x512xf32, #tpu.memory_space<vmem>>
    %dma_wait3A_42 = tpu.memref_squeeze %dma_wait3A_41 : memref<1x64x512xf32, #tpu.memory_space<vmem>> -> memref<64x512xf32, #tpu.memory_space<vmem>>
    tpu.wait_dma2 semaphore(%arg10 : memref<!tpu.dma_semaphore, #tpu.memory_space<semaphore_mem>>) src(%dma_wait3A_42 : memref<64x512xf32, #tpu.memory_space<vmem>>) dst(%dma_wait3A_38 : memref<64x512xf32, #tpu.memory_space<hbm>>)
    return
  }
}

module attributes {stable_mosaic.version = 14 : i64} {
  func.func @_tc_head_body(%arg0: i32, %arg1: memref<256x512xf32, #tpu.memory_space<vmem>>, %arg2: memref<512x156xf32, #tpu.memory_space<vmem>>, %arg3: memref<1x156xf32, #tpu.memory_space<vmem>>, %arg4: memref<256x156xf32, #tpu.memory_space<vmem>>, %arg5: memref<256x10xi32, #tpu.memory_space<vmem>>) attributes {dimension_semantics = [#tpu.dimension_semantics<arbitrary>], iteration_bounds = array<i64: 64>, scalar_prefetch = 0 : i64, scratch_operands = 0 : i64, tpu.core_type = #tpu.core_type<tc>, window_params = [{transform_indices = @transform_0, window_bounds = array<i64: 256, 512>}, {pipeline_mode = #tpu.pipeline_mode<synchronous>, transform_indices = @transform_1, window_bounds = array<i64: 512, 156>}, {pipeline_mode = #tpu.pipeline_mode<synchronous>, transform_indices = @transform_2, window_bounds = array<i64: 1, 156>}, {transform_indices = @transform_3, window_bounds = array<i64: 256, 156>}, {transform_indices = @transform_4, window_bounds = array<i64: 256, 10>}]} {
    %get3A = arith.constant 0 : index
    %get3A_0 = arith.constant 0 : index
    %get3A_1 = vector.load %arg1[%get3A, %get3A_0] : memref<256x512xf32, #tpu.memory_space<vmem>>, vector<256x512xf32>
    %get3A_2 = arith.constant 0 : index
    %get3A_3 = arith.constant 0 : index
    %get3A_4 = vector.load %arg2[%get3A_2, %get3A_3] : memref<512x156xf32, #tpu.memory_space<vmem>>, vector<512x156xf32>
    %dot_general3A = arith.constant dense<0.000000e+00> : vector<256x156xf32>
    %dot_general3A_5 = tpu.matmul %get3A_1, %get3A_4, %dot_general3A {dimension_numbers = #tpu.dot_dimension_numbers<[1], [0], [0], [1], [0, 0, 1, 1], [], []>, transpose_lhs_hint = false} : vector<256x512xf32>, vector<512x156xf32>, vector<256x156xf32> -> vector<256x156xf32>
    %get3A_6 = arith.constant 0 : index
    %get3A_7 = arith.constant 0 : index
    %get3A_8 = vector.load %arg3[%get3A_6, %get3A_7] : memref<1x156xf32, #tpu.memory_space<vmem>>, vector<1x156xf32>
    %add3A = vector.broadcast %get3A_8 : vector<1x156xf32> to vector<256x156xf32>
    %add3A_9 = arith.addf %dot_general3A_5, %add3A : vector<256x156xf32>
    %reduce_max3A = arith.constant dense<0xFF800000> : vector<256xf32>
    %reduce_max3A_10 = vector.multi_reduction <maximumf>, %add3A_9, %reduce_max3A [1] : vector<256x156xf32> to vector<256xf32>
    %broadcast_in_dim3A = vector.shape_cast %reduce_max3A_10 : vector<256xf32> to vector<256x1xf32>
    %sub3A = vector.broadcast %broadcast_in_dim3A : vector<256x1xf32> to vector<256x156xf32>
    %sub3A_11 = arith.subf %add3A_9, %sub3A : vector<256x156xf32>
    %exp3A = math.exp %sub3A_11 : vector<256x156xf32>
    %reduce_sum3A = arith.constant dense<0.000000e+00> : vector<256xf32>
    %reduce_sum3A_12 = vector.multi_reduction <add>, %exp3A, %reduce_sum3A [1] : vector<256x156xf32> to vector<256xf32>
    %broadcast_in_dim3A_13 = vector.shape_cast %reduce_sum3A_12 : vector<256xf32> to vector<256x1xf32>
    %div3A = vector.broadcast %broadcast_in_dim3A_13 : vector<256x1xf32> to vector<256x156xf32>
    %div3A_14 = arith.divf %exp3A, %div3A : vector<256x156xf32>
    %swap3A = arith.constant 0 : index
    %swap3A_15 = arith.constant 0 : index
    %swap3A_16 = vector.load %arg4[%swap3A, %swap3A_15] : memref<256x156xf32, #tpu.memory_space<vmem>>, vector<256x156xf32>
    tpu.vector_store %arg4[%swap3A, %swap3A_15], %div3A_14 {strides = array<i32>} : memref<256x156xf32, #tpu.memory_space<vmem>>, vector<256x156xf32>,
    %iota3A = tpu.iota {dimensions = array<i32: 1>} : vector<256x156xi32>
    %reduce_max3A_17 = arith.constant dense<0xFF800000> : vector<256xf32>
    %reduce_max3A_18 = vector.multi_reduction <maximumf>, %add3A_9, %reduce_max3A_17 [1] : vector<256x156xf32> to vector<256xf32>
    %broadcast_in_dim3A_19 = vector.shape_cast %reduce_max3A_18 : vector<256xf32> to vector<256x1xf32>
    %eq3A = vector.broadcast %broadcast_in_dim3A_19 : vector<256x1xf32> to vector<256x156xf32>
    %eq3A_20 = arith.cmpf oeq, %add3A_9, %eq3A : vector<256x156xf32>
    %jit3A = arith.constant 156 : i32
    %broadcast_in_dim3A_21 = vector.broadcast %jit3A : i32 to vector<256x156xi32>
    %select_n3A = arith.select %eq3A_20, %iota3A, %broadcast_in_dim3A_21 : vector<256x156xi1>, vector<256x156xi32>
    %reduce_min3A = arith.constant dense<2147483647> : vector<256xi32>
    %reduce_min3A_22 = vector.multi_reduction <minsi>, %select_n3A, %reduce_min3A [1] : vector<256x156xi32> to vector<256xi32>
    %broadcast_in_dim3A_23 = vector.shape_cast %reduce_min3A_22 : vector<256xi32> to vector<256x1xi32>
    %swap3A_24 = arith.constant 0 : index
    %swap3A_25 = arith.constant 0 : index
    %swap3A_26 = vector.load %arg5[%swap3A_24, %swap3A_25] : memref<256x10xi32, #tpu.memory_space<vmem>>, vector<256x1xi32>
    tpu.vector_store %arg5[%swap3A_24, %swap3A_25], %broadcast_in_dim3A_23 {strides = array<i32>} : memref<256x10xi32, #tpu.memory_space<vmem>>, vector<256x1xi32>,
    %eq3A_27 = vector.broadcast %broadcast_in_dim3A_23 : vector<256x1xi32> to vector<256x156xi32>
    %eq3A_28 = arith.cmpi eq, %iota3A, %eq3A_27 : vector<256x156xi32>
    %jit3A_29 = arith.constant 0xFF800000 : f32
    %broadcast_in_dim3A_30 = vector.broadcast %jit3A_29 : f32 to vector<256x156xf32>
    %select_n3A_31 = arith.select %eq3A_28, %broadcast_in_dim3A_30, %add3A_9 : vector<256x156xi1>, vector<256x156xf32>
    %reduce_max3A_32 = arith.constant dense<0xFF800000> : vector<256xf32>
    %reduce_max3A_33 = vector.multi_reduction <maximumf>, %select_n3A_31, %reduce_max3A_32 [1] : vector<256x156xf32> to vector<256xf32>
    %broadcast_in_dim3A_34 = vector.shape_cast %reduce_max3A_33 : vector<256xf32> to vector<256x1xf32>
    %eq3A_35 = vector.broadcast %broadcast_in_dim3A_34 : vector<256x1xf32> to vector<256x156xf32>
    %eq3A_36 = arith.cmpf oeq, %select_n3A_31, %eq3A_35 : vector<256x156xf32>
    %jit3A_37 = arith.constant 156 : i32
    %broadcast_in_dim3A_38 = vector.broadcast %jit3A_37 : i32 to vector<256x156xi32>
    %select_n3A_39 = arith.select %eq3A_36, %iota3A, %broadcast_in_dim3A_38 : vector<256x156xi1>, vector<256x156xi32>
    %reduce_min3A_40 = arith.constant dense<2147483647> : vector<256xi32>
    %reduce_min3A_41 = vector.multi_reduction <minsi>, %select_n3A_39, %reduce_min3A_40 [1] : vector<256x156xi32> to vector<256xi32>
    %broadcast_in_dim3A_42 = vector.shape_cast %reduce_min3A_41 : vector<256xi32> to vector<256x1xi32>
    %swap3A_43 = arith.constant 0 : index
    %swap3A_44 = arith.constant 1 : index
    %swap3A_45 = vector.load %arg5[%swap3A_43, %swap3A_44] : memref<256x10xi32, #tpu.memory_space<vmem>>, vector<256x1xi32>
    tpu.vector_store %arg5[%swap3A_43, %swap3A_44], %broadcast_in_dim3A_42 {strides = array<i32>} : memref<256x10xi32, #tpu.memory_space<vmem>>, vector<256x1xi32>,
    %eq3A_46 = vector.broadcast %broadcast_in_dim3A_42 : vector<256x1xi32> to vector<256x156xi32>
    %eq3A_47 = arith.cmpi eq, %iota3A, %eq3A_46 : vector<256x156xi32>
    %jit3A_48 = arith.constant 0xFF800000 : f32
    %broadcast_in_dim3A_49 = vector.broadcast %jit3A_48 : f32 to vector<256x156xf32>
    %select_n3A_50 = arith.select %eq3A_47, %broadcast_in_dim3A_49, %select_n3A_31 : vector<256x156xi1>, vector<256x156xf32>
    %reduce_max3A_51 = arith.constant dense<0xFF800000> : vector<256xf32>
    %reduce_max3A_52 = vector.multi_reduction <maximumf>, %select_n3A_50, %reduce_max3A_51 [1] : vector<256x156xf32> to vector<256xf32>
    %broadcast_in_dim3A_53 = vector.shape_cast %reduce_max3A_52 : vector<256xf32> to vector<256x1xf32>
    %eq3A_54 = vector.broadcast %broadcast_in_dim3A_53 : vector<256x1xf32> to vector<256x156xf32>
    %eq3A_55 = arith.cmpf oeq, %select_n3A_50, %eq3A_54 : vector<256x156xf32>
    %jit3A_56 = arith.constant 156 : i32
    %broadcast_in_dim3A_57 = vector.broadcast %jit3A_56 : i32 to vector<256x156xi32>
    %select_n3A_58 = arith.select %eq3A_55, %iota3A, %broadcast_in_dim3A_57 : vector<256x156xi1>, vector<256x156xi32>
    %reduce_min3A_59 = arith.constant dense<2147483647> : vector<256xi32>
    %reduce_min3A_60 = vector.multi_reduction <minsi>, %select_n3A_58, %reduce_min3A_59 [1] : vector<256x156xi32> to vector<256xi32>
    %broadcast_in_dim3A_61 = vector.shape_cast %reduce_min3A_60 : vector<256xi32> to vector<256x1xi32>
    %swap3A_62 = arith.constant 0 : index
    %swap3A_63 = arith.constant 2 : index
    %swap3A_64 = vector.load %arg5[%swap3A_62, %swap3A_63] : memref<256x10xi32, #tpu.memory_space<vmem>>, vector<256x1xi32>
    tpu.vector_store %arg5[%swap3A_62, %swap3A_63], %broadcast_in_dim3A_61 {strides = array<i32>} : memref<256x10xi32, #tpu.memory_space<vmem>>, vector<256x1xi32>,
    %eq3A_65 = vector.broadcast %broadcast_in_dim3A_61 : vector<256x1xi32> to vector<256x156xi32>
    %eq3A_66 = arith.cmpi eq, %iota3A, %eq3A_65 : vector<256x156xi32>
    %jit3A_67 = arith.constant 0xFF800000 : f32
    %broadcast_in_dim3A_68 = vector.broadcast %jit3A_67 : f32 to vector<256x156xf32>
    %select_n3A_69 = arith.select %eq3A_66, %broadcast_in_dim3A_68, %select_n3A_50 : vector<256x156xi1>, vector<256x156xf32>
    %reduce_max3A_70 = arith.constant dense<0xFF800000> : vector<256xf32>
    %reduce_max3A_71 = vector.multi_reduction <maximumf>, %select_n3A_69, %reduce_max3A_70 [1] : vector<256x156xf32> to vector<256xf32>
    %broadcast_in_dim3A_72 = vector.shape_cast %reduce_max3A_71 : vector<256xf32> to vector<256x1xf32>
    %eq3A_73 = vector.broadcast %broadcast_in_dim3A_72 : vector<256x1xf32> to vector<256x156xf32>
    %eq3A_74 = arith.cmpf oeq, %select_n3A_69, %eq3A_73 : vector<256x156xf32>
    %jit3A_75 = arith.constant 156 : i32
    %broadcast_in_dim3A_76 = vector.broadcast %jit3A_75 : i32 to vector<256x156xi32>
    %select_n3A_77 = arith.select %eq3A_74, %iota3A, %broadcast_in_dim3A_76 : vector<256x156xi1>, vector<256x156xi32>
    %reduce_min3A_78 = arith.constant dense<2147483647> : vector<256xi32>
    %reduce_min3A_79 = vector.multi_reduction <minsi>, %select_n3A_77, %reduce_min3A_78 [1] : vector<256x156xi32> to vector<256xi32>
    %broadcast_in_dim3A_80 = vector.shape_cast %reduce_min3A_79 : vector<256xi32> to vector<256x1xi32>
    %swap3A_81 = arith.constant 0 : index
    %swap3A_82 = arith.constant 3 : index
    %swap3A_83 = vector.load %arg5[%swap3A_81, %swap3A_82] : memref<256x10xi32, #tpu.memory_space<vmem>>, vector<256x1xi32>
    tpu.vector_store %arg5[%swap3A_81, %swap3A_82], %broadcast_in_dim3A_80 {strides = array<i32>} : memref<256x10xi32, #tpu.memory_space<vmem>>, vector<256x1xi32>,
    %eq3A_84 = vector.broadcast %broadcast_in_dim3A_80 : vector<256x1xi32> to vector<256x156xi32>
    %eq3A_85 = arith.cmpi eq, %iota3A, %eq3A_84 : vector<256x156xi32>
    %jit3A_86 = arith.constant 0xFF800000 : f32
    %broadcast_in_dim3A_87 = vector.broadcast %jit3A_86 : f32 to vector<256x156xf32>
    %select_n3A_88 = arith.select %eq3A_85, %broadcast_in_dim3A_87, %select_n3A_69 : vector<256x156xi1>, vector<256x156xf32>
    %reduce_max3A_89 = arith.constant dense<0xFF800000> : vector<256xf32>
    %reduce_max3A_90 = vector.multi_reduction <maximumf>, %select_n3A_88, %reduce_max3A_89 [1] : vector<256x156xf32> to vector<256xf32>
    %broadcast_in_dim3A_91 = vector.shape_cast %reduce_max3A_90 : vector<256xf32> to vector<256x1xf32>
    %eq3A_92 = vector.broadcast %broadcast_in_dim3A_91 : vector<256x1xf32> to vector<256x156xf32>
    %eq3A_93 = arith.cmpf oeq, %select_n3A_88, %eq3A_92 : vector<256x156xf32>
    %jit3A_94 = arith.constant 156 : i32
    %broadcast_in_dim3A_95 = vector.broadcast %jit3A_94 : i32 to vector<256x156xi32>
    %select_n3A_96 = arith.select %eq3A_93, %iota3A, %broadcast_in_dim3A_95 : vector<256x156xi1>, vector<256x156xi32>
    %reduce_min3A_97 = arith.constant dense<2147483647> : vector<256xi32>
    %reduce_min3A_98 = vector.multi_reduction <minsi>, %select_n3A_96, %reduce_min3A_97 [1] : vector<256x156xi32> to vector<256xi32>
    %broadcast_in_dim3A_99 = vector.shape_cast %reduce_min3A_98 : vector<256xi32> to vector<256x1xi32>
    %swap3A_100 = arith.constant 0 : index
    %swap3A_101 = arith.constant 4 : index
    %swap3A_102 = vector.load %arg5[%swap3A_100, %swap3A_101] : memref<256x10xi32, #tpu.memory_space<vmem>>, vector<256x1xi32>
    tpu.vector_store %arg5[%swap3A_100, %swap3A_101], %broadcast_in_dim3A_99 {strides = array<i32>} : memref<256x10xi32, #tpu.memory_space<vmem>>, vector<256x1xi32>,
    %eq3A_103 = vector.broadcast %broadcast_in_dim3A_99 : vector<256x1xi32> to vector<256x156xi32>
    %eq3A_104 = arith.cmpi eq, %iota3A, %eq3A_103 : vector<256x156xi32>
    %jit3A_105 = arith.constant 0xFF800000 : f32
    %broadcast_in_dim3A_106 = vector.broadcast %jit3A_105 : f32 to vector<256x156xf32>
    %select_n3A_107 = arith.select %eq3A_104, %broadcast_in_dim3A_106, %select_n3A_88 : vector<256x156xi1>, vector<256x156xf32>
    %reduce_max3A_108 = arith.constant dense<0xFF800000> : vector<256xf32>
    %reduce_max3A_109 = vector.multi_reduction <maximumf>, %select_n3A_107, %reduce_max3A_108 [1] : vector<256x156xf32> to vector<256xf32>
    %broadcast_in_dim3A_110 = vector.shape_cast %reduce_max3A_109 : vector<256xf32> to vector<256x1xf32>
    %eq3A_111 = vector.broadcast %broadcast_in_dim3A_110 : vector<256x1xf32> to vector<256x156xf32>
    %eq3A_112 = arith.cmpf oeq, %select_n3A_107, %eq3A_111 : vector<256x156xf32>
    %jit3A_113 = arith.constant 156 : i32
    %broadcast_in_dim3A_114 = vector.broadcast %jit3A_113 : i32 to vector<256x156xi32>
    %select_n3A_115 = arith.select %eq3A_112, %iota3A, %broadcast_in_dim3A_114 : vector<256x156xi1>, vector<256x156xi32>
    %reduce_min3A_116 = arith.constant dense<2147483647> : vector<256xi32>
    %reduce_min3A_117 = vector.multi_reduction <minsi>, %select_n3A_115, %reduce_min3A_116 [1] : vector<256x156xi32> to vector<256xi32>
    %broadcast_in_dim3A_118 = vector.shape_cast %reduce_min3A_117 : vector<256xi32> to vector<256x1xi32>
    %swap3A_119 = arith.constant 0 : index
    %swap3A_120 = arith.constant 5 : index
    %swap3A_121 = vector.load %arg5[%swap3A_119, %swap3A_120] : memref<256x10xi32, #tpu.memory_space<vmem>>, vector<256x1xi32>
    tpu.vector_store %arg5[%swap3A_119, %swap3A_120], %broadcast_in_dim3A_118 {strides = array<i32>} : memref<256x10xi32, #tpu.memory_space<vmem>>, vector<256x1xi32>,
    %eq3A_122 = vector.broadcast %broadcast_in_dim3A_118 : vector<256x1xi32> to vector<256x156xi32>
    %eq3A_123 = arith.cmpi eq, %iota3A, %eq3A_122 : vector<256x156xi32>
    %jit3A_124 = arith.constant 0xFF800000 : f32
    %broadcast_in_dim3A_125 = vector.broadcast %jit3A_124 : f32 to vector<256x156xf32>
    %select_n3A_126 = arith.select %eq3A_123, %broadcast_in_dim3A_125, %select_n3A_107 : vector<256x156xi1>, vector<256x156xf32>
    %reduce_max3A_127 = arith.constant dense<0xFF800000> : vector<256xf32>
    %reduce_max3A_128 = vector.multi_reduction <maximumf>, %select_n3A_126, %reduce_max3A_127 [1] : vector<256x156xf32> to vector<256xf32>
    %broadcast_in_dim3A_129 = vector.shape_cast %reduce_max3A_128 : vector<256xf32> to vector<256x1xf32>
    %eq3A_130 = vector.broadcast %broadcast_in_dim3A_129 : vector<256x1xf32> to vector<256x156xf32>
    %eq3A_131 = arith.cmpf oeq, %select_n3A_126, %eq3A_130 : vector<256x156xf32>
    %jit3A_132 = arith.constant 156 : i32
    %broadcast_in_dim3A_133 = vector.broadcast %jit3A_132 : i32 to vector<256x156xi32>
    %select_n3A_134 = arith.select %eq3A_131, %iota3A, %broadcast_in_dim3A_133 : vector<256x156xi1>, vector<256x156xi32>
    %reduce_min3A_135 = arith.constant dense<2147483647> : vector<256xi32>
    %reduce_min3A_136 = vector.multi_reduction <minsi>, %select_n3A_134, %reduce_min3A_135 [1] : vector<256x156xi32> to vector<256xi32>
    %broadcast_in_dim3A_137 = vector.shape_cast %reduce_min3A_136 : vector<256xi32> to vector<256x1xi32>
    %swap3A_138 = arith.constant 0 : index
    %swap3A_139 = arith.constant 6 : index
    %swap3A_140 = vector.load %arg5[%swap3A_138, %swap3A_139] : memref<256x10xi32, #tpu.memory_space<vmem>>, vector<256x1xi32>
    tpu.vector_store %arg5[%swap3A_138, %swap3A_139], %broadcast_in_dim3A_137 {strides = array<i32>} : memref<256x10xi32, #tpu.memory_space<vmem>>, vector<256x1xi32>,
    %eq3A_141 = vector.broadcast %broadcast_in_dim3A_137 : vector<256x1xi32> to vector<256x156xi32>
    %eq3A_142 = arith.cmpi eq, %iota3A, %eq3A_141 : vector<256x156xi32>
    %jit3A_143 = arith.constant 0xFF800000 : f32
    %broadcast_in_dim3A_144 = vector.broadcast %jit3A_143 : f32 to vector<256x156xf32>
    %select_n3A_145 = arith.select %eq3A_142, %broadcast_in_dim3A_144, %select_n3A_126 : vector<256x156xi1>, vector<256x156xf32>
    %reduce_max3A_146 = arith.constant dense<0xFF800000> : vector<256xf32>
    %reduce_max3A_147 = vector.multi_reduction <maximumf>, %select_n3A_145, %reduce_max3A_146 [1] : vector<256x156xf32> to vector<256xf32>
    %broadcast_in_dim3A_148 = vector.shape_cast %reduce_max3A_147 : vector<256xf32> to vector<256x1xf32>
    %eq3A_149 = vector.broadcast %broadcast_in_dim3A_148 : vector<256x1xf32> to vector<256x156xf32>
    %eq3A_150 = arith.cmpf oeq, %select_n3A_145, %eq3A_149 : vector<256x156xf32>
    %jit3A_151 = arith.constant 156 : i32
    %broadcast_in_dim3A_152 = vector.broadcast %jit3A_151 : i32 to vector<256x156xi32>
    %select_n3A_153 = arith.select %eq3A_150, %iota3A, %broadcast_in_dim3A_152 : vector<256x156xi1>, vector<256x156xi32>
    %reduce_min3A_154 = arith.constant dense<2147483647> : vector<256xi32>
    %reduce_min3A_155 = vector.multi_reduction <minsi>, %select_n3A_153, %reduce_min3A_154 [1] : vector<256x156xi32> to vector<256xi32>
    %broadcast_in_dim3A_156 = vector.shape_cast %reduce_min3A_155 : vector<256xi32> to vector<256x1xi32>
    %swap3A_157 = arith.constant 0 : index
    %swap3A_158 = arith.constant 7 : index
    %swap3A_159 = vector.load %arg5[%swap3A_157, %swap3A_158] : memref<256x10xi32, #tpu.memory_space<vmem>>, vector<256x1xi32>
    tpu.vector_store %arg5[%swap3A_157, %swap3A_158], %broadcast_in_dim3A_156 {strides = array<i32>} : memref<256x10xi32, #tpu.memory_space<vmem>>, vector<256x1xi32>,
    %eq3A_160 = vector.broadcast %broadcast_in_dim3A_156 : vector<256x1xi32> to vector<256x156xi32>
    %eq3A_161 = arith.cmpi eq, %iota3A, %eq3A_160 : vector<256x156xi32>
    %jit3A_162 = arith.constant 0xFF800000 : f32
    %broadcast_in_dim3A_163 = vector.broadcast %jit3A_162 : f32 to vector<256x156xf32>
    %select_n3A_164 = arith.select %eq3A_161, %broadcast_in_dim3A_163, %select_n3A_145 : vector<256x156xi1>, vector<256x156xf32>
    %reduce_max3A_165 = arith.constant dense<0xFF800000> : vector<256xf32>
    %reduce_max3A_166 = vector.multi_reduction <maximumf>, %select_n3A_164, %reduce_max3A_165 [1] : vector<256x156xf32> to vector<256xf32>
    %broadcast_in_dim3A_167 = vector.shape_cast %reduce_max3A_166 : vector<256xf32> to vector<256x1xf32>
    %eq3A_168 = vector.broadcast %broadcast_in_dim3A_167 : vector<256x1xf32> to vector<256x156xf32>
    %eq3A_169 = arith.cmpf oeq, %select_n3A_164, %eq3A_168 : vector<256x156xf32>
    %jit3A_170 = arith.constant 156 : i32
    %broadcast_in_dim3A_171 = vector.broadcast %jit3A_170 : i32 to vector<256x156xi32>
    %select_n3A_172 = arith.select %eq3A_169, %iota3A, %broadcast_in_dim3A_171 : vector<256x156xi1>, vector<256x156xi32>
    %reduce_min3A_173 = arith.constant dense<2147483647> : vector<256xi32>
    %reduce_min3A_174 = vector.multi_reduction <minsi>, %select_n3A_172, %reduce_min3A_173 [1] : vector<256x156xi32> to vector<256xi32>
    %broadcast_in_dim3A_175 = vector.shape_cast %reduce_min3A_174 : vector<256xi32> to vector<256x1xi32>
    %swap3A_176 = arith.constant 0 : index
    %swap3A_177 = arith.constant 8 : index
    %swap3A_178 = vector.load %arg5[%swap3A_176, %swap3A_177] : memref<256x10xi32, #tpu.memory_space<vmem>>, vector<256x1xi32>
    tpu.vector_store %arg5[%swap3A_176, %swap3A_177], %broadcast_in_dim3A_175 {strides = array<i32>} : memref<256x10xi32, #tpu.memory_space<vmem>>, vector<256x1xi32>,
    %eq3A_179 = vector.broadcast %broadcast_in_dim3A_175 : vector<256x1xi32> to vector<256x156xi32>
    %eq3A_180 = arith.cmpi eq, %iota3A, %eq3A_179 : vector<256x156xi32>
    %jit3A_181 = arith.constant 0xFF800000 : f32
    %broadcast_in_dim3A_182 = vector.broadcast %jit3A_181 : f32 to vector<256x156xf32>
    %select_n3A_183 = arith.select %eq3A_180, %broadcast_in_dim3A_182, %select_n3A_164 : vector<256x156xi1>, vector<256x156xf32>
    %reduce_max3A_184 = arith.constant dense<0xFF800000> : vector<256xf32>
    %reduce_max3A_185 = vector.multi_reduction <maximumf>, %select_n3A_183, %reduce_max3A_184 [1] : vector<256x156xf32> to vector<256xf32>
    %broadcast_in_dim3A_186 = vector.shape_cast %reduce_max3A_185 : vector<256xf32> to vector<256x1xf32>
    %eq3A_187 = vector.broadcast %broadcast_in_dim3A_186 : vector<256x1xf32> to vector<256x156xf32>
    %eq3A_188 = arith.cmpf oeq, %select_n3A_183, %eq3A_187 : vector<256x156xf32>
    %jit3A_189 = arith.constant 156 : i32
    %broadcast_in_dim3A_190 = vector.broadcast %jit3A_189 : i32 to vector<256x156xi32>
    %select_n3A_191 = arith.select %eq3A_188, %iota3A, %broadcast_in_dim3A_190 : vector<256x156xi1>, vector<256x156xi32>
    %reduce_min3A_192 = arith.constant dense<2147483647> : vector<256xi32>
    %reduce_min3A_193 = vector.multi_reduction <minsi>, %select_n3A_191, %reduce_min3A_192 [1] : vector<256x156xi32> to vector<256xi32>
    %broadcast_in_dim3A_194 = vector.shape_cast %reduce_min3A_193 : vector<256xi32> to vector<256x1xi32>
    %swap3A_195 = arith.constant 0 : index
    %swap3A_196 = arith.constant 9 : index
    %swap3A_197 = vector.load %arg5[%swap3A_195, %swap3A_196] : memref<256x10xi32, #tpu.memory_space<vmem>>, vector<256x1xi32>
    tpu.vector_store %arg5[%swap3A_195, %swap3A_196], %broadcast_in_dim3A_194 {strides = array<i32>} : memref<256x10xi32, #tpu.memory_space<vmem>>, vector<256x1xi32>,
    return
  }
  func.func @transform_0(%arg0: i32) -> (i32, i32) {
    %c0_i32 = arith.constant 0 : i32
    %c0_i32_0 = arith.constant 0 : i32
    return %arg0, %c0_i32 : i32, i32
  }
  func.func @transform_1(%arg0: i32) -> (i32, i32) {
    %c0_i32 = arith.constant 0 : i32
    %c0_i32_0 = arith.constant 0 : i32
    %c0_i32_1 = arith.constant 0 : i32
    return %c0_i32, %c0_i32_0 : i32, i32
  }
  func.func @transform_2(%arg0: i32) -> (i32, i32) {
    %c0_i32 = arith.constant 0 : i32
    %c0_i32_0 = arith.constant 0 : i32
    %c0_i32_1 = arith.constant 0 : i32
    return %c0_i32, %c0_i32_0 : i32, i32
  }
  func.func @transform_3(%arg0: i32) -> (i32, i32) {
    %c0_i32 = arith.constant 0 : i32
    %c0_i32_0 = arith.constant 0 : i32
    return %arg0, %c0_i32 : i32, i32
  }
  func.func @transform_4(%arg0: i32) -> (i32, i32) {
    %c0_i32 = arith.constant 0 : i32
    %c0_i32_0 = arith.constant 0 : i32
    return %arg0, %c0_i32 : i32, i32
  }
}

</mosaic_0001>

<sc_bundles>
// kernel: kernel.4.cloned.1.call-start
scs
__scs_entry_jumppad:
0x0: {  	(pc) =	sbr.rel $0x88, $3  }
0x1: {  	(tag) =	ssettag $0x0;
	lr =	simm.s32 $0x1  }
0x2: {  	[smem:$0x3F9D] =	sst lr;
	_ =	strace $0xD0000000  }
0x3: {  	_ = 	snop  }
0x4: {  	_ = 	snop  }
0x5: {  	_ = 	snop  }
0x6: {  	_ = 	snop  }
0x7: {  	_ = 	snop  }
__scs_overlays_trampoline_lowered:
0x8: {  	[smem:$0x3FAC] =	sst s0  }
0x9: {  	[smem:$0x3FAD] =	sst s1  }
0xa: {  	[smem:$0x3FAE] =	sst s2  }
0xb: {  	[smem:$0x3FAF] =	sst s3  }
0xc: {  	[smem:$0x3FB0] =	sst s4  }
0xd: {  	[smem:$0x3FB1] =	sst s5  }
0xe: {  	[smem:$0x3FB2] =	sst s6  }
0xf: {  	[smem:$0x3FB3] =	sst s7  }
0x10: {  	[smem:$0x3FB4] =	sst s8  }
0x11: {  	[smem:$0x3FB5] =	sst s9;
	s0 =	simm.s32 @!p0 $0x0  }
0x12: {  	s1 =	sld [smem:$0x3F9B];
	s0 =	simm.s32 @p0 $0x1  }
0x13: {  	[smem:$0x3FB6] =	sst s0;
	s0 =	simm.s32 @!p1 $0x0  }
0x14: {  	s2 =	sld [smem:$0x3F9A];
	s0 =	simm.s32 @p1 $0x1  }
0x15: {  	[smem:$0x3FB7] =	sst s0;
	s0 =	simm.s32 @!p2 $0x0  }
0x16: {  	s3 =	sld [smem:$0x3FDB];
	s0 =	simm.s32 @p2 $0x1  }
0x17: {  	s4 =	simm.s32 $0x1BF5;
	[smem:$0x3FB9] =	sst s0  }
0x18: {  	s0 =	sld [smem:$0x3F9C];
	_ =	swait.ge [sflag:s4], $0x0  }
0x19: {  	s7 =	sld [smem:$0x3F9D]  }
0x1a: {  	s8 =	sadd.s32 $0xFFFFE003, lr  }
0x1b: {  	s9 =	sadd.s32 $0xFFFFFEF7, lr;
	s5 =	simm.s32 $0xFFFFFFFF;
	p2 =	slt.u32 s8, $0xFFFFF086  }
0x1c: {  	p1 =	slt.u32 s9, $0xF7A;
	s5 =	simm.s32 @!p2 $0x0  }
0x1d: {  	s5 =	simm.s32 @p1 $0x1;
	p0 =	seq.s32 s7, s2  }
0x1e: {  	s7 =	smul.u32 @!p0 $0xF7A, s2;
	p2 =	seq.s32 @!p0 s5, $0x0  }
0x1f: {  	s9 =	smul.u32 $0xF7A, s1;
	s8 =	simm.s32 @!p0 $0x1BF5;
	p2 =	por !p2, p0  }
0x20: {  	[sflag:s8] =	ssyncset.s32 @!p0 $0xFFFFF086;
	s6 =	sadd.s32 @!p0 s3, s7;
	s7 =	simm.s32 @!p0 $0x108  }
0x21: {  	s3 =	sadd.s32 s3, s9;
	s6 =	sadd.s32 @!p0 $0x88, s6;
	s7 =	simm.s32 @p2 $0x1082  }
0x22: {  	[simem:s7], [sflag:s8] =	dma.local @!p0 [hbm:s6], $0xF7A  }
0x23: {  	s9 =	sor.u32 $0xD0000000, s2;
	s6 =	simm.s32 $0x108;
	_ =	swait.ge @!p0 [sflag:s8], $0x0  }
0x24: {  	s3 =	sadd.s32 $0x88, s3;
	s6 =	simm.s32 @!p1 $0x1082;
	[sflag:s4] =	ssyncset.s32 $0xFFFFF086  }
0x25: {  	[simem:s6], [sflag:s4] =	dma.local [hbm:s3], $0xF7A  }
0x26: {  	[smem:$0x3F9D] =	sst s1;
	(tag) =	ssettag s2;
	_ =	strace s9  }
0x27: {  	s1 =	sld [smem:$0x3FAD]  }
0x28: {  	s2 =	sld [smem:$0x3FAE]  }
0x29: {  	s4 =	sld [smem:$0x3FB0]  }
0x2a: {  	p0 =	seq.s32 s5, $0x0;
	s5 =	sld [smem:$0x3FB1]  }
0x2b: {  	s6 =	sld [smem:$0x3FB2]  }
0x2c: {  	s7 =	sld [smem:$0x3FB3]  }
0x2d: {  	s3 =	simm.s32 $0x108;
	s8 =	sld [smem:$0x3FB4]  }
0x2e: {  	s3 =	simm.s32 @!p0 $0x1082;
	s9 =	sld [smem:$0x3FB5]  }
0x2f: {  	lr =	sadd.s32 s0, s3;
	s0 =	sld [smem:$0x3FAC]  }
0x30: {  	s3 =	sld [smem:$0x3FAF]  }
0x31: {  	[smem:$0x3FB8] =	sst s10  }
0x32: {  	s10 =	sld [smem:$0x3FB6];
	_ =	sdelay $0x3  }
0x33: {  	p0 =	seq.s32 s10, $0x1;
	s10 =	sld [smem:$0x3FB8];
	_ =	sdelay $0x3  }
0x34: {  	[smem:$0x3FB8] =	sst s10  }
0x35: {  	s10 =	sld [smem:$0x3FB7];
	_ =	sdelay $0x3  }
0x36: {  	p1 =	seq.s32 s10, $0x1;
	s10 =	sld [smem:$0x3FB8];
	_ =	sdelay $0x3  }
0x37: {  	[smem:$0x3FB8] =	sst s10  }
0x38: {  	s10 =	sld [smem:$0x3FB9]  }
0x39: {  	_ = 	snop;
	(pc) =	sbr.ind lr, $3  }
0x3a: {  	_ = 	snop  }
0x3b: {  	_ = 	snop  }
0x3c: {  	p2 =	seq.s32 s10, $0x1;
	s10 =	sld [smem:$0x3FB8]  }
0x3d: {  	_ =	shalt  }
0x3e: {  	_ =	shalt  }
0x3f: {  	_ =	shalt  }
0x40: {  	_ =	shalt  }
0x41: {  	_ =	shalt  }
0x42: {  	_ =	shalt  }
0x43: {  	_ =	shalt  }
0x44: {  	_ =	shalt  }
0x45: {  	_ =	shalt  }
0x46: {  	_ =	shalt  }
0x47: {  	_ =	shalt  }
0x48: {  	_ =	shalt  }
0x49: {  	_ =	shalt  }
0x4a: {  	_ =	shalt  }
0x4b: {  	_ =	shalt  }
0x4c: {  	_ =	shalt  }
0x4d: {  	_ =	shalt  }
0x4e: {  	_ =	shalt  }
0x4f: {  	_ =	shalt  }
0x50: {  	_ =	shalt  }
0x51: {  	_ =	shalt  }
0x52: {  	_ =	shalt  }
0x53: {  	_ =	shalt  }
0x54: {  	_ =	shalt  }
0x55: {  	_ =	shalt  }
0x56: {  	_ =	shalt  }
0x57: {  	_ =	shalt  }
0x58: {  	_ =	shalt  }
0x59: {  	_ =	shalt  }
0x5a: {  	_ =	shalt  }
0x5b: {  	_ =	shalt  }
0x5c: {  	_ =	shalt  }
0x5d: {  	_ =	shalt  }
0x5e: {  	_ =	shalt  }
0x5f: {  	_ =	shalt  }
0x60: {  	_ =	shalt  }
0x61: {  	_ =	shalt  }
0x62: {  	_ =	shalt  }
0x63: {  	_ =	shalt  }
0x64: {  	_ =	shalt  }
0x65: {  	_ =	shalt  }
0x66: {  	_ =	shalt  }
0x67: {  	_ =	shalt  }
0x68: {  	_ =	shalt  }
0x69: {  	_ =	shalt  }
0x6a: {  	_ =	shalt  }
0x6b: {  	_ =	shalt  }
0x6c: {  	_ =	shalt  }
0x6d: {  	_ =	shalt  }
0x6e: {  	_ =	shalt  }
0x6f: {  	_ =	shalt  }
0x70: {  	_ =	shalt  }
0x71: {  	_ =	shalt  }
0x72: {  	_ =	shalt  }
0x73: {  	_ =	shalt  }
0x74: {  	_ =	shalt  }
0x75: {  	_ =	shalt  }
0x76: {  	_ =	shalt  }
0x77: {  	_ =	shalt  }
0x78: {  	_ =	shalt  }
0x79: {  	_ =	shalt  }
0x7a: {  	_ =	shalt  }
0x7b: {  	_ =	shalt  }
0x7c: {  	_ =	shalt  }
0x7d: {  	_ =	shalt  }
0x7e: {  	_ =	shalt  }
0x7f: {  	_ =	shalt  }
0x80: {  	_ =	shalt  }
0x81: {  	_ =	shalt  }
0x82: {  	_ =	shalt  }
0x83: {  	_ =	shalt  }
0x84: {  	_ =	shalt  }
0x85: {  	_ =	shalt  }
0x86: {  	_ =	shalt  }
0x87: {  	_ =	shalt  }
.Lfunc_end0:
.L_simem_size_0:
called_computation_lowered:
.L_overlay_start_0:
0x88: {  	s2 =	sld [smem:$0x3FD9]  }
0x89: {  	s3 =	sld [smem:$0x3FFE];
	_ =	sdelay $0x1  }
0x8a: {  	s1 =	srdreg.scid  }
0x8b: {  	s0 =	sand.u32 $0x1, s1  }
0x8c: {  	s17 =	sshll.u32 s0, $0xA;
	s2 =	sadd.s32 s3, s2  }
0x8d: {  	s2 =	sadd.s32 s2, s17  }
0x8e: {  	[smem:$0x3FC4] =	sst s2  }
0x8f: {  	_ = 	snop  }
0x90: {  	s2 =	sld [smem:$0x3FC6];
	(tm) =	ssettm $0x1  }
0x91: {  	s18 =	sld [smem:$0x3FFB];
	_ =	sdelay $0x3  }
0x92: {  	_ =	strace s18  }
0x93: {  	s3 =	sld [smem:$0x3FFC];
	_ =	sdelay $0x3  }
0x94: {  	_ =	strace s3  }
0x95: {  	s3 =	sld [smem:$0x3FFD];
	_ =	sdelay $0x3  }
0x96: {  	_ =	strace s3  }
0x97: {  	_ =	strace $0x8FFFFFFF  }
0x98: {  	s19 =	sld [smem:$0x3FDB];
	_ =	sdelay $0x1  }
0x99: {  	s4 =	simm.s32 $_scs_section_size  }
0x9a: {  	s5 =	simm.s32 $_size__tile_overlayer_lowered;
	s6 =	simm.s32 $_tile_overlayer_lowered  }
0x9b: {  	s22 =	simm.s32 $0x1BFF;
	s21 =	sshll.u32 s6, $0x1;
	s3 =	sadd.s32 s4, s19  }
0x9c: {  	s7 =	simm.s32 $0x0;
	s20 =	sshll.u32 s5, $0x1;
	s5 =	sadd.s32 s21, s3  }
0x9d: {  	[timem:s7], [sflag:s22] =	dma.local [hbm:s5], s20  }
0x9e: {  	_ =	swait.ge [sflag:s22], s20  }
0x9f: {  	s4 =	ssub.s32 $0x0, s20;
	[sflag:s22] =	ssyncset.done $0x0  }
0xa0: {  	[sflag:s22] =	ssyncadd.s32 s4;
	_ =	sdelay $0x1  }
0xa1: {  	s23 =	simm.s32 $0x1B8B  }
0xa2: {  	_ =	swait.ge [sflag:s23], $0x1  }
0xa3: {  	[sflag:s23] =	ssyncset.done $0x0  }
0xa4: {  	s25 =	simm.s32 $0x1B8E;
	s24 =	sld [smem:$0x3FFE];
	[sflag:s23] =	ssyncadd.s32 $0xFFFFFFFF  }
0xa5: {  	s26 =	simm.s32 $execute0_lowered;
	[smem:$0x3FD2] =	sst s25  }
0xa6: {  	s5 =	sshll.u32 s26, $0x1;
	_ =	strace $0x80000046;
	[dreg:$0x1] =	wrdreg $0xFFFFFFFF  }
0xa7: {  	s28 =	simm.s32 $_size_execute0_lowered;
	s3 =	sadd.s32 s3, s5;
	[dreg:$0x0] =	wrdreg $0x0  }
0xa8: {  	s5 =	sshll.u32 s28, $0x1;
	[dreg:$0x2] =	wrdreg s3  }
0xa9: {  	[dreg:$0x3] =	wrdreg s5  }
0xaa: {  	[dreg:$0x4] =	wrdreg $0xC0  }
0xab: {  	_ =	task [dreg:s7], $0x5FFFF  }
0xac: {  	[dreg:$0x1] =	wrdreg $0xFFFFFFFF  }
0xad: {  	[dreg:$0x0] =	wrdreg $0x60  }
0xae: {  	[dreg:$0x2] =	wrdreg s2  }
0xaf: {  	[dreg:$0x3] =	wrdreg s24  }
0xb0: {  	[dreg:$0x4] =	wrdreg $0x9  }
0xb1: {  	_ =	task.clear_ibuf [dreg:s7], $0x5FFFF;
	_ =	strace $0x90000046  }
0xb2: {  	s29 =	simm.s32 $0x9;
	_ =	strace $0x80000048  }
0xb3: {  	_ =	swait.ge [sflag:s29], $0x1  }
0xb4: {  	[sflag:s29] =	ssyncadd.s32 $0xFFFFFFFF  }
0xb5: {  	_ =	strace $0x90000048  }
0xb6: {  	_ =	sfence  }
0xb7: {  	s30 =	sld [smem:$0x0];
	_ =	sdelay $0x2  }
0xb8: {  	s31 =	sshll.u32 s1, $0xD;
	s1 =	sshrl.u32 s1, $0x2  }
0xb9: {  	s3 =	sand.u32 $0x4000, s31;
	s1 =	sadd.s32 s1, s30  }
0xba: {  	s0 =	sor.u32 s3, s0;
	s1 =	sshll.u32 s1, $0x11  }
0xbb: {  	s0 =	sor.u32 s1, s0  }
0xbc: {  	s0 =	sadd.s32 $0x8F2B, s0  }
0xbd: {  	[sflag:s0] =	ssyncadd.remote.s32 $0x1  }
0xbe: {  	_ =	sfence.sel $0xFFFF  }
0xbf: {  	[dreg:$0x0] =	wrdreg $0xFFFFFFFF;
	(pc) =	sbr.abs _section_cstart, $3  }
0xc0: {  	[dreg:$0x1] =	wrdreg $0xFFFFFFFF  }
0xc1: {  	_ =	task.clear_ibuf [dreg:s7], $0x2FFFF;
	_ =	strace $0x9FFFFFFF  }
0xc2: {  	(tm) =	ssettm $0x7FFFFFFF  }
0xc3: {  	_ =	shalt  }
tec
execute0_lowered:
.L_overlay_start_1:
0x0: {  	(tag) =	ssettag $0x1  }
0x1: {  	s1 =	rddreg [dreg:$0x0]  }
0x2: {  	s0 =	rddreg [dreg:$0x1]  }
0x3: {  	s3 =	simm.s32 $0x0;
	s2 =	srdreg.scid;
	s6 =	stileid.u32  }
0x4: {  	s11 =	simm.s32 $0x2000;
	s28 =	simm.s32 $0x2800;
	s29 =	simm.s32 $0x3000  }
0x5: {  	s30 =	simm.s32 $0x3800;
	s15 =	simm.s32 $0x4000;
	s18 =	simm.s32 $0x5000  }
0x6: {  	s8 =	simm.s32 $0x6000;
	s17 =	simm.s32 $0x80;
	[smem:$0x7FF] =	sst s3  }
0x7: {  	s2 =	sand.u32 $0x1, s2;
	s4 =	sshll.u32 s6, $0xA;
	s23 =	sshll.u32 s6, $0x14  }
0x8: {  	s6 =	simm.s32 $0x0;
	_ =	strace $0x80000047;
	s5 =	sshll.u32 s2, $0x9  }
0x9: {  	s24 =	ssub.s32 $0x2, s2;
	s2 =	sshll.u32 s2, $0x13;
	s4 =	sor.u32 s5, s4  }
0xa: {  	s5 =	sadd.s32 s23, s0;
	s7 =	sshrl.u32 s24, $0x1;
	s0 =	sadd.s32 s4, s0  }
0xb: {  	s25 =	ssub.s32 s24, s7;
	s2 =	sadd.s32 s2, s5;
	s0 =	sadd.s32 $0xA00, s0  }
0xc: {  	v2 =	vlaneseq.u32;
	s5 =	sadd.s32 $0x100, s1;
	s31 =	smax.u32 s25, $0x1;
	[dreg:$0x4] =	wrdreg s0  }
0xd: {  	vm0 =	vmmov $0xffff;
	v1 =	vshrl.u32 v2, $0x3;
	s7 =	simm.s32 $0x5800;
	s26 =	sadd.s32 $0x8A00, s2;
	[dreg:$0x5] =	wrdreg s31  }
0xe: {  	v0 =	vand.u32 $0x7, v2;
	v2 =	vor.u32 $0x8, v2;
	v1 =	vmul.u32 $0x8, v1;
	s4 =	simm.s32 $0x6800;
	[dreg:$0x3] =	wrdreg s26;
	s0 =	simm.s32 $0x4800  }
.LBB2_1:
0xf: {  	[dreg:$0x6] =	wrdreg s6  }
0x10: {  	s21 =	rddreg [dreg:$0x4]  }
0x11: {  	s22 =	simm.s32 $0x1000;
	s23 =	simm.s32 $0x20000;
	s31 =	simm.s32 $0x5  }
0x12: {  	[tilespmem:s3], [sflag:$0x5] =	stream.strided.gather [hbm4b:s21+s22], $0x2000, s23, s22, $0x38;
	[tilespmem:$0x12000] =	vst v63  }
0x13: {  	s6 =	simm.s32 $0xFFFFF000;
	_ =	swait.ge [sflag:s31], $0x2000  }
0x14: {  	p0 =	por $0x0, $0x0;
	s9 =	simm.s32 $0x0;
	[sflag:s31] =	ssyncset.done $0x0  }
0x15: {  	s10 =	simm.s32 $0x0;
	s21 =	simm.s32 $0x0;
	[sflag:s31] =	ssyncadd.s32 $0xFFFFE000  }
.LBB2_2:
0x16: {  	[dreg:$0x9] =	wrdreg s10  }
0x17: {  	[dreg:$0x8] =	wrdreg s9;
	p1 =	seq.s32 s10, $0x0  }
0x18: {  	[dreg:$0x7] =	wrdreg s6;
	s25 =	simm.s32 @!p1 $0x3  }
0x19: {  	s2 =	sadd.s32 $0x1000, s6;
	_ =	swait.ge @!p1 [sflag:s25], $0x8000  }
0x1a: {  	s20 =	sand.u32 $0x40, s9;
	s22 =	sand.u32 $0xC00, s2;
	[sflag:s25] =	ssyncset.done @!p1 $0x0  }
0x1b: {  	s26 =	sor.u32 s20, s22;
	[sflag:s25] =	ssyncadd.s32 @!p1 $0xFFFF8000  }
0x1c: {  	v3 =	vld [tilespmem:s26+$0x0];
	_ =	sdelay $0x4  }
0x1d: {  	v4 =	vshll.u32 v3, $0x2  }
0x1e: {  	v3 =	vand.u32 $0x7, v3;
	v4 =	vand.u32 $0xFFFFFFE0, v4  }
0x1f: {  	v3 =	vor.u32 v3, v4  }
0x20: {  	v4 =	vperm.xlane v3, v0;
	_ =	sdelay $0x1  }
0x21: {  	v4 =	vadd.s32 v1, v4;
	_ =	sdelay $0x1  }
0x22: {  	v3 =	vperm.xlane v3, v2;
	_ =	sdelay $0x1  }
0x23: {  	v3 =	vadd.s32 v1, v3  }
0x24: {  	[tilespmem:s11], [sflag:$0x1] =	stream.indirect_vreg.gather [hbm4b:s1+s3], $0x80, v4, vm0, $0xb8;
	[tilespmem:$0x12000] =	vst v63  }
0x25: {  	_ = 	snop  }
0x26: {  	[tilespmem:s28], [sflag:$0x1] =	stream.indirect_vreg.gather [hbm4b:s5+s3], $0x80, v4, vm0, $0xb8;
	[tilespmem:$0x12000] =	vst v63  }
0x27: {  	_ = 	snop  }
0x28: {  	[tilespmem:s29], [sflag:$0x1] =	stream.indirect_vreg.gather [hbm4b:s1+s3], $0x80, v3, vm0, $0xb8;
	[tilespmem:$0x12000] =	vst v63  }
0x29: {  	_ = 	snop  }
0x2a: {  	[tilespmem:s30], [sflag:$0x1] =	stream.indirect_vreg.gather [hbm4b:s5+s3], $0x80, v3, vm0, $0xb8;
	[tilespmem:$0x12000] =	vst v63  }
0x2b: {  	v3 =	vld [tilespmem:s26+$0x10];
	_ =	sdelay $0x4  }
0x2c: {  	v25 =	vshll.u32 v3, $0x2  }
0x2d: {  	v3 =	vand.u32 $0x7, v3;
	v4 =	vand.u32 $0xFFFFFFE0, v25  }
0x2e: {  	v3 =	vor.u32 v3, v4  }
0x2f: {  	v4 =	vperm.xlane v3, v0;
	_ =	sdelay $0x1  }
0x30: {  	v4 =	vadd.s32 v1, v4;
	_ =	sdelay $0x1  }
0x31: {  	v3 =	vperm.xlane v3, v2;
	_ =	sdelay $0x1  }
0x32: {  	v3 =	vadd.s32 v1, v3  }
0x33: {  	[tilespmem:s15], [sflag:$0x1] =	stream.indirect_vreg.gather [hbm4b:s1+s3], $0x80, v4, vm0, $0xb8;
	[tilespmem:$0x12000] =	vst v63  }
0x34: {  	_ = 	snop  }
0x35: {  	[tilespmem:s0], [sflag:$0x1] =	stream.indirect_vreg.gather [hbm4b:s5+s3], $0x80, v4, vm0, $0xb8;
	[tilespmem:$0x12000] =	vst v63  }
0x36: {  	_ = 	snop  }
0x37: {  	[tilespmem:s18], [sflag:$0x1] =	stream.indirect_vreg.gather [hbm4b:s1+s3], $0x80, v3, vm0, $0xb8;
	[tilespmem:$0x12000] =	vst v63  }
0x38: {  	_ = 	snop  }
0x39: {  	[tilespmem:s7], [sflag:$0x1] =	stream.indirect_vreg.gather [hbm4b:s5+s3], $0x80, v3, vm0, $0xb8;
	[tilespmem:$0x12000] =	vst v63  }
0x3a: {  	v3 =	vld [tilespmem:s26+$0x20];
	_ =	sdelay $0x4  }
0x3b: {  	v26 =	vshll.u32 v3, $0x2  }
0x3c: {  	v3 =	vand.u32 $0x7, v3;
	v4 =	vand.u32 $0xFFFFFFE0, v26  }
0x3d: {  	v3 =	vor.u32 v3, v4  }
0x3e: {  	v4 =	vperm.xlane v3, v0;
	_ =	sdelay $0x1  }
0x3f: {  	v4 =	vadd.s32 v1, v4;
	_ =	sdelay $0x1  }
0x40: {  	v3 =	vperm.xlane v3, v2;
	_ =	sdelay $0x1  }
0x41: {  	v3 =	vadd.s32 v1, v3  }
0x42: {  	[tilespmem:s8], [sflag:$0x1] =	stream.indirect_vreg.gather [hbm4b:s1+s3], $0x80, v4, vm0, $0xb8;
	[tilespmem:$0x12000] =	vst v63  }
0x43: {  	_ = 	snop  }
0x44: {  	[tilespmem:s4], [sflag:$0x1] =	stream.indirect_vreg.gather [hbm4b:s5+s3], $0x80, v4, vm0, $0xb8;
	[tilespmem:$0x12000] =	vst v63  }
0x45: {  	s23 =	simm.s32 $0x7000  }
0x46: {  	[tilespmem:s23], [sflag:$0x1] =	stream.indirect_vreg.gather [hbm4b:s1+s3], $0x80, v3, vm0, $0xb8;
	[tilespmem:$0x12000] =	vst v63  }
0x47: {  	s24 =	simm.s32 $0x7800  }
0x48: {  	[tilespmem:s24], [sflag:$0x1] =	stream.indirect_vreg.gather [hbm4b:s5+s3], $0x80, v3, vm0, $0xb8;
	[tilespmem:$0x12000] =	vst v63  }
0x49: {  	v3 =	vld [tilespmem:s26+$0x30];
	_ =	sdelay $0x4  }
0x4a: {  	v27 =	vshll.u32 v3, $0x2  }
0x4b: {  	v3 =	vand.u32 $0x7, v3;
	v4 =	vand.u32 $0xFFFFFFE0, v27  }
0x4c: {  	v3 =	vor.u32 v3, v4  }
0x4d: {  	v4 =	vperm.xlane v3, v0;
	_ =	sdelay $0x1  }
0x4e: {  	v4 =	vadd.s32 v1, v4;
	_ =	sdelay $0x1  }
0x4f: {  	v3 =	vperm.xlane v3, v2;
	_ =	sdelay $0x1  }
0x50: {  	s25 =	simm.s32 $0x8000;
	v3 =	vadd.s32 v1, v3  }
0x51: {  	[tilespmem:s25], [sflag:$0x1] =	stream.indirect_vreg.gather [hbm4b:s1+s3], $0x80, v4, vm0, $0xb8;
	[tilespmem:$0x12000] =	vst v63  }
0x52: {  	s31 =	simm.s32 $0x8800;
	[dreg:$0xc] =	wrdreg s2  }
0x53: {  	[tilespmem:s31], [sflag:$0x1] =	stream.indirect_vreg.gather [hbm4b:s5+s3], $0x80, v4, vm0, $0xb8;
	[tilespmem:$0x12000] =	vst v63  }
0x54: {  	[dreg:$0xa] =	wrdreg s20;
	s2 =	simm.s32 $0x9000  }
0x55: {  	[tilespmem:s2], [sflag:$0x1] =	stream.indirect_vreg.gather [hbm4b:s1+s3], $0x80, v3, vm0, $0xb8;
	[tilespmem:$0x12000] =	vst v63  }
0x56: {  	[dreg:$0xb] =	wrdreg s22;
	s4 =	simm.s32 $0x9800;
	s25 =	simm.s32 @!p1 $0x4  }
0x57: {  	[tilespmem:s4], [sflag:$0x1] =	stream.indirect_vreg.gather [hbm4b:s5+s3], $0x80, v3, vm0, $0xb8;
	[tilespmem:$0x12000] =	vst v63  }
0x58: {  	_ =	swait.ge @!p1 [sflag:s25], $0x8000  }
0x59: {  	[sflag:s25] =	ssyncset.done @!p1 $0x0  }
0x5a: {  	[sflag:s25] =	ssyncadd.s32 @!p1 $0xFFFF8000  }
0x5b: {  	v3 =	vld [tilespmem:s26+$0x80];
	_ =	sdelay $0x4  }
0x5c: {  	v28 =	vshll.u32 v3, $0x2  }
0x5d: {  	v3 =	vand.u32 $0x7, v3;
	v4 =	vand.u32 $0xFFFFFFE0, v28  }
0x5e: {  	v3 =	vor.u32 v3, v4  }
0x5f: {  	v4 =	vperm.xlane v3, v0;
	_ =	sdelay $0x1  }
0x60: {  	v4 =	vadd.s32 v1, v4;
	_ =	sdelay $0x1  }
0x61: {  	v3 =	vperm.xlane v3, v2;
	_ =	sdelay $0x1  }
0x62: {  	s7 =	simm.s32 $0xA000;
	v3 =	vadd.s32 v1, v3  }
0x63: {  	[tilespmem:s7], [sflag:$0x2] =	stream.indirect_vreg.gather [hbm4b:s1+s3], $0x80, v4, vm0, $0xb8;
	[tilespmem:$0x12000] =	vst v63  }
0x64: {  	s8 =	simm.s32 $0xA800  }
0x65: {  	[tilespmem:s8], [sflag:$0x2] =	stream.indirect_vreg.gather [hbm4b:s5+s3], $0x80, v4, vm0, $0xb8;
	[tilespmem:$0x12000] =	vst v63  }
0x66: {  	s12 =	simm.s32 $0xB000  }
0x67: {  	[tilespmem:s12], [sflag:$0x2] =	stream.indirect_vreg.gather [hbm4b:s1+s3], $0x80, v3, vm0, $0xb8;
	[tilespmem:$0x12000] =	vst v63  }
0x68: {  	s13 =	simm.s32 $0xB800  }
0x69: {  	[tilespmem:s13], [sflag:$0x2] =	stream.indirect_vreg.gather [hbm4b:s5+s3], $0x80, v3, vm0, $0xb8;
	[tilespmem:$0x12000] =	vst v63  }
0x6a: {  	v3 =	vld [tilespmem:s26+$0x90];
	_ =	sdelay $0x4  }
0x6b: {  	v29 =	vshll.u32 v3, $0x2  }
0x6c: {  	v3 =	vand.u32 $0x7, v3;
	v4 =	vand.u32 $0xFFFFFFE0, v29  }
0x6d: {  	v3 =	vor.u32 v3, v4  }
0x6e: {  	v4 =	vperm.xlane v3, v0;
	_ =	sdelay $0x1  }
0x6f: {  	v4 =	vadd.s32 v1, v4;
	_ =	sdelay $0x1  }
0x70: {  	v3 =	vperm.xlane v3, v2;
	_ =	sdelay $0x1  }
0x71: {  	s14 =	simm.s32 $0xC000;
	v3 =	vadd.s32 v1, v3  }
0x72: {  	[tilespmem:s14], [sflag:$0x2] =	stream.indirect_vreg.gather [hbm4b:s1+s3], $0x80, v4, vm0, $0xb8;
	[tilespmem:$0x12000] =	vst v63  }
0x73: {  	s16 =	simm.s32 $0xC800  }
0x74: {  	[tilespmem:s16], [sflag:$0x2] =	stream.indirect_vreg.gather [hbm4b:s5+s3], $0x80, v4, vm0, $0xb8;
	[tilespmem:$0x12000] =	vst v63  }
0x75: {  	s19 =	simm.s32 $0xD000  }
0x76: {  	[tilespmem:s19], [sflag:$0x2] =	stream.indirect_vreg.gather [hbm4b:s1+s3], $0x80, v3, vm0, $0xb8;
	[tilespmem:$0x12000] =	vst v63  }
0x77: {  	s22 =	simm.s32 $0xD800  }
0x78: {  	[tilespmem:s22], [sflag:$0x2] =	stream.indirect_vreg.gather [hbm4b:s5+s3], $0x80, v3, vm0, $0xb8;
	[tilespmem:$0x12000] =	vst v63  }
0x79: {  	v3 =	vld [tilespmem:s26+$0xA0];
	_ =	sdelay $0x4  }
0x7a: {  	v30 =	vshll.u32 v3, $0x2  }
0x7b: {  	v3 =	vand.u32 $0x7, v3;
	v4 =	vand.u32 $0xFFFFFFE0, v30  }
0x7c: {  	v3 =	vor.u32 v3, v4  }
0x7d: {  	v4 =	vperm.xlane v3, v0;
	_ =	sdelay $0x1  }
0x7e: {  	v4 =	vadd.s32 v1, v4;
	_ =	sdelay $0x1  }
0x7f: {  	v3 =	vperm.xlane v3, v2;
	_ =	sdelay $0x1  }
0x80: {  	s23 =	simm.s32 $0xE000;
	v3 =	vadd.s32 v1, v3  }
0x81: {  	[tilespmem:s23], [sflag:$0x2] =	stream.indirect_vreg.gather [hbm4b:s1+s3], $0x80, v4, vm0, $0xb8;
	[tilespmem:$0x12000] =	vst v63  }
0x82: {  	s24 =	simm.s32 $0xE800  }
0x83: {  	[tilespmem:s24], [sflag:$0x2] =	stream.indirect_vreg.gather [hbm4b:s5+s3], $0x80, v4, vm0, $0xb8;
	[tilespmem:$0x12000] =	vst v63  }
0x84: {  	s25 =	simm.s32 $0xF000  }
0x85: {  	[tilespmem:s25], [sflag:$0x2] =	stream.indirect_vreg.gather [hbm4b:s1+s3], $0x80, v3, vm0, $0xb8;
	[tilespmem:$0x12000] =	vst v63  }
0x86: {  	s31 =	simm.s32 $0xF800  }
0x87: {  	[tilespmem:s31], [sflag:$0x2] =	stream.indirect_vreg.gather [hbm4b:s5+s3], $0x80, v3, vm0, $0xb8;
	[tilespmem:$0x12000] =	vst v63  }
0x88: {  	v3 =	vld [tilespmem:s26+$0xB0];
	_ =	sdelay $0x4  }
0x89: {  	v31 =	vshll.u32 v3, $0x2  }
0x8a: {  	v3 =	vand.u32 $0x7, v3;
	v4 =	vand.u32 $0xFFFFFFE0, v31  }
0x8b: {  	v3 =	vor.u32 v3, v4  }
0x8c: {  	v4 =	vperm.xlane v3, v0;
	_ =	sdelay $0x1  }
0x8d: {  	v4 =	vadd.s32 v1, v4;
	_ =	sdelay $0x1  }
0x8e: {  	v3 =	vperm.xlane v3, v2;
	_ =	sdelay $0x1  }
0x8f: {  	s2 =	simm.s32 $0x10000;
	v3 =	vadd.s32 v1, v3  }
0x90: {  	[tilespmem:s2], [sflag:$0x2] =	stream.indirect_vreg.gather [hbm4b:s1+s3], $0x80, v4, vm0, $0xb8;
	[tilespmem:$0x12000] =	vst v63  }
0x91: {  	s4 =	simm.s32 $0x10800  }
0x92: {  	[tilespmem:s4], [sflag:$0x2] =	stream.indirect_vreg.gather [hbm4b:s5+s3], $0x80, v4, vm0, $0xb8;
	[tilespmem:$0x12000] =	vst v63  }
0x93: {  	s7 =	simm.s32 $0x11000  }
0x94: {  	[tilespmem:s7], [sflag:$0x2] =	stream.indirect_vreg.gather [hbm4b:s1+s3], $0x80, v3, vm0, $0xb8;
	[tilespmem:$0x12000] =	vst v63  }
0x95: {  	s8 =	simm.s32 $0x11800;
	s12 =	simm.s32 $0x1  }
0x96: {  	[tilespmem:s8], [sflag:$0x2] =	stream.indirect_vreg.gather [hbm4b:s5+s3], $0x80, v3, vm0, $0xb8;
	[tilespmem:$0x12000] =	vst v63  }
0x97: {  	_ =	swait.ge [sflag:s12], $0x8000  }
0x98: {  	s13 =	rddreg [dreg:$0x3]  }
0x99: {  	[sflag:s12] =	ssyncset.done $0x0;
	s14 =	rddreg [dreg:$0x9]  }
0x9a: {  	[sflag:s12] =	ssyncadd.s32 $0xFFFF8000;
	s25 =	sadd.s32 s14, s13  }
0x9b: {  	[hbm4b:s25+s17] =	stream.strided.scatter [tilespmem:s11], [sflag:$0x3], $0x400, s11, s17, $0x38;
	[tilespmem:$0x12000] =	vst v63  }
0x9c: {  	s16 =	simm.s32 $0x2400;
	s28 =	sadd.s32 $0x80, s25  }
0x9d: {  	[hbm4b:s28+s17] =	stream.strided.scatter [tilespmem:s16], [sflag:$0x3], $0x400, s11, s17, $0x38;
	[tilespmem:$0x12000] =	vst v63  }
0x9e: {  	s19 =	simm.s32 $0x2800;
	s28 =	sadd.s32 $0x100, s25  }
0x9f: {  	[hbm4b:s28+s17] =	stream.strided.scatter [tilespmem:s19], [sflag:$0x3], $0x400, s11, s17, $0x38;
	[tilespmem:$0x12000] =	vst v63  }
0xa0: {  	s22 =	simm.s32 $0x2C00;
	s28 =	sadd.s32 $0x180, s25  }
0xa1: {  	[hbm4b:s28+s17] =	stream.strided.scatter [tilespmem:s22], [sflag:$0x3], $0x400, s11, s17, $0x38;
	[tilespmem:$0x12000] =	vst v63  }
0xa2: {  	s23 =	simm.s32 $0x3000;
	s28 =	sadd.s32 $0x2000, s25  }
0xa3: {  	[hbm4b:s28+s17] =	stream.strided.scatter [tilespmem:s23], [sflag:$0x3], $0x400, s11, s17, $0x38;
	[tilespmem:$0x12000] =	vst v63  }
0xa4: {  	s24 =	simm.s32 $0x3400;
	s28 =	sadd.s32 $0x2080, s25  }
0xa5: {  	[hbm4b:s28+s17] =	stream.strided.scatter [tilespmem:s24], [sflag:$0x3], $0x400, s11, s17, $0x38;
	[tilespmem:$0x12000] =	vst v63  }
0xa6: {  	s31 =	simm.s32 $0x3800;
	s28 =	sadd.s32 $0x2100, s25  }
0xa7: {  	[hbm4b:s28+s17] =	stream.strided.scatter [tilespmem:s31], [sflag:$0x3], $0x400, s11, s17, $0x38;
	[tilespmem:$0x12000] =	vst v63  }
0xa8: {  	s2 =	simm.s32 $0x3C00;
	s28 =	sadd.s32 $0x2180, s25  }
0xa9: {  	[hbm4b:s28+s17] =	stream.strided.scatter [tilespmem:s2], [sflag:$0x3], $0x400, s11, s17, $0x38;
	[tilespmem:$0x12000] =	vst v63  }
0xaa: {  	s29 =	simm.s32 $0x4000;
	s28 =	sadd.s32 $0x4000, s25  }
0xab: {  	[hbm4b:s28+s17] =	stream.strided.scatter [tilespmem:s29], [sflag:$0x3], $0x400, s11, s17, $0x38;
	[tilespmem:$0x12000] =	vst v63  }
0xac: {  	s7 =	simm.s32 $0x4400;
	s28 =	sadd.s32 $0x4080, s25  }
0xad: {  	[hbm4b:s28+s17] =	stream.strided.scatter [tilespmem:s7], [sflag:$0x3], $0x400, s11, s17, $0x38;
	[tilespmem:$0x12000] =	vst v63  }
0xae: {  	s13 =	simm.s32 $0x4800;
	s28 =	sadd.s32 $0x4100, s25  }
0xaf: {  	[hbm4b:s28+s17] =	stream.strided.scatter [tilespmem:s13], [sflag:$0x3], $0x400, s11, s17, $0x38;
	[tilespmem:$0x12000] =	vst v63  }
0xb0: {  	s12 =	simm.s32 $0x4C00;
	s28 =	sadd.s32 $0x4180, s25  }
0xb1: {  	[hbm4b:s28+s17] =	stream.strided.scatter [tilespmem:s12], [sflag:$0x3], $0x400, s11, s17, $0x38;
	[tilespmem:$0x12000] =	vst v63  }
0xb2: {  	s14 =	simm.s32 $0x5000;
	s28 =	sadd.s32 $0x6000, s25  }
0xb3: {  	[hbm4b:s28+s17] =	stream.strided.scatter [tilespmem:s14], [sflag:$0x3], $0x400, s11, s17, $0x38;
	[tilespmem:$0x12000] =	vst v63  }
0xb4: {  	s16 =	simm.s32 $0x5400;
	s28 =	sadd.s32 $0x6080, s25  }
0xb5: {  	[hbm4b:s28+s17] =	stream.strided.scatter [tilespmem:s16], [sflag:$0x3], $0x400, s11, s17, $0x38;
	[tilespmem:$0x12000] =	vst v63  }
0xb6: {  	s8 =	simm.s32 $0x5800;
	s28 =	sadd.s32 $0x6100, s25  }
0xb7: {  	[hbm4b:s28+s17] =	stream.strided.scatter [tilespmem:s8], [sflag:$0x3], $0x400, s11, s17, $0x38;
	[tilespmem:$0x12000] =	vst v63  }
0xb8: {  	s19 =	simm.s32 $0x5C00;
	s28 =	sadd.s32 $0x6180, s25  }
0xb9: {  	[hbm4b:s28+s17] =	stream.strided.scatter [tilespmem:s19], [sflag:$0x3], $0x400, s11, s17, $0x38;
	[tilespmem:$0x12000] =	vst v63  }
0xba: {  	s4 =	simm.s32 $0x6000;
	s28 =	sadd.s32 $0x8000, s25  }
0xbb: {  	[hbm4b:s28+s17] =	stream.strided.scatter [tilespmem:s4], [sflag:$0x3], $0x400, s11, s17, $0x38;
	[tilespmem:$0x12000] =	vst v63  }
0xbc: {  	s23 =	simm.s32 $0x6400;
	s28 =	sadd.s32 $0x8080, s25  }
0xbd: {  	[hbm4b:s28+s17] =	stream.strided.scatter [tilespmem:s23], [sflag:$0x3], $0x400, s11, s17, $0x38;
	[tilespmem:$0x12000] =	vst v63  }
0xbe: {  	s22 =	simm.s32 $0x6800;
	s28 =	sadd.s32 $0x8100, s25  }
0xbf: {  	[hbm4b:s28+s17] =	stream.strided.scatter [tilespmem:s22], [sflag:$0x3], $0x400, s11, s17, $0x38;
	[tilespmem:$0x12000] =	vst v63  }
0xc0: {  	s24 =	simm.s32 $0x6C00;
	s28 =	sadd.s32 $0x8180, s25  }
0xc1: {  	[hbm4b:s28+s17] =	stream.strided.scatter [tilespmem:s24], [sflag:$0x3], $0x400, s11, s17, $0x38;
	[tilespmem:$0x12000] =	vst v63  }
0xc2: {  	s9 =	simm.s32 $0x7000;
	s28 =	sadd.s32 $0xA000, s25  }
0xc3: {  	[hbm4b:s28+s17] =	stream.strided.scatter [tilespmem:s9], [sflag:$0x3], $0x400, s11, s17, $0x38;
	[tilespmem:$0x12000] =	vst v63  }
0xc4: {  	s2 =	simm.s32 $0x7400;
	s28 =	sadd.s32 $0xA080, s25  }
0xc5: {  	[hbm4b:s28+s17] =	stream.strided.scatter [tilespmem:s2], [sflag:$0x3], $0x400, s11, s17, $0x38;
	[tilespmem:$0x12000] =	vst v63  }
0xc6: {  	s0 =	simm.s32 $0x7800;
	s28 =	sadd.s32 $0xA100, s25  }
0xc7: {  	[hbm4b:s28+s17] =	stream.strided.scatter [tilespmem:s0], [sflag:$0x3], $0x400, s11, s17, $0x38;
	[tilespmem:$0x12000] =	vst v63  }
0xc8: {  	s7 =	simm.s32 $0x7C00;
	s28 =	sadd.s32 $0xA180, s25  }
0xc9: {  	[hbm4b:s28+s17] =	stream.strided.scatter [tilespmem:s7], [sflag:$0x3], $0x400, s11, s17, $0x38;
	[tilespmem:$0x12000] =	vst v63  }
0xca: {  	s15 =	simm.s32 $0x8000;
	s28 =	sadd.s32 $0xC000, s25  }
0xcb: {  	[hbm4b:s28+s17] =	stream.strided.scatter [tilespmem:s15], [sflag:$0x3], $0x400, s11, s17, $0x38;
	[tilespmem:$0x12000] =	vst v63  }
0xcc: {  	s12 =	simm.s32 $0x8400;
	s28 =	sadd.s32 $0xC080, s25  }
0xcd: {  	[hbm4b:s28+s17] =	stream.strided.scatter [tilespmem:s12], [sflag:$0x3], $0x400, s11, s17, $0x38;
	[tilespmem:$0x12000] =	vst v63  }
0xce: {  	s10 =	simm.s32 $0x8800;
	s28 =	sadd.s32 $0xC100, s25  }
0xcf: {  	[hbm4b:s28+s17] =	stream.strided.scatter [tilespmem:s10], [sflag:$0x3], $0x400, s11, s17, $0x38;
	[tilespmem:$0x12000] =	vst v63  }
0xd0: {  	s16 =	simm.s32 $0x8C00;
	s28 =	sadd.s32 $0xC180, s25  }
0xd1: {  	[hbm4b:s28+s17] =	stream.strided.scatter [tilespmem:s16], [sflag:$0x3], $0x400, s11, s17, $0x38;
	[tilespmem:$0x12000] =	vst v63  }
0xd2: {  	s6 =	simm.s32 $0x9000;
	s28 =	sadd.s32 $0xE000, s25  }
0xd3: {  	[hbm4b:s28+s17] =	stream.strided.scatter [tilespmem:s6], [sflag:$0x3], $0x400, s11, s17, $0x38;
	[tilespmem:$0x12000] =	vst v63  }
0xd4: {  	s19 =	simm.s32 $0x9400;
	s28 =	sadd.s32 $0xE080, s25  }
0xd5: {  	[hbm4b:s28+s17] =	stream.strided.scatter [tilespmem:s19], [sflag:$0x3], $0x400, s11, s17, $0x38;
	[tilespmem:$0x12000] =	vst v63  }
0xd6: {  	s18 =	simm.s32 $0x9800;
	s28 =	sadd.s32 $0xE100, s25  }
0xd7: {  	[hbm4b:s28+s17] =	stream.strided.scatter [tilespmem:s18], [sflag:$0x3], $0x400, s11, s17, $0x38;
	[tilespmem:$0x12000] =	vst v63  }
0xd8: {  	s22 =	simm.s32 $0x9C00;
	s24 =	simm.s32 $0x3;
	s28 =	sadd.s32 $0xE180, s25  }
0xd9: {  	[hbm4b:s28+s17] =	stream.strided.scatter [tilespmem:s22], [sflag:$0x3], $0x400, s11, s17, $0x38;
	[tilespmem:$0x12000] =	vst v63  }
0xda: {  	_ =	swait.ge [sflag:s24], $0x8000  }
0xdb: {  	[sflag:s24] =	ssyncset.done $0x0  }
0xdc: {  	[sflag:s24] =	ssyncadd.s32 $0xFFFF8000  }
0xdd: {  	v3 =	vld [tilespmem:s26+$0x100];
	_ =	sdelay $0x4  }
0xde: {  	v32 =	vshll.u32 v3, $0x2  }
0xdf: {  	v3 =	vand.u32 $0x7, v3;
	v4 =	vand.u32 $0xFFFFFFE0, v32  }
0xe0: {  	v3 =	vor.u32 v3, v4  }
0xe1: {  	v4 =	vperm.xlane v3, v0;
	_ =	sdelay $0x1  }
0xe2: {  	v4 =	vadd.s32 v1, v4;
	_ =	sdelay $0x1  }
0xe3: {  	v3 =	vperm.xlane v3, v2;
	_ =	sdelay $0x1  }
0xe4: {  	v3 =	vadd.s32 v1, v3  }
0xe5: {  	[tilespmem:s11], [sflag:$0x1] =	stream.indirect_vreg.gather [hbm4b:s1+s3], $0x80, v4, vm0, $0xb8;
	[tilespmem:$0x12000] =	vst v63  }
0xe6: {  	s23 =	simm.s32 $0x2800  }
0xe7: {  	[tilespmem:s23], [sflag:$0x1] =	stream.indirect_vreg.gather [hbm4b:s5+s3], $0x80, v4, vm0, $0xb8;
	[tilespmem:$0x12000] =	vst v63  }
0xe8: {  	s7 =	simm.s32 $0x3000  }
0xe9: {  	[tilespmem:s7], [sflag:$0x1] =	stream.indirect_vreg.gather [hbm4b:s1+s3], $0x80, v3, vm0, $0xb8;
	[tilespmem:$0x12000] =	vst v63  }
0xea: {  	_ = 	snop  }
0xeb: {  	[tilespmem:s31], [sflag:$0x1] =	stream.indirect_vreg.gather [hbm4b:s5+s3], $0x80, v3, vm0, $0xb8;
	[tilespmem:$0x12000] =	vst v63  }
0xec: {  	v3 =	vld [tilespmem:s26+$0x110];
	_ =	sdelay $0x4  }
0xed: {  	v33 =	vshll.u32 v3, $0x2  }
0xee: {  	v3 =	vand.u32 $0x7, v3;
	v4 =	vand.u32 $0xFFFFFFE0, v33  }
0xef: {  	v3 =	vor.u32 v3, v4  }
0xf0: {  	v4 =	vperm.xlane v3, v0;
	_ =	sdelay $0x1  }
0xf1: {  	v4 =	vadd.s32 v1, v4;
	_ =	sdelay $0x1  }
0xf2: {  	v3 =	vperm.xlane v3, v2;
	_ =	sdelay $0x1  }
0xf3: {  	v3 =	vadd.s32 v1, v3  }
0xf4: {  	[tilespmem:s29], [sflag:$0x1] =	stream.indirect_vreg.gather [hbm4b:s1+s3], $0x80, v4, vm0, $0xb8;
	[tilespmem:$0x12000] =	vst v63  }
0xf5: {  	_ = 	snop  }
0xf6: {  	[tilespmem:s13], [sflag:$0x1] =	stream.indirect_vreg.gather [hbm4b:s5+s3], $0x80, v4, vm0, $0xb8;
	[tilespmem:$0x12000] =	vst v63  }
0xf7: {  	_ = 	snop  }
0xf8: {  	[tilespmem:s14], [sflag:$0x1] =	stream.indirect_vreg.gather [hbm4b:s1+s3], $0x80, v3, vm0, $0xb8;
	[tilespmem:$0x12000] =	vst v63  }
0xf9: {  	_ = 	snop  }
0xfa: {  	[tilespmem:s8], [sflag:$0x1] =	stream.indirect_vreg.gather [hbm4b:s5+s3], $0x80, v3, vm0, $0xb8;
	[tilespmem:$0x12000] =	vst v63  }
0xfb: {  	v3 =	vld [tilespmem:s26+$0x120];
	_ =	sdelay $0x4  }
0xfc: {  	v34 =	vshll.u32 v3, $0x2  }
0xfd: {  	v3 =	vand.u32 $0x7, v3;
	v4 =	vand.u32 $0xFFFFFFE0, v34  }
0xfe: {  	v3 =	vor.u32 v3, v4  }
0xff: {  	v4 =	vperm.xlane v3, v0;
	_ =	sdelay $0x1  }
0x100: {  	v4 =	vadd.s32 v1, v4;
	_ =	sdelay $0x1  }
0x101: {  	v3 =	vperm.xlane v3, v2;
	_ =	sdelay $0x1  }
0x102: {  	s12 =	simm.s32 $0x6000;
	v3 =	vadd.s32 v1, v3  }
0x103: {  	[tilespmem:s12], [sflag:$0x1] =	stream.indirect_vreg.gather [hbm4b:s1+s3], $0x80, v4, vm0, $0xb8;
	[tilespmem:$0x12000] =	vst v63  }
0x104: {  	s4 =	simm.s32 $0x6800  }
0x105: {  	[tilespmem:s4], [sflag:$0x1] =	stream.indirect_vreg.gather [hbm4b:s5+s3], $0x80, v4, vm0, $0xb8;
	[tilespmem:$0x12000] =	vst v63  }
0x106: {  	_ = 	snop  }
0x107: {  	[tilespmem:s9], [sflag:$0x1] =	stream.indirect_vreg.gather [hbm4b:s1+s3], $0x80, v3, vm0, $0xb8;
	[tilespmem:$0x12000] =	vst v63  }
0x108: {  	_ = 	snop  }
0x109: {  	[tilespmem:s0], [sflag:$0x1] =	stream.indirect_vreg.gather [hbm4b:s5+s3], $0x80, v3, vm0, $0xb8;
	[tilespmem:$0x12000] =	vst v63  }
0x10a: {  	v3 =	vld [tilespmem:s26+$0x130];
	_ =	sdelay $0x4  }
0x10b: {  	v35 =	vshll.u32 v3, $0x2  }
0x10c: {  	v3 =	vand.u32 $0x7, v3;
	v4 =	vand.u32 $0xFFFFFFE0, v35  }
0x10d: {  	v3 =	vor.u32 v3, v4  }
0x10e: {  	v4 =	vperm.xlane v3, v0;
	_ =	sdelay $0x1  }
0x10f: {  	v4 =	vadd.s32 v1, v4;
	_ =	sdelay $0x1  }
0x110: {  	v3 =	vperm.xlane v3, v2;
	_ =	sdelay $0x1  }
0x111: {  	v3 =	vadd.s32 v1, v3  }
0x112: {  	[tilespmem:s15], [sflag:$0x1] =	stream.indirect_vreg.gather [hbm4b:s1+s3], $0x80, v4, vm0, $0xb8;
	[tilespmem:$0x12000] =	vst v63  }
0x113: {  	_ = 	snop  }
0x114: {  	[tilespmem:s10], [sflag:$0x1] =	stream.indirect_vreg.gather [hbm4b:s5+s3], $0x80, v4, vm0, $0xb8;
	[tilespmem:$0x12000] =	vst v63  }
0x115: {  	_ = 	snop  }
0x116: {  	[tilespmem:s6], [sflag:$0x1] =	stream.indirect_vreg.gather [hbm4b:s1+s3], $0x80, v3, vm0, $0xb8;
	[tilespmem:$0x12000] =	vst v63  }
0x117: {  	s15 =	simm.s32 $0x2  }
0x118: {  	[tilespmem:s18], [sflag:$0x1] =	stream.indirect_vreg.gather [hbm4b:s5+s3], $0x80, v3, vm0, $0xb8;
	[tilespmem:$0x12000] =	vst v63  }
0x119: {  	_ =	swait.ge [sflag:s15], $0x8000  }
0x11a: {  	[sflag:s15] =	ssyncset.done $0x0  }
0x11b: {  	s20 =	simm.s32 $0xA000;
	s28 =	sadd.s32 $0x10, s25;
	[sflag:s15] =	ssyncadd.s32 $0xFFFF8000  }
0x11c: {  	[hbm4b:s28+s17] =	stream.strided.scatter [tilespmem:s20], [sflag:$0x4], $0x400, s11, s17, $0x38;
	[tilespmem:$0x12000] =	vst v63  }
0x11d: {  	s16 =	simm.s32 $0xA400;
	s28 =	sadd.s32 $0x90, s25  }
0x11e: {  	[hbm4b:s28+s17] =	stream.strided.scatter [tilespmem:s16], [sflag:$0x4], $0x400, s11, s17, $0x38;
	[tilespmem:$0x12000] =	vst v63  }
0x11f: {  	s30 =	simm.s32 $0xA800;
	s28 =	sadd.s32 $0x110, s25  }
0x120: {  	[hbm4b:s28+s17] =	stream.strided.scatter [tilespmem:s30], [sflag:$0x4], $0x400, s11, s17, $0x38;
	[tilespmem:$0x12000] =	vst v63  }
0x121: {  	s18 =	simm.s32 $0xAC00;
	s28 =	sadd.s32 $0x190, s25  }
0x122: {  	[hbm4b:s28+s17] =	stream.strided.scatter [tilespmem:s18], [sflag:$0x4], $0x400, s11, s17, $0x38;
	[tilespmem:$0x12000] =	vst v63  }
0x123: {  	s23 =	simm.s32 $0xB000;
	s28 =	sadd.s32 $0x2010, s25  }
0x124: {  	[hbm4b:s28+s17] =	stream.strided.scatter [tilespmem:s23], [sflag:$0x4], $0x400, s11, s17, $0x38;
	[tilespmem:$0x12000] =	vst v63  }
0x125: {  	s19 =	simm.s32 $0xB400;
	s28 =	sadd.s32 $0x2090, s25  }
0x126: {  	[hbm4b:s28+s17] =	stream.strided.scatter [tilespmem:s19], [sflag:$0x4], $0x400, s11, s17, $0x38;
	[tilespmem:$0x12000] =	vst v63  }
0x127: {  	s7 =	simm.s32 $0xB800;
	s28 =	sadd.s32 $0x2110, s25  }
0x128: {  	[hbm4b:s28+s17] =	stream.strided.scatter [tilespmem:s7], [sflag:$0x4], $0x400, s11, s17, $0x38;
	[tilespmem:$0x12000] =	vst v63  }
0x129: {  	s22 =	simm.s32 $0xBC00;
	s28 =	sadd.s32 $0x2190, s25  }
0x12a: {  	[hbm4b:s28+s17] =	stream.strided.scatter [tilespmem:s22], [sflag:$0x4], $0x400, s11, s17, $0x38;
	[tilespmem:$0x12000] =	vst v63  }
0x12b: {  	s12 =	simm.s32 $0xC000;
	s28 =	sadd.s32 $0x4010, s25  }
0x12c: {  	[hbm4b:s28+s17] =	stream.strided.scatter [tilespmem:s12], [sflag:$0x4], $0x400, s11, s17, $0x38;
	[tilespmem:$0x12000] =	vst v63  }
0x12d: {  	s0 =	simm.s32 $0xC400;
	s28 =	sadd.s32 $0x4090, s25  }
0x12e: {  	[hbm4b:s28+s17] =	stream.strided.scatter [tilespmem:s0], [sflag:$0x4], $0x400, s11, s17, $0x38;
	[tilespmem:$0x12000] =	vst v63  }
0x12f: {  	s19 =	simm.s32 $0xC800;
	s28 =	sadd.s32 $0x4110, s25  }
0x130: {  	[hbm4b:s28+s17] =	stream.strided.scatter [tilespmem:s19], [sflag:$0x4], $0x400, s11, s17, $0x38;
	[tilespmem:$0x12000] =	vst v63  }
0x131: {  	s2 =	simm.s32 $0xCC00;
	s28 =	sadd.s32 $0x4190, s25  }
0x132: {  	[hbm4b:s28+s17] =	stream.strided.scatter [tilespmem:s2], [sflag:$0x4], $0x400, s11, s17, $0x38;
	[tilespmem:$0x12000] =	vst v63  }
0x133: {  	s10 =	simm.s32 $0xD000;
	s28 =	sadd.s32 $0x6010, s25  }
0x134: {  	[hbm4b:s28+s17] =	stream.strided.scatter [tilespmem:s10], [sflag:$0x4], $0x400, s11, s17, $0x38;
	[tilespmem:$0x12000] =	vst v63  }
0x135: {  	s4 =	simm.s32 $0xD400;
	s28 =	sadd.s32 $0x6090, s25  }
0x136: {  	[hbm4b:s28+s17] =	stream.strided.scatter [tilespmem:s4], [sflag:$0x4], $0x400, s11, s17, $0x38;
	[tilespmem:$0x12000] =	vst v63  }
0x137: {  	s15 =	simm.s32 $0xD800;
	s28 =	sadd.s32 $0x6110, s25  }
0x138: {  	[hbm4b:s28+s17] =	stream.strided.scatter [tilespmem:s15], [sflag:$0x4], $0x400, s11, s17, $0x38;
	[tilespmem:$0x12000] =	vst v63  }
0x139: {  	s6 =	simm.s32 $0xDC00;
	s28 =	sadd.s32 $0x6190, s25  }
0x13a: {  	[hbm4b:s28+s17] =	stream.strided.scatter [tilespmem:s6], [sflag:$0x4], $0x400, s11, s17, $0x38;
	[tilespmem:$0x12000] =	vst v63  }
0x13b: {  	s22 =	simm.s32 $0xE000;
	s28 =	sadd.s32 $0x8010, s25  }
0x13c: {  	[hbm4b:s28+s17] =	stream.strided.scatter [tilespmem:s22], [sflag:$0x4], $0x400, s11, s17, $0x38;
	[tilespmem:$0x12000] =	vst v63  }
0x13d: {  	s8 =	simm.s32 $0xE400;
	s28 =	sadd.s32 $0x8090, s25  }
0x13e: {  	[hbm4b:s28+s17] =	stream.strided.scatter [tilespmem:s8], [sflag:$0x4], $0x400, s11, s17, $0x38;
	[tilespmem:$0x12000] =	vst v63  }
0x13f: {  	s18 =	simm.s32 $0xE800;
	s28 =	sadd.s32 $0x8110, s25  }
0x140: {  	[hbm4b:s28+s17] =	stream.strided.scatter [tilespmem:s18], [sflag:$0x4], $0x400, s11, s17, $0x38;
	[tilespmem:$0x12000] =	vst v63  }
0x141: {  	s16 =	simm.s32 $0xEC00;
	s28 =	sadd.s32 $0x8190, s25  }
0x142: {  	[hbm4b:s28+s17] =	stream.strided.scatter [tilespmem:s16], [sflag:$0x4], $0x400, s11, s17, $0x38;
	[tilespmem:$0x12000] =	vst v63  }
0x143: {  	s6 =	simm.s32 $0xF000;
	s28 =	sadd.s32 $0xA010, s25  }
0x144: {  	[hbm4b:s28+s17] =	stream.strided.scatter [tilespmem:s6], [sflag:$0x4], $0x400, s11, s17, $0x38;
	[tilespmem:$0x12000] =	vst v63  }
0x145: {  	s0 =	simm.s32 $0xF400;
	s28 =	sadd.s32 $0xA090, s25  }
0x146: {  	[hbm4b:s28+s17] =	stream.strided.scatter [tilespmem:s0], [sflag:$0x4], $0x400, s11, s17, $0x38;
	[tilespmem:$0x12000] =	vst v63  }
0x147: {  	s28 =	sadd.s32 $0xA110, s25;
	s0 =	simm.s32 $0xF800  }
0x148: {  	[hbm4b:s28+s17] =	stream.strided.scatter [tilespmem:s0], [sflag:$0x4], $0x400, s11, s17, $0x38;
	[tilespmem:$0x12000] =	vst v63  }
0x149: {  	s2 =	simm.s32 $0xFC00;
	s28 =	sadd.s32 $0xA190, s25  }
0x14a: {  	[hbm4b:s28+s17] =	stream.strided.scatter [tilespmem:s2], [sflag:$0x4], $0x400, s11, s17, $0x38;
	[tilespmem:$0x12000] =	vst v63  }
0x14b: {  	s16 =	simm.s32 $0x10000;
	s28 =	sadd.s32 $0xC010, s25  }
0x14c: {  	[hbm4b:s28+s17] =	stream.strided.scatter [tilespmem:s16], [sflag:$0x4], $0x400, s11, s17, $0x38;
	[tilespmem:$0x12000] =	vst v63  }
0x14d: {  	s4 =	simm.s32 $0x10400;
	s28 =	sadd.s32 $0xC090, s25  }
0x14e: {  	[hbm4b:s28+s17] =	stream.strided.scatter [tilespmem:s4], [sflag:$0x4], $0x400, s11, s17, $0x38;
	[tilespmem:$0x12000] =	vst v63  }
0x14f: {  	s2 =	simm.s32 $0x10800;
	s28 =	sadd.s32 $0xC110, s25  }
0x150: {  	[hbm4b:s28+s17] =	stream.strided.scatter [tilespmem:s2], [sflag:$0x4], $0x400, s11, s17, $0x38;
	[tilespmem:$0x12000] =	vst v63  }
0x151: {  	s8 =	simm.s32 $0x10C00;
	s28 =	sadd.s32 $0xC190, s25  }
0x152: {  	[hbm4b:s28+s17] =	stream.strided.scatter [tilespmem:s8], [sflag:$0x4], $0x400, s11, s17, $0x38;
	[tilespmem:$0x12000] =	vst v63  }
0x153: {  	s28 =	sadd.s32 $0xE010, s25;
	s8 =	simm.s32 $0x11000  }
0x154: {  	[hbm4b:s28+s17] =	stream.strided.scatter [tilespmem:s8], [sflag:$0x4], $0x400, s11, s17, $0x38;
	[tilespmem:$0x12000] =	vst v63  }
0x155: {  	s4 =	simm.s32 $0x11400;
	s28 =	sadd.s32 $0xE090, s25  }
0x156: {  	[hbm4b:s28+s17] =	stream.strided.scatter [tilespmem:s4], [sflag:$0x4], $0x400, s11, s17, $0x38;
	[tilespmem:$0x12000] =	vst v63  }
0x157: {  	s28 =	sadd.s32 $0xE110, s25;
	s4 =	simm.s32 $0x11800  }
0x158: {  	[hbm4b:s28+s17] =	stream.strided.scatter [tilespmem:s4], [sflag:$0x4], $0x400, s11, s17, $0x38;
	[tilespmem:$0x12000] =	vst v63  }
0x159: {  	s9 =	simm.s32 $0x4;
	s28 =	sadd.s32 $0xE190, s25;
	s4 =	simm.s32 $0x11C00  }
0x15a: {  	[hbm4b:s28+s17] =	stream.strided.scatter [tilespmem:s4], [sflag:$0x4], $0x400, s11, s17, $0x38;
	[tilespmem:$0x12000] =	vst v63  }
0x15b: {  	_ =	swait.ge [sflag:s9], $0x8000  }
0x15c: {  	[sflag:s9] =	ssyncset.done $0x0  }
0x15d: {  	[sflag:s9] =	ssyncadd.s32 $0xFFFF8000  }
0x15e: {  	v3 =	vld [tilespmem:s26+$0x180];
	_ =	sdelay $0x4  }
0x15f: {  	v36 =	vshll.u32 v3, $0x2  }
0x160: {  	v3 =	vand.u32 $0x7, v3;
	v4 =	vand.u32 $0xFFFFFFE0, v36  }
0x161: {  	v3 =	vor.u32 v3, v4  }
0x162: {  	v4 =	vperm.xlane v3, v0;
	_ =	sdelay $0x1  }
0x163: {  	v4 =	vadd.s32 v1, v4;
	_ =	sdelay $0x1  }
0x164: {  	v3 =	vperm.xlane v3, v2;
	_ =	sdelay $0x1  }
0x165: {  	v3 =	vadd.s32 v1, v3  }
0x166: {  	[tilespmem:s20], [sflag:$0x2] =	stream.indirect_vreg.gather [hbm4b:s1+s3], $0x80, v4, vm0, $0xb8;
	[tilespmem:$0x12000] =	vst v63  }
0x167: {  	_ = 	snop  }
0x168: {  	[tilespmem:s30], [sflag:$0x2] =	stream.indirect_vreg.gather [hbm4b:s5+s3], $0x80, v4, vm0, $0xb8;
	[tilespmem:$0x12000] =	vst v63  }
0x169: {  	_ = 	snop  }
0x16a: {  	[tilespmem:s23], [sflag:$0x2] =	stream.indirect_vreg.gather [hbm4b:s1+s3], $0x80, v3, vm0, $0xb8;
	[tilespmem:$0x12000] =	vst v63  }
0x16b: {  	_ = 	snop  }
0x16c: {  	[tilespmem:s7], [sflag:$0x2] =	stream.indirect_vreg.gather [hbm4b:s5+s3], $0x80, v3, vm0, $0xb8;
	[tilespmem:$0x12000] =	vst v63  }
0x16d: {  	v3 =	vld [tilespmem:s26+$0x190];
	_ =	sdelay $0x4  }
0x16e: {  	v37 =	vshll.u32 v3, $0x2  }
0x16f: {  	v3 =	vand.u32 $0x7, v3;
	v4 =	vand.u32 $0xFFFFFFE0, v37  }
0x170: {  	v3 =	vor.u32 v3, v4  }
0x171: {  	v4 =	vperm.xlane v3, v0;
	_ =	sdelay $0x1  }
0x172: {  	v4 =	vadd.s32 v1, v4;
	_ =	sdelay $0x1  }
0x173: {  	v3 =	vperm.xlane v3, v2;
	_ =	sdelay $0x1  }
0x174: {  	v3 =	vadd.s32 v1, v3  }
0x175: {  	[tilespmem:s12], [sflag:$0x2] =	stream.indirect_vreg.gather [hbm4b:s1+s3], $0x80, v4, vm0, $0xb8;
	[tilespmem:$0x12000] =	vst v63  }
0x176: {  	_ = 	snop  }
0x177: {  	[tilespmem:s19], [sflag:$0x2] =	stream.indirect_vreg.gather [hbm4b:s5+s3], $0x80, v4, vm0, $0xb8;
	[tilespmem:$0x12000] =	vst v63  }
0x178: {  	_ = 	snop  }
0x179: {  	[tilespmem:s10], [sflag:$0x2] =	stream.indirect_vreg.gather [hbm4b:s1+s3], $0x80, v3, vm0, $0xb8;
	[tilespmem:$0x12000] =	vst v63  }
0x17a: {  	_ = 	snop  }
0x17b: {  	[tilespmem:s15], [sflag:$0x2] =	stream.indirect_vreg.gather [hbm4b:s5+s3], $0x80, v3, vm0, $0xb8;
	[tilespmem:$0x12000] =	vst v63  }
0x17c: {  	v3 =	vld [tilespmem:s26+$0x1A0];
	_ =	sdelay $0x4  }
0x17d: {  	v38 =	vshll.u32 v3, $0x2  }
0x17e: {  	v3 =	vand.u32 $0x7, v3;
	v4 =	vand.u32 $0xFFFFFFE0, v38  }
0x17f: {  	v3 =	vor.u32 v3, v4  }
0x180: {  	v4 =	vperm.xlane v3, v0;
	_ =	sdelay $0x1  }
0x181: {  	v4 =	vadd.s32 v1, v4;
	_ =	sdelay $0x1  }
0x182: {  	v3 =	vperm.xlane v3, v2;
	_ =	sdelay $0x1  }
0x183: {  	v3 =	vadd.s32 v1, v3  }
0x184: {  	[tilespmem:s22], [sflag:$0x2] =	stream.indirect_vreg.gather [hbm4b:s1+s3], $0x80, v4, vm0, $0xb8;
	[tilespmem:$0x12000] =	vst v63  }
0x185: {  	_ = 	snop  }
0x186: {  	[tilespmem:s18], [sflag:$0x2] =	stream.indirect_vreg.gather [hbm4b:s5+s3], $0x80, v4, vm0, $0xb8;
	[tilespmem:$0x12000] =	vst v63  }
0x187: {  	_ = 	snop  }
0x188: {  	[tilespmem:s6], [sflag:$0x2] =	stream.indirect_vreg.gather [hbm4b:s1+s3], $0x80, v3, vm0, $0xb8;
	[tilespmem:$0x12000] =	vst v63  }
0x189: {  	_ = 	snop  }
0x18a: {  	[tilespmem:s0], [sflag:$0x2] =	stream.indirect_vreg.gather [hbm4b:s5+s3], $0x80, v3, vm0, $0xb8;
	[tilespmem:$0x12000] =	vst v63  }
0x18b: {  	v3 =	vld [tilespmem:s26+$0x1B0];
	_ =	sdelay $0x4  }
0x18c: {  	v39 =	vshll.u32 v3, $0x2  }
0x18d: {  	v3 =	vand.u32 $0x7, v3;
	v4 =	vand.u32 $0xFFFFFFE0, v39  }
0x18e: {  	v3 =	vor.u32 v3, v4  }
0x18f: {  	v4 =	vperm.xlane v3, v0;
	_ =	sdelay $0x1  }
0x190: {  	v4 =	vadd.s32 v1, v4;
	_ =	sdelay $0x1  }
0x191: {  	v3 =	vperm.xlane v3, v2;
	_ =	sdelay $0x1  }
0x192: {  	v3 =	vadd.s32 v1, v3  }
0x193: {  	[tilespmem:s16], [sflag:$0x2] =	stream.indirect_vreg.gather [hbm4b:s1+s3], $0x80, v4, vm0, $0xb8;
	[tilespmem:$0x12000] =	vst v63  }
0x194: {  	_ = 	snop  }
0x195: {  	[tilespmem:s2], [sflag:$0x2] =	stream.indirect_vreg.gather [hbm4b:s5+s3], $0x80, v4, vm0, $0xb8;
	[tilespmem:$0x12000] =	vst v63  }
0x196: {  	s20 =	smov.u32 s21  }
0x197: {  	[tilespmem:s8], [sflag:$0x2] =	stream.indirect_vreg.gather [hbm4b:s1+s3], $0x80, v3, vm0, $0xb8;
	[tilespmem:$0x12000] =	vst v63  }
0x198: {  	s4 =	simm.s32 $0x11800;
	s21 =	simm.s32 $0x1;
	[dreg:$0xd] =	wrdreg s20  }
0x199: {  	[tilespmem:s4], [sflag:$0x2] =	stream.indirect_vreg.gather [hbm4b:s5+s3], $0x80, v3, vm0, $0xb8;
	[tilespmem:$0x12000] =	vst v63  }
0x19a: {  	_ =	swait.ge [sflag:s21], $0x8000  }
0x19b: {  	[sflag:s21] =	ssyncset.done $0x0  }
0x19c: {  	s6 =	sadd.s32 $0x20, s25;
	[sflag:s21] =	ssyncadd.s32 $0xFFFF8000  }
0x19d: {  	[hbm4b:s6+s17] =	stream.strided.scatter [tilespmem:s11], [sflag:$0x3], $0x400, s11, s17, $0x38;
	[tilespmem:$0x12000] =	vst v63  }
0x19e: {  	s9 =	simm.s32 $0x2400;
	s8 =	sadd.s32 $0xA0, s25  }
0x19f: {  	[hbm4b:s8+s17] =	stream.strided.scatter [tilespmem:s9], [sflag:$0x3], $0x400, s11, s17, $0x38;
	[tilespmem:$0x12000] =	vst v63  }
0x1a0: {  	s12 =	simm.s32 $0x2800;
	s10 =	sadd.s32 $0x120, s25  }
0x1a1: {  	[hbm4b:s10+s17] =	stream.strided.scatter [tilespmem:s12], [sflag:$0x3], $0x400, s11, s17, $0x38;
	[tilespmem:$0x12000] =	vst v63  }
0x1a2: {  	s15 =	sadd.s32 $0x1A0, s25;
	s16 =	simm.s32 $0x2C00  }
0x1a3: {  	[hbm4b:s15+s17] =	stream.strided.scatter [tilespmem:s16], [sflag:$0x3], $0x400, s11, s17, $0x38;
	[tilespmem:$0x12000] =	vst v63  }
0x1a4: {  	s19 =	simm.s32 $0x3000;
	s18 =	sadd.s32 $0x2020, s25  }
0x1a5: {  	[hbm4b:s18+s17] =	stream.strided.scatter [tilespmem:s19], [sflag:$0x3], $0x400, s11, s17, $0x38;
	[tilespmem:$0x12000] =	vst v63  }
0x1a6: {  	s23 =	simm.s32 $0x3400;
	s22 =	sadd.s32 $0x20A0, s25  }
0x1a7: {  	[hbm4b:s22+s17] =	stream.strided.scatter [tilespmem:s23], [sflag:$0x3], $0x400, s11, s17, $0x38;
	[tilespmem:$0x12000] =	vst v63  }
0x1a8: {  	s2 =	sadd.s32 $0x2120, s25  }
0x1a9: {  	[hbm4b:s2+s17] =	stream.strided.scatter [tilespmem:s31], [sflag:$0x3], $0x400, s11, s17, $0x38;
	[tilespmem:$0x12000] =	vst v63  }
0x1aa: {  	s4 =	sadd.s32 $0x21A0, s25;
	s6 =	simm.s32 $0x3C00  }
0x1ab: {  	[hbm4b:s4+s17] =	stream.strided.scatter [tilespmem:s6], [sflag:$0x3], $0x400, s11, s17, $0x38;
	[tilespmem:$0x12000] =	vst v63  }
0x1ac: {  	s8 =	sadd.s32 $0x4020, s25  }
0x1ad: {  	[hbm4b:s8+s17] =	stream.strided.scatter [tilespmem:s29], [sflag:$0x3], $0x400, s11, s17, $0x38;
	[tilespmem:$0x12000] =	vst v63  }
0x1ae: {  	s9 =	sadd.s32 $0x40A0, s25;
	s10 =	simm.s32 $0x4400  }
0x1af: {  	[hbm4b:s9+s17] =	stream.strided.scatter [tilespmem:s10], [sflag:$0x3], $0x400, s11, s17, $0x38;
	[tilespmem:$0x12000] =	vst v63  }
0x1b0: {  	s12 =	sadd.s32 $0x4120, s25  }
0x1b1: {  	[hbm4b:s12+s17] =	stream.strided.scatter [tilespmem:s13], [sflag:$0x3], $0x400, s11, s17, $0x38;
	[tilespmem:$0x12000] =	vst v63  }
0x1b2: {  	s15 =	sadd.s32 $0x41A0, s25;
	s16 =	simm.s32 $0x4C00  }
0x1b3: {  	[hbm4b:s15+s17] =	stream.strided.scatter [tilespmem:s16], [sflag:$0x3], $0x400, s11, s17, $0x38;
	[tilespmem:$0x12000] =	vst v63  }
0x1b4: {  	s18 =	sadd.s32 $0x6020, s25  }
0x1b5: {  	[hbm4b:s18+s17] =	stream.strided.scatter [tilespmem:s14], [sflag:$0x3], $0x400, s11, s17, $0x38;
	[tilespmem:$0x12000] =	vst v63  }
0x1b6: {  	s22 =	sadd.s32 $0x60A0, s25;
	s23 =	simm.s32 $0x5400  }
0x1b7: {  	[hbm4b:s22+s17] =	stream.strided.scatter [tilespmem:s23], [sflag:$0x3], $0x400, s11, s17, $0x38;
	[tilespmem:$0x12000] =	vst v63  }
0x1b8: {  	s19 =	simm.s32 $0x5800;
	s4 =	sadd.s32 $0x6120, s25  }
0x1b9: {  	[hbm4b:s4+s17] =	stream.strided.scatter [tilespmem:s19], [sflag:$0x3], $0x400, s11, s17, $0x38;
	[tilespmem:$0x12000] =	vst v63  }
0x1ba: {  	s6 =	sadd.s32 $0x61A0, s25;
	s8 =	simm.s32 $0x5C00  }
0x1bb: {  	[hbm4b:s6+s17] =	stream.strided.scatter [tilespmem:s8], [sflag:$0x3], $0x400, s11, s17, $0x38;
	[tilespmem:$0x12000] =	vst v63  }
0x1bc: {  	s9 =	sadd.s32 $0x8020, s25;
	s8 =	simm.s32 $0x6000  }
0x1bd: {  	[hbm4b:s9+s17] =	stream.strided.scatter [tilespmem:s8], [sflag:$0x3], $0x400, s11, s17, $0x38;
	[tilespmem:$0x12000] =	vst v63  }
0x1be: {  	s10 =	sadd.s32 $0x80A0, s25;
	s12 =	simm.s32 $0x6400  }
0x1bf: {  	[hbm4b:s10+s17] =	stream.strided.scatter [tilespmem:s12], [sflag:$0x3], $0x400, s11, s17, $0x38;
	[tilespmem:$0x12000] =	vst v63  }
0x1c0: {  	s14 =	sadd.s32 $0x8120, s25;
	s4 =	simm.s32 $0x6800  }
0x1c1: {  	[hbm4b:s14+s17] =	stream.strided.scatter [tilespmem:s4], [sflag:$0x3], $0x400, s11, s17, $0x38;
	[tilespmem:$0x12000] =	vst v63  }
0x1c2: {  	s15 =	sadd.s32 $0x81A0, s25;
	s16 =	simm.s32 $0x6C00  }
0x1c3: {  	[hbm4b:s15+s17] =	stream.strided.scatter [tilespmem:s16], [sflag:$0x3], $0x400, s11, s17, $0x38;
	[tilespmem:$0x12000] =	vst v63  }
0x1c4: {  	s18 =	sadd.s32 $0xA020, s25;
	s9 =	simm.s32 $0x7000  }
0x1c5: {  	[hbm4b:s18+s17] =	stream.strided.scatter [tilespmem:s9], [sflag:$0x3], $0x400, s11, s17, $0x38;
	[tilespmem:$0x12000] =	vst v63  }
0x1c6: {  	s23 =	simm.s32 $0x7400;
	s19 =	sadd.s32 $0xA0A0, s25  }
0x1c7: {  	[hbm4b:s19+s17] =	stream.strided.scatter [tilespmem:s23], [sflag:$0x3], $0x400, s11, s17, $0x38;
	[tilespmem:$0x12000] =	vst v63  }
0x1c8: {  	s0 =	sadd.s32 $0xA120, s25;
	s15 =	simm.s32 $0x7800  }
0x1c9: {  	[hbm4b:s0+s17] =	stream.strided.scatter [tilespmem:s15], [sflag:$0x3], $0x400, s11, s17, $0x38;
	[tilespmem:$0x12000] =	vst v63  }
0x1ca: {  	s2 =	sadd.s32 $0xA1A0, s25;
	s6 =	simm.s32 $0x7C00  }
0x1cb: {  	[hbm4b:s2+s17] =	stream.strided.scatter [tilespmem:s6], [sflag:$0x3], $0x400, s11, s17, $0x38;
	[tilespmem:$0x12000] =	vst v63  }
0x1cc: {  	s10 =	sadd.s32 $0xC020, s25;
	s14 =	simm.s32 $0x8000  }
0x1cd: {  	[hbm4b:s10+s17] =	stream.strided.scatter [tilespmem:s14], [sflag:$0x3], $0x400, s11, s17, $0x38;
	[tilespmem:$0x12000] =	vst v63  }
0x1ce: {  	s12 =	sadd.s32 $0xC0A0, s25;
	s16 =	simm.s32 $0x8400  }
0x1cf: {  	[hbm4b:s12+s17] =	stream.strided.scatter [tilespmem:s16], [sflag:$0x3], $0x400, s11, s17, $0x38;
	[tilespmem:$0x12000] =	vst v63  }
0x1d0: {  	s18 =	sadd.s32 $0xC120, s25;
	s10 =	simm.s32 $0x8800  }
0x1d1: {  	[hbm4b:s18+s17] =	stream.strided.scatter [tilespmem:s10], [sflag:$0x3], $0x400, s11, s17, $0x38;
	[tilespmem:$0x12000] =	vst v63  }
0x1d2: {  	s19 =	sadd.s32 $0xC1A0, s25;
	s23 =	simm.s32 $0x8C00  }
0x1d3: {  	[hbm4b:s19+s17] =	stream.strided.scatter [tilespmem:s23], [sflag:$0x3], $0x400, s11, s17, $0x38;
	[tilespmem:$0x12000] =	vst v63  }
0x1d4: {  	s0 =	sadd.s32 $0xE020, s25;
	s6 =	simm.s32 $0x9000  }
0x1d5: {  	[hbm4b:s0+s17] =	stream.strided.scatter [tilespmem:s6], [sflag:$0x3], $0x400, s11, s17, $0x38;
	[tilespmem:$0x12000] =	vst v63  }
0x1d6: {  	s2 =	sadd.s32 $0xE0A0, s25;
	s12 =	simm.s32 $0x9400  }
0x1d7: {  	[hbm4b:s2+s17] =	stream.strided.scatter [tilespmem:s12], [sflag:$0x3], $0x400, s11, s17, $0x38;
	[tilespmem:$0x12000] =	vst v63  }
0x1d8: {  	s28 =	sadd.s32 $0xE120, s25;
	s26 =	simm.s32 $0x1;
	s16 =	simm.s32 $0x9800  }
0x1d9: {  	[hbm4b:s28+s17] =	stream.strided.scatter [tilespmem:s16], [sflag:$0x3], $0x400, s11, s17, $0x38;
	[tilespmem:$0x12000] =	vst v63  }
0x1da: {  	s26 =	simm.s32 @!p0 $0x0;
	s18 =	simm.s32 $0x9C00;
	s28 =	sadd.s32 $0xE1A0, s25  }
0x1db: {  	[hbm4b:s28+s17] =	stream.strided.scatter [tilespmem:s18], [sflag:$0x3], $0x400, s11, s17, $0x38;
	[tilespmem:$0x12000] =	vst v63  }
0x1dc: {  	s26 =	sshll.u32 s26, $0x6;
	_ =	swait.ge [sflag:s24], $0x8000  }
0x1dd: {  	s26 =	sadd.s32 s26, s20;
	[sflag:s24] =	ssyncset.done $0x0  }
0x1de: {  	s28 =	sor.u32 $0x200, s26;
	[sflag:s24] =	ssyncadd.s32 $0xFFFF8000  }
0x1df: {  	v3 =	vld [tilespmem:s28+$0x0];
	_ =	sdelay $0x4  }
0x1e0: {  	v40 =	vshll.u32 v3, $0x2  }
0x1e1: {  	v3 =	vand.u32 $0x7, v3;
	v4 =	vand.u32 $0xFFFFFFE0, v40  }
0x1e2: {  	v3 =	vor.u32 v3, v4  }
0x1e3: {  	v4 =	vperm.xlane v3, v0;
	_ =	sdelay $0x1  }
0x1e4: {  	v4 =	vadd.s32 v1, v4;
	_ =	sdelay $0x1  }
0x1e5: {  	v3 =	vperm.xlane v3, v2;
	_ =	sdelay $0x1  }
0x1e6: {  	v3 =	vadd.s32 v1, v3  }
0x1e7: {  	[tilespmem:s11], [sflag:$0x1] =	stream.indirect_vreg.gather [hbm4b:s1+s3], $0x80, v4, vm0, $0xb8;
	[tilespmem:$0x12000] =	vst v63  }
0x1e8: {  	s19 =	simm.s32 $0x2800  }
0x1e9: {  	[tilespmem:s19], [sflag:$0x1] =	stream.indirect_vreg.gather [hbm4b:s5+s3], $0x80, v4, vm0, $0xb8;
	[tilespmem:$0x12000] =	vst v63  }
0x1ea: {  	s20 =	simm.s32 $0x3000  }
0x1eb: {  	[tilespmem:s20], [sflag:$0x1] =	stream.indirect_vreg.gather [hbm4b:s1+s3], $0x80, v3, vm0, $0xb8;
	[tilespmem:$0x12000] =	vst v63  }
0x1ec: {  	_ = 	snop  }
0x1ed: {  	[tilespmem:s31], [sflag:$0x1] =	stream.indirect_vreg.gather [hbm4b:s5+s3], $0x80, v3, vm0, $0xb8;
	[tilespmem:$0x12000] =	vst v63  }
0x1ee: {  	v3 =	vld [tilespmem:s28+$0x10];
	_ =	sdelay $0x4  }
0x1ef: {  	v41 =	vshll.u32 v3, $0x2  }
0x1f0: {  	v3 =	vand.u32 $0x7, v3;
	v4 =	vand.u32 $0xFFFFFFE0, v41  }
0x1f1: {  	v3 =	vor.u32 v3, v4  }
0x1f2: {  	v4 =	vperm.xlane v3, v0;
	_ =	sdelay $0x1  }
0x1f3: {  	v4 =	vadd.s32 v1, v4;
	_ =	sdelay $0x1  }
0x1f4: {  	v3 =	vperm.xlane v3, v2;
	_ =	sdelay $0x1  }
0x1f5: {  	v3 =	vadd.s32 v1, v3  }
0x1f6: {  	[tilespmem:s29], [sflag:$0x1] =	stream.indirect_vreg.gather [hbm4b:s1+s3], $0x80, v4, vm0, $0xb8;
	[tilespmem:$0x12000] =	vst v63  }
0x1f7: {  	_ = 	snop  }
0x1f8: {  	[tilespmem:s13], [sflag:$0x1] =	stream.indirect_vreg.gather [hbm4b:s5+s3], $0x80, v4, vm0, $0xb8;
	[tilespmem:$0x12000] =	vst v63  }
0x1f9: {  	s23 =	simm.s32 $0x5000  }
0x1fa: {  	[tilespmem:s23], [sflag:$0x1] =	stream.indirect_vreg.gather [hbm4b:s1+s3], $0x80, v3, vm0, $0xb8;
	[tilespmem:$0x12000] =	vst v63  }
0x1fb: {  	s22 =	simm.s32 $0x5800  }
0x1fc: {  	[tilespmem:s22], [sflag:$0x1] =	stream.indirect_vreg.gather [hbm4b:s5+s3], $0x80, v3, vm0, $0xb8;
	[tilespmem:$0x12000] =	vst v63  }
0x1fd: {  	v3 =	vld [tilespmem:s28+$0x20];
	_ =	sdelay $0x4  }
0x1fe: {  	v42 =	vshll.u32 v3, $0x2  }
0x1ff: {  	v3 =	vand.u32 $0x7, v3;
	v4 =	vand.u32 $0xFFFFFFE0, v42  }
0x200: {  	v3 =	vor.u32 v3, v4  }
0x201: {  	v4 =	vperm.xlane v3, v0;
	_ =	sdelay $0x1  }
0x202: {  	v4 =	vadd.s32 v1, v4;
	_ =	sdelay $0x1  }
0x203: {  	v3 =	vperm.xlane v3, v2;
	_ =	sdelay $0x1  }
0x204: {  	v3 =	vadd.s32 v1, v3  }
0x205: {  	[tilespmem:s8], [sflag:$0x1] =	stream.indirect_vreg.gather [hbm4b:s1+s3], $0x80, v4, vm0, $0xb8;
	[tilespmem:$0x12000] =	vst v63  }
0x206: {  	_ = 	snop  }
0x207: {  	[tilespmem:s4], [sflag:$0x1] =	stream.indirect_vreg.gather [hbm4b:s5+s3], $0x80, v4, vm0, $0xb8;
	[tilespmem:$0x12000] =	vst v63  }
0x208: {  	_ = 	snop  }
0x209: {  	[tilespmem:s9], [sflag:$0x1] =	stream.indirect_vreg.gather [hbm4b:s1+s3], $0x80, v3, vm0, $0xb8;
	[tilespmem:$0x12000] =	vst v63  }
0x20a: {  	_ = 	snop  }
0x20b: {  	[tilespmem:s15], [sflag:$0x1] =	stream.indirect_vreg.gather [hbm4b:s5+s3], $0x80, v3, vm0, $0xb8;
	[tilespmem:$0x12000] =	vst v63  }
0x20c: {  	v3 =	vld [tilespmem:s28+$0x30];
	_ =	sdelay $0x4  }
0x20d: {  	v43 =	vshll.u32 v3, $0x2  }
0x20e: {  	v3 =	vand.u32 $0x7, v3;
	v4 =	vand.u32 $0xFFFFFFE0, v43  }
0x20f: {  	v3 =	vor.u32 v3, v4  }
0x210: {  	v4 =	vperm.xlane v3, v0;
	_ =	sdelay $0x1  }
0x211: {  	v4 =	vadd.s32 v1, v4;
	_ =	sdelay $0x1  }
0x212: {  	v3 =	vperm.xlane v3, v2;
	_ =	sdelay $0x1  }
0x213: {  	v3 =	vadd.s32 v1, v3  }
0x214: {  	[tilespmem:s14], [sflag:$0x1] =	stream.indirect_vreg.gather [hbm4b:s1+s3], $0x80, v4, vm0, $0xb8;
	[tilespmem:$0x12000] =	vst v63  }
0x215: {  	_ = 	snop  }
0x216: {  	[tilespmem:s10], [sflag:$0x1] =	stream.indirect_vreg.gather [hbm4b:s5+s3], $0x80, v4, vm0, $0xb8;
	[tilespmem:$0x12000] =	vst v63  }
0x217: {  	_ = 	snop  }
0x218: {  	[tilespmem:s6], [sflag:$0x1] =	stream.indirect_vreg.gather [hbm4b:s1+s3], $0x80, v3, vm0, $0xb8;
	[tilespmem:$0x12000] =	vst v63  }
0x219: {  	s7 =	simm.s32 $0x2  }
0x21a: {  	[tilespmem:s16], [sflag:$0x1] =	stream.indirect_vreg.gather [hbm4b:s5+s3], $0x80, v3, vm0, $0xb8;
	[tilespmem:$0x12000] =	vst v63  }
0x21b: {  	_ =	swait.ge [sflag:s7], $0x8000  }
0x21c: {  	[sflag:s7] =	ssyncset.done $0x0  }
0x21d: {  	s19 =	simm.s32 $0xA000;
	s28 =	sadd.s32 $0x30, s25;
	[sflag:s7] =	ssyncadd.s32 $0xFFFF8000  }
0x21e: {  	[hbm4b:s28+s17] =	stream.strided.scatter [tilespmem:s19], [sflag:$0x4], $0x400, s11, s17, $0x38;
	[tilespmem:$0x12000] =	vst v63  }
0x21f: {  	s9 =	simm.s32 $0xA400;
	s28 =	sadd.s32 $0xB0, s25  }
0x220: {  	[hbm4b:s28+s17] =	stream.strided.scatter [tilespmem:s9], [sflag:$0x4], $0x400, s11, s17, $0x38;
	[tilespmem:$0x12000] =	vst v63  }
0x221: {  	s14 =	simm.s32 $0xA800;
	s28 =	sadd.s32 $0x130, s25  }
0x222: {  	[hbm4b:s28+s17] =	stream.strided.scatter [tilespmem:s14], [sflag:$0x4], $0x400, s11, s17, $0x38;
	[tilespmem:$0x12000] =	vst v63  }
0x223: {  	s10 =	simm.s32 $0xAC00;
	s28 =	sadd.s32 $0x1B0, s25  }
0x224: {  	[hbm4b:s28+s17] =	stream.strided.scatter [tilespmem:s10], [sflag:$0x4], $0x400, s11, s17, $0x38;
	[tilespmem:$0x12000] =	vst v63  }
0x225: {  	s28 =	sadd.s32 $0x2030, s25;
	s10 =	simm.s32 $0xB000  }
0x226: {  	[hbm4b:s28+s17] =	stream.strided.scatter [tilespmem:s10], [sflag:$0x4], $0x400, s11, s17, $0x38;
	[tilespmem:$0x12000] =	vst v63  }
0x227: {  	s12 =	simm.s32 $0xB400;
	s28 =	sadd.s32 $0x20B0, s25  }
0x228: {  	[hbm4b:s28+s17] =	stream.strided.scatter [tilespmem:s12], [sflag:$0x4], $0x400, s11, s17, $0x38;
	[tilespmem:$0x12000] =	vst v63  }
0x229: {  	s6 =	simm.s32 $0xB800;
	s28 =	sadd.s32 $0x2130, s25  }
0x22a: {  	[hbm4b:s28+s17] =	stream.strided.scatter [tilespmem:s6], [sflag:$0x4], $0x400, s11, s17, $0x38;
	[tilespmem:$0x12000] =	vst v63  }
0x22b: {  	s13 =	simm.s32 $0xBC00;
	s28 =	sadd.s32 $0x21B0, s25  }
0x22c: {  	[hbm4b:s28+s17] =	stream.strided.scatter [tilespmem:s13], [sflag:$0x4], $0x400, s11, s17, $0x38;
	[tilespmem:$0x12000] =	vst v63  }
0x22d: {  	s28 =	sadd.s32 $0x4030, s25;
	s13 =	simm.s32 $0xC000  }
0x22e: {  	[hbm4b:s28+s17] =	stream.strided.scatter [tilespmem:s13], [sflag:$0x4], $0x400, s11, s17, $0x38;
	[tilespmem:$0x12000] =	vst v63  }
0x22f: {  	s15 =	simm.s32 $0xC400;
	s28 =	sadd.s32 $0x40B0, s25  }
0x230: {  	[hbm4b:s28+s17] =	stream.strided.scatter [tilespmem:s15], [sflag:$0x4], $0x400, s11, s17, $0x38;
	[tilespmem:$0x12000] =	vst v63  }
0x231: {  	s18 =	simm.s32 $0xC800;
	s28 =	sadd.s32 $0x4130, s25  }
0x232: {  	[hbm4b:s28+s17] =	stream.strided.scatter [tilespmem:s18], [sflag:$0x4], $0x400, s11, s17, $0x38;
	[tilespmem:$0x12000] =	vst v63  }
0x233: {  	s16 =	simm.s32 $0xCC00;
	s28 =	sadd.s32 $0x41B0, s25  }
0x234: {  	[hbm4b:s28+s17] =	stream.strided.scatter [tilespmem:s16], [sflag:$0x4], $0x400, s11, s17, $0x38;
	[tilespmem:$0x12000] =	vst v63  }
0x235: {  	s8 =	simm.s32 $0xD000;
	s28 =	sadd.s32 $0x6030, s25  }
0x236: {  	[hbm4b:s28+s17] =	stream.strided.scatter [tilespmem:s8], [sflag:$0x4], $0x400, s11, s17, $0x38;
	[tilespmem:$0x12000] =	vst v63  }
0x237: {  	s20 =	simm.s32 $0xD400;
	s28 =	sadd.s32 $0x60B0, s25  }
0x238: {  	[hbm4b:s28+s17] =	stream.strided.scatter [tilespmem:s20], [sflag:$0x4], $0x400, s11, s17, $0x38;
	[tilespmem:$0x12000] =	vst v63  }
0x239: {  	s15 =	simm.s32 $0xD800;
	s28 =	sadd.s32 $0x6130, s25  }
0x23a: {  	[hbm4b:s28+s17] =	stream.strided.scatter [tilespmem:s15], [sflag:$0x4], $0x400, s11, s17, $0x38;
	[tilespmem:$0x12000] =	vst v63  }
0x23b: {  	s2 =	simm.s32 $0xDC00;
	s28 =	sadd.s32 $0x61B0, s25  }
0x23c: {  	[hbm4b:s28+s17] =	stream.strided.scatter [tilespmem:s2], [sflag:$0x4], $0x400, s11, s17, $0x38;
	[tilespmem:$0x12000] =	vst v63  }
0x23d: {  	s7 =	simm.s32 $0xE000;
	s28 =	sadd.s32 $0x8030, s25  }
0x23e: {  	[hbm4b:s28+s17] =	stream.strided.scatter [tilespmem:s7], [sflag:$0x4], $0x400, s11, s17, $0x38;
	[tilespmem:$0x12000] =	vst v63  }
0x23f: {  	s30 =	simm.s32 $0xE400;
	s28 =	sadd.s32 $0x80B0, s25  }
0x240: {  	[hbm4b:s28+s17] =	stream.strided.scatter [tilespmem:s30], [sflag:$0x4], $0x400, s11, s17, $0x38;
	[tilespmem:$0x12000] =	vst v63  }
0x241: {  	s12 =	simm.s32 $0xE800;
	s28 =	sadd.s32 $0x8130, s25  }
0x242: {  	[hbm4b:s28+s17] =	stream.strided.scatter [tilespmem:s12], [sflag:$0x4], $0x400, s11, s17, $0x38;
	[tilespmem:$0x12000] =	vst v63  }
0x243: {  	s4 =	simm.s32 $0xEC00;
	s28 =	sadd.s32 $0x81B0, s25  }
0x244: {  	[hbm4b:s28+s17] =	stream.strided.scatter [tilespmem:s4], [sflag:$0x4], $0x400, s11, s17, $0x38;
	[tilespmem:$0x12000] =	vst v63  }
0x245: {  	s16 =	simm.s32 $0xF000;
	s28 =	sadd.s32 $0xA030, s25  }
0x246: {  	[hbm4b:s28+s17] =	stream.strided.scatter [tilespmem:s16], [sflag:$0x4], $0x400, s11, s17, $0x38;
	[tilespmem:$0x12000] =	vst v63  }
0x247: {  	s9 =	simm.s32 $0xF400;
	s28 =	sadd.s32 $0xA0B0, s25  }
0x248: {  	[hbm4b:s28+s17] =	stream.strided.scatter [tilespmem:s9], [sflag:$0x4], $0x400, s11, s17, $0x38;
	[tilespmem:$0x12000] =	vst v63  }
0x249: {  	s2 =	simm.s32 $0xF800;
	s28 =	sadd.s32 $0xA130, s25  }
0x24a: {  	[hbm4b:s28+s17] =	stream.strided.scatter [tilespmem:s2], [sflag:$0x4], $0x400, s11, s17, $0x38;
	[tilespmem:$0x12000] =	vst v63  }
0x24b: {  	s20 =	simm.s32 $0xFC00;
	s28 =	sadd.s32 $0xA1B0, s25  }
0x24c: {  	[hbm4b:s28+s17] =	stream.strided.scatter [tilespmem:s20], [sflag:$0x4], $0x400, s11, s17, $0x38;
	[tilespmem:$0x12000] =	vst v63  }
0x24d: {  	s28 =	sadd.s32 $0xC030, s25;
	s20 =	simm.s32 $0x10000  }
0x24e: {  	[hbm4b:s28+s17] =	stream.strided.scatter [tilespmem:s20], [sflag:$0x4], $0x400, s11, s17, $0x38;
	[tilespmem:$0x12000] =	vst v63  }
0x24f: {  	s4 =	simm.s32 $0x10400;
	s28 =	sadd.s32 $0xC0B0, s25  }
0x250: {  	[hbm4b:s28+s17] =	stream.strided.scatter [tilespmem:s4], [sflag:$0x4], $0x400, s11, s17, $0x38;
	[tilespmem:$0x12000] =	vst v63  }
0x251: {  	s28 =	sadd.s32 $0xC130, s25;
	s4 =	simm.s32 $0x10800  }
0x252: {  	[hbm4b:s28+s17] =	stream.strided.scatter [tilespmem:s4], [sflag:$0x4], $0x400, s11, s17, $0x38;
	[tilespmem:$0x12000] =	vst v63  }
0x253: {  	s9 =	simm.s32 $0x10C00;
	s28 =	sadd.s32 $0xC1B0, s25  }
0x254: {  	[hbm4b:s28+s17] =	stream.strided.scatter [tilespmem:s9], [sflag:$0x4], $0x400, s11, s17, $0x38;
	[tilespmem:$0x12000] =	vst v63  }
0x255: {  	s0 =	simm.s32 $0x11000;
	s28 =	sadd.s32 $0xE030, s25  }
0x256: {  	[hbm4b:s28+s17] =	stream.strided.scatter [tilespmem:s0], [sflag:$0x4], $0x400, s11, s17, $0x38;
	[tilespmem:$0x12000] =	vst v63  }
0x257: {  	s9 =	simm.s32 $0x11400;
	s28 =	sadd.s32 $0xE0B0, s25  }
0x258: {  	[hbm4b:s28+s17] =	stream.strided.scatter [tilespmem:s9], [sflag:$0x4], $0x400, s11, s17, $0x38;
	[tilespmem:$0x12000] =	vst v63  }
0x259: {  	s28 =	sadd.s32 $0xE130, s25;
	s9 =	simm.s32 $0x11800  }
0x25a: {  	[hbm4b:s28+s17] =	stream.strided.scatter [tilespmem:s9], [sflag:$0x4], $0x400, s11, s17, $0x38;
	[tilespmem:$0x12000] =	vst v63  }
0x25b: {  	s28 =	sadd.s32 $0xE1B0, s25;
	s9 =	simm.s32 $0x11C00  }
0x25c: {  	[hbm4b:s28+s17] =	stream.strided.scatter [tilespmem:s9], [sflag:$0x4], $0x400, s11, s17, $0x38;
	[tilespmem:$0x12000] =	vst v63  }
0x25d: {  	s9 =	simm.s32 $0x4  }
0x25e: {  	_ =	swait.ge [sflag:s9], $0x8000  }
0x25f: {  	[sflag:s9] =	ssyncset.done $0x0  }
0x260: {  	s28 =	sor.u32 $0x280, s26;
	[sflag:s9] =	ssyncadd.s32 $0xFFFF8000  }
0x261: {  	v3 =	vld [tilespmem:s28+$0x0];
	_ =	sdelay $0x4  }
0x262: {  	v44 =	vshll.u32 v3, $0x2  }
0x263: {  	v3 =	vand.u32 $0x7, v3;
	v4 =	vand.u32 $0xFFFFFFE0, v44  }
0x264: {  	v3 =	vor.u32 v3, v4  }
0x265: {  	v4 =	vperm.xlane v3, v0;
	_ =	sdelay $0x1  }
0x266: {  	v4 =	vadd.s32 v1, v4;
	_ =	sdelay $0x1  }
0x267: {  	v3 =	vperm.xlane v3, v2;
	_ =	sdelay $0x1  }
0x268: {  	v3 =	vadd.s32 v1, v3  }
0x269: {  	[tilespmem:s19], [sflag:$0x2] =	stream.indirect_vreg.gather [hbm4b:s1+s3], $0x80, v4, vm0, $0xb8;
	[tilespmem:$0x12000] =	vst v63  }
0x26a: {  	_ = 	snop  }
0x26b: {  	[tilespmem:s14], [sflag:$0x2] =	stream.indirect_vreg.gather [hbm4b:s5+s3], $0x80, v4, vm0, $0xb8;
	[tilespmem:$0x12000] =	vst v63  }
0x26c: {  	_ = 	snop  }
0x26d: {  	[tilespmem:s10], [sflag:$0x2] =	stream.indirect_vreg.gather [hbm4b:s1+s3], $0x80, v3, vm0, $0xb8;
	[tilespmem:$0x12000] =	vst v63  }
0x26e: {  	_ = 	snop  }
0x26f: {  	[tilespmem:s6], [sflag:$0x2] =	stream.indirect_vreg.gather [hbm4b:s5+s3], $0x80, v3, vm0, $0xb8;
	[tilespmem:$0x12000] =	vst v63  }
0x270: {  	v3 =	vld [tilespmem:s28+$0x10];
	_ =	sdelay $0x4  }
0x271: {  	v45 =	vshll.u32 v3, $0x2  }
0x272: {  	v3 =	vand.u32 $0x7, v3;
	v4 =	vand.u32 $0xFFFFFFE0, v45  }
0x273: {  	v3 =	vor.u32 v3, v4  }
0x274: {  	v4 =	vperm.xlane v3, v0;
	_ =	sdelay $0x1  }
0x275: {  	v4 =	vadd.s32 v1, v4;
	_ =	sdelay $0x1  }
0x276: {  	v3 =	vperm.xlane v3, v2;
	_ =	sdelay $0x1  }
0x277: {  	v3 =	vadd.s32 v1, v3  }
0x278: {  	[tilespmem:s13], [sflag:$0x2] =	stream.indirect_vreg.gather [hbm4b:s1+s3], $0x80, v4, vm0, $0xb8;
	[tilespmem:$0x12000] =	vst v63  }
0x279: {  	_ = 	snop  }
0x27a: {  	[tilespmem:s18], [sflag:$0x2] =	stream.indirect_vreg.gather [hbm4b:s5+s3], $0x80, v4, vm0, $0xb8;
	[tilespmem:$0x12000] =	vst v63  }
0x27b: {  	_ = 	snop  }
0x27c: {  	[tilespmem:s8], [sflag:$0x2] =	stream.indirect_vreg.gather [hbm4b:s1+s3], $0x80, v3, vm0, $0xb8;
	[tilespmem:$0x12000] =	vst v63  }
0x27d: {  	_ = 	snop  }
0x27e: {  	[tilespmem:s15], [sflag:$0x2] =	stream.indirect_vreg.gather [hbm4b:s5+s3], $0x80, v3, vm0, $0xb8;
	[tilespmem:$0x12000] =	vst v63  }
0x27f: {  	v3 =	vld [tilespmem:s28+$0x20];
	_ =	sdelay $0x4  }
0x280: {  	v46 =	vshll.u32 v3, $0x2  }
0x281: {  	v3 =	vand.u32 $0x7, v3;
	v4 =	vand.u32 $0xFFFFFFE0, v46  }
0x282: {  	v3 =	vor.u32 v3, v4  }
0x283: {  	v4 =	vperm.xlane v3, v0;
	_ =	sdelay $0x1  }
0x284: {  	v4 =	vadd.s32 v1, v4;
	_ =	sdelay $0x1  }
0x285: {  	v3 =	vperm.xlane v3, v2;
	_ =	sdelay $0x1  }
0x286: {  	v3 =	vadd.s32 v1, v3  }
0x287: {  	[tilespmem:s7], [sflag:$0x2] =	stream.indirect_vreg.gather [hbm4b:s1+s3], $0x80, v4, vm0, $0xb8;
	[tilespmem:$0x12000] =	vst v63  }
0x288: {  	_ = 	snop  }
0x289: {  	[tilespmem:s12], [sflag:$0x2] =	stream.indirect_vreg.gather [hbm4b:s5+s3], $0x80, v4, vm0, $0xb8;
	[tilespmem:$0x12000] =	vst v63  }
0x28a: {  	_ = 	snop  }
0x28b: {  	[tilespmem:s16], [sflag:$0x2] =	stream.indirect_vreg.gather [hbm4b:s1+s3], $0x80, v3, vm0, $0xb8;
	[tilespmem:$0x12000] =	vst v63  }
0x28c: {  	_ = 	snop  }
0x28d: {  	[tilespmem:s2], [sflag:$0x2] =	stream.indirect_vreg.gather [hbm4b:s5+s3], $0x80, v3, vm0, $0xb8;
	[tilespmem:$0x12000] =	vst v63  }
0x28e: {  	v3 =	vld [tilespmem:s28+$0x30];
	_ =	sdelay $0x4  }
0x28f: {  	v47 =	vshll.u32 v3, $0x2  }
0x290: {  	v3 =	vand.u32 $0x7, v3;
	v4 =	vand.u32 $0xFFFFFFE0, v47  }
0x291: {  	v3 =	vor.u32 v3, v4  }
0x292: {  	v4 =	vperm.xlane v3, v0;
	_ =	sdelay $0x1  }
0x293: {  	v4 =	vadd.s32 v1, v4;
	_ =	sdelay $0x1  }
0x294: {  	v3 =	vperm.xlane v3, v2;
	_ =	sdelay $0x1  }
0x295: {  	v3 =	vadd.s32 v1, v3  }
0x296: {  	[tilespmem:s20], [sflag:$0x2] =	stream.indirect_vreg.gather [hbm4b:s1+s3], $0x80, v4, vm0, $0xb8;
	[tilespmem:$0x12000] =	vst v63  }
0x297: {  	_ = 	snop  }
0x298: {  	[tilespmem:s4], [sflag:$0x2] =	stream.indirect_vreg.gather [hbm4b:s5+s3], $0x80, v4, vm0, $0xb8;
	[tilespmem:$0x12000] =	vst v63  }
0x299: {  	_ = 	snop  }
0x29a: {  	[tilespmem:s0], [sflag:$0x2] =	stream.indirect_vreg.gather [hbm4b:s1+s3], $0x80, v3, vm0, $0xb8;
	[tilespmem:$0x12000] =	vst v63  }
0x29b: {  	s12 =	simm.s32 $0x11800  }
0x29c: {  	[tilespmem:s12], [sflag:$0x2] =	stream.indirect_vreg.gather [hbm4b:s5+s3], $0x80, v3, vm0, $0xb8;
	[tilespmem:$0x12000] =	vst v63  }
0x29d: {  	_ =	swait.ge [sflag:s21], $0x8000  }
0x29e: {  	[sflag:s21] =	ssyncset.done $0x0  }
0x29f: {  	s28 =	sadd.s32 $0x40, s25;
	[sflag:s21] =	ssyncadd.s32 $0xFFFF8000  }
0x2a0: {  	[hbm4b:s28+s17] =	stream.strided.scatter [tilespmem:s11], [sflag:$0x3], $0x400, s11, s17, $0x38;
	[tilespmem:$0x12000] =	vst v63  }
0x2a1: {  	s13 =	simm.s32 $0x2400;
	s28 =	sadd.s32 $0xC0, s25  }
0x2a2: {  	[hbm4b:s28+s17] =	stream.strided.scatter [tilespmem:s13], [sflag:$0x3], $0x400, s11, s17, $0x38;
	[tilespmem:$0x12000] =	vst v63  }
0x2a3: {  	s14 =	simm.s32 $0x2800;
	s28 =	sadd.s32 $0x140, s25  }
0x2a4: {  	[hbm4b:s28+s17] =	stream.strided.scatter [tilespmem:s14], [sflag:$0x3], $0x400, s11, s17, $0x38;
	[tilespmem:$0x12000] =	vst v63  }
0x2a5: {  	s16 =	simm.s32 $0x2C00;
	s28 =	sadd.s32 $0x1C0, s25  }
0x2a6: {  	[hbm4b:s28+s17] =	stream.strided.scatter [tilespmem:s16], [sflag:$0x3], $0x400, s11, s17, $0x38;
	[tilespmem:$0x12000] =	vst v63  }
0x2a7: {  	s18 =	simm.s32 $0x3000;
	s28 =	sadd.s32 $0x2040, s25  }
0x2a8: {  	[hbm4b:s28+s17] =	stream.strided.scatter [tilespmem:s18], [sflag:$0x3], $0x400, s11, s17, $0x38;
	[tilespmem:$0x12000] =	vst v63  }
0x2a9: {  	s19 =	simm.s32 $0x3400;
	s28 =	sadd.s32 $0x20C0, s25  }
0x2aa: {  	[hbm4b:s28+s17] =	stream.strided.scatter [tilespmem:s19], [sflag:$0x3], $0x400, s11, s17, $0x38;
	[tilespmem:$0x12000] =	vst v63  }
0x2ab: {  	s28 =	sadd.s32 $0x2140, s25  }
0x2ac: {  	[hbm4b:s28+s17] =	stream.strided.scatter [tilespmem:s31], [sflag:$0x3], $0x400, s11, s17, $0x38;
	[tilespmem:$0x12000] =	vst v63  }
0x2ad: {  	s20 =	simm.s32 $0x3C00;
	s28 =	sadd.s32 $0x21C0, s25  }
0x2ae: {  	[hbm4b:s28+s17] =	stream.strided.scatter [tilespmem:s20], [sflag:$0x3], $0x400, s11, s17, $0x38;
	[tilespmem:$0x12000] =	vst v63  }
0x2af: {  	s28 =	sadd.s32 $0x4040, s25  }
0x2b0: {  	[hbm4b:s28+s17] =	stream.strided.scatter [tilespmem:s29], [sflag:$0x3], $0x400, s11, s17, $0x38;
	[tilespmem:$0x12000] =	vst v63  }
0x2b1: {  	s4 =	simm.s32 $0x4400;
	s28 =	sadd.s32 $0x40C0, s25  }
0x2b2: {  	[hbm4b:s28+s17] =	stream.strided.scatter [tilespmem:s4], [sflag:$0x3], $0x400, s11, s17, $0x38;
	[tilespmem:$0x12000] =	vst v63  }
0x2b3: {  	s21 =	simm.s32 $0x4800;
	s28 =	sadd.s32 $0x4140, s25  }
0x2b4: {  	[hbm4b:s28+s17] =	stream.strided.scatter [tilespmem:s21], [sflag:$0x3], $0x400, s11, s17, $0x38;
	[tilespmem:$0x12000] =	vst v63  }
0x2b5: {  	s7 =	simm.s32 $0x4C00;
	s28 =	sadd.s32 $0x41C0, s25  }
0x2b6: {  	[hbm4b:s28+s17] =	stream.strided.scatter [tilespmem:s7], [sflag:$0x3], $0x400, s11, s17, $0x38;
	[tilespmem:$0x12000] =	vst v63  }
0x2b7: {  	s20 =	simm.s32 $0x5000;
	s28 =	sadd.s32 $0x6040, s25  }
0x2b8: {  	[hbm4b:s28+s17] =	stream.strided.scatter [tilespmem:s20], [sflag:$0x3], $0x400, s11, s17, $0x38;
	[tilespmem:$0x12000] =	vst v63  }
0x2b9: {  	s8 =	simm.s32 $0x5400;
	s28 =	sadd.s32 $0x60C0, s25  }
0x2ba: {  	[hbm4b:s28+s17] =	stream.strided.scatter [tilespmem:s8], [sflag:$0x3], $0x400, s11, s17, $0x38;
	[tilespmem:$0x12000] =	vst v63  }
0x2bb: {  	s28 =	sadd.s32 $0x6140, s25  }
0x2bc: {  	[hbm4b:s28+s17] =	stream.strided.scatter [tilespmem:s22], [sflag:$0x3], $0x400, s11, s17, $0x38;
	[tilespmem:$0x12000] =	vst v63  }
0x2bd: {  	s9 =	simm.s32 $0x5C00;
	s28 =	sadd.s32 $0x61C0, s25  }
0x2be: {  	[hbm4b:s28+s17] =	stream.strided.scatter [tilespmem:s9], [sflag:$0x3], $0x400, s11, s17, $0x38;
	[tilespmem:$0x12000] =	vst v63  }
0x2bf: {  	s29 =	simm.s32 $0x6000;
	s28 =	sadd.s32 $0x8040, s25  }
0x2c0: {  	[hbm4b:s28+s17] =	stream.strided.scatter [tilespmem:s29], [sflag:$0x3], $0x400, s11, s17, $0x38;
	[tilespmem:$0x12000] =	vst v63  }
0x2c1: {  	s19 =	simm.s32 $0x6400;
	s28 =	sadd.s32 $0x80C0, s25  }
0x2c2: {  	[hbm4b:s28+s17] =	stream.strided.scatter [tilespmem:s19], [sflag:$0x3], $0x400, s11, s17, $0x38;
	[tilespmem:$0x12000] =	vst v63  }
0x2c3: {  	s18 =	simm.s32 $0x6800;
	s28 =	sadd.s32 $0x8140, s25  }
0x2c4: {  	[hbm4b:s28+s17] =	stream.strided.scatter [tilespmem:s18], [sflag:$0x3], $0x400, s11, s17, $0x38;
	[tilespmem:$0x12000] =	vst v63  }
0x2c5: {  	s10 =	simm.s32 $0x6C00;
	s28 =	sadd.s32 $0x81C0, s25  }
0x2c6: {  	[hbm4b:s28+s17] =	stream.strided.scatter [tilespmem:s10], [sflag:$0x3], $0x400, s11, s17, $0x38;
	[tilespmem:$0x12000] =	vst v63  }
0x2c7: {  	s7 =	simm.s32 $0x7000;
	s28 =	sadd.s32 $0xA040, s25  }
0x2c8: {  	[hbm4b:s28+s17] =	stream.strided.scatter [tilespmem:s7], [sflag:$0x3], $0x400, s11, s17, $0x38;
	[tilespmem:$0x12000] =	vst v63  }
0x2c9: {  	s12 =	simm.s32 $0x7400;
	s28 =	sadd.s32 $0xA0C0, s25  }
0x2ca: {  	[hbm4b:s28+s17] =	stream.strided.scatter [tilespmem:s12], [sflag:$0x3], $0x400, s11, s17, $0x38;
	[tilespmem:$0x12000] =	vst v63  }
0x2cb: {  	s2 =	simm.s32 $0x7800;
	s28 =	sadd.s32 $0xA140, s25  }
0x2cc: {  	[hbm4b:s28+s17] =	stream.strided.scatter [tilespmem:s2], [sflag:$0x3], $0x400, s11, s17, $0x38;
	[tilespmem:$0x12000] =	vst v63  }
0x2cd: {  	s13 =	simm.s32 $0x7C00;
	s28 =	sadd.s32 $0xA1C0, s25  }
0x2ce: {  	[hbm4b:s28+s17] =	stream.strided.scatter [tilespmem:s13], [sflag:$0x3], $0x400, s11, s17, $0x38;
	[tilespmem:$0x12000] =	vst v63  }
0x2cf: {  	s10 =	simm.s32 $0x8000;
	s28 =	sadd.s32 $0xC040, s25  }
0x2d0: {  	[hbm4b:s28+s17] =	stream.strided.scatter [tilespmem:s10], [sflag:$0x3], $0x400, s11, s17, $0x38;
	[tilespmem:$0x12000] =	vst v63  }
0x2d1: {  	s14 =	simm.s32 $0x8400;
	s28 =	sadd.s32 $0xC0C0, s25  }
0x2d2: {  	[hbm4b:s28+s17] =	stream.strided.scatter [tilespmem:s14], [sflag:$0x3], $0x400, s11, s17, $0x38;
	[tilespmem:$0x12000] =	vst v63  }
0x2d3: {  	s8 =	simm.s32 $0x8800;
	s28 =	sadd.s32 $0xC140, s25  }
0x2d4: {  	[hbm4b:s28+s17] =	stream.strided.scatter [tilespmem:s8], [sflag:$0x3], $0x400, s11, s17, $0x38;
	[tilespmem:$0x12000] =	vst v63  }
0x2d5: {  	s16 =	simm.s32 $0x8C00;
	s28 =	sadd.s32 $0xC1C0, s25  }
0x2d6: {  	[hbm4b:s28+s17] =	stream.strided.scatter [tilespmem:s16], [sflag:$0x3], $0x400, s11, s17, $0x38;
	[tilespmem:$0x12000] =	vst v63  }
0x2d7: {  	s9 =	simm.s32 $0x9000;
	s28 =	sadd.s32 $0xE040, s25  }
0x2d8: {  	[hbm4b:s28+s17] =	stream.strided.scatter [tilespmem:s9], [sflag:$0x3], $0x400, s11, s17, $0x38;
	[tilespmem:$0x12000] =	vst v63  }
0x2d9: {  	s21 =	simm.s32 $0x9400;
	s28 =	sadd.s32 $0xE0C0, s25  }
0x2da: {  	[hbm4b:s28+s17] =	stream.strided.scatter [tilespmem:s21], [sflag:$0x3], $0x400, s11, s17, $0x38;
	[tilespmem:$0x12000] =	vst v63  }
0x2db: {  	s23 =	simm.s32 $0x9800;
	s28 =	sadd.s32 $0xE140, s25  }
0x2dc: {  	[hbm4b:s28+s17] =	stream.strided.scatter [tilespmem:s23], [sflag:$0x3], $0x400, s11, s17, $0x38;
	[tilespmem:$0x12000] =	vst v63  }
0x2dd: {  	s12 =	simm.s32 $0x9C00;
	s28 =	sadd.s32 $0xE1C0, s25  }
0x2de: {  	[hbm4b:s28+s17] =	stream.strided.scatter [tilespmem:s12], [sflag:$0x3], $0x400, s11, s17, $0x38;
	[tilespmem:$0x12000] =	vst v63  }
0x2df: {  	_ =	swait.ge [sflag:s24], $0x8000  }
0x2e0: {  	[sflag:s24] =	ssyncset.done $0x0  }
0x2e1: {  	s26 =	sor.u32 $0x300, s26;
	[sflag:s24] =	ssyncadd.s32 $0xFFFF8000  }
0x2e2: {  	v3 =	vld [tilespmem:s26+$0x0];
	_ =	sdelay $0x4  }
0x2e3: {  	v48 =	vshll.u32 v3, $0x2  }
0x2e4: {  	v3 =	vand.u32 $0x7, v3;
	v4 =	vand.u32 $0xFFFFFFE0, v48  }
0x2e5: {  	v3 =	vor.u32 v3, v4  }
0x2e6: {  	v4 =	vperm.xlane v3, v0;
	_ =	sdelay $0x1  }
0x2e7: {  	v4 =	vadd.s32 v1, v4;
	_ =	sdelay $0x1  }
0x2e8: {  	v3 =	vperm.xlane v3, v2;
	_ =	sdelay $0x1  }
0x2e9: {  	v3 =	vadd.s32 v1, v3  }
0x2ea: {  	[tilespmem:s11], [sflag:$0x1] =	stream.indirect_vreg.gather [hbm4b:s1+s3], $0x80, v4, vm0, $0xb8;
	[tilespmem:$0x12000] =	vst v63  }
0x2eb: {  	s13 =	simm.s32 $0x2800  }
0x2ec: {  	[tilespmem:s13], [sflag:$0x1] =	stream.indirect_vreg.gather [hbm4b:s5+s3], $0x80, v4, vm0, $0xb8;
	[tilespmem:$0x12000] =	vst v63  }
0x2ed: {  	s14 =	simm.s32 $0x3000  }
0x2ee: {  	[tilespmem:s14], [sflag:$0x1] =	stream.indirect_vreg.gather [hbm4b:s1+s3], $0x80, v3, vm0, $0xb8;
	[tilespmem:$0x12000] =	vst v63  }
0x2ef: {  	_ = 	snop  }
0x2f0: {  	[tilespmem:s31], [sflag:$0x1] =	stream.indirect_vreg.gather [hbm4b:s5+s3], $0x80, v3, vm0, $0xb8;
	[tilespmem:$0x12000] =	vst v63  }
0x2f1: {  	v3 =	vld [tilespmem:s26+$0x10];
	_ =	sdelay $0x4  }
0x2f2: {  	v49 =	vshll.u32 v3, $0x2  }
0x2f3: {  	v3 =	vand.u32 $0x7, v3;
	v4 =	vand.u32 $0xFFFFFFE0, v49  }
0x2f4: {  	v3 =	vor.u32 v3, v4  }
0x2f5: {  	v4 =	vperm.xlane v3, v0;
	_ =	sdelay $0x1  }
0x2f6: {  	v4 =	vadd.s32 v1, v4;
	_ =	sdelay $0x1  }
0x2f7: {  	v3 =	vperm.xlane v3, v2;
	_ =	sdelay $0x1  }
0x2f8: {  	s16 =	simm.s32 $0x4000;
	v3 =	vadd.s32 v1, v3  }
0x2f9: {  	[tilespmem:s16], [sflag:$0x1] =	stream.indirect_vreg.gather [hbm4b:s1+s3], $0x80, v4, vm0, $0xb8;
	[tilespmem:$0x12000] =	vst v63  }
0x2fa: {  	s0 =	simm.s32 $0x4800  }
0x2fb: {  	[tilespmem:s0], [sflag:$0x1] =	stream.indirect_vreg.gather [hbm4b:s5+s3], $0x80, v4, vm0, $0xb8;
	[tilespmem:$0x12000] =	vst v63  }
0x2fc: {  	_ = 	snop  }
0x2fd: {  	[tilespmem:s20], [sflag:$0x1] =	stream.indirect_vreg.gather [hbm4b:s1+s3], $0x80, v3, vm0, $0xb8;
	[tilespmem:$0x12000] =	vst v63  }
0x2fe: {  	_ = 	snop  }
0x2ff: {  	[tilespmem:s22], [sflag:$0x1] =	stream.indirect_vreg.gather [hbm4b:s5+s3], $0x80, v3, vm0, $0xb8;
	[tilespmem:$0x12000] =	vst v63  }
0x300: {  	v3 =	vld [tilespmem:s26+$0x20];
	_ =	sdelay $0x4  }
0x301: {  	v50 =	vshll.u32 v3, $0x2  }
0x302: {  	v3 =	vand.u32 $0x7, v3;
	v4 =	vand.u32 $0xFFFFFFE0, v50  }
0x303: {  	v3 =	vor.u32 v3, v4  }
0x304: {  	v4 =	vperm.xlane v3, v0;
	_ =	sdelay $0x1  }
0x305: {  	v4 =	vadd.s32 v1, v4;
	_ =	sdelay $0x1  }
0x306: {  	v3 =	vperm.xlane v3, v2;
	_ =	sdelay $0x1  }
0x307: {  	v3 =	vadd.s32 v1, v3  }
0x308: {  	[tilespmem:s29], [sflag:$0x1] =	stream.indirect_vreg.gather [hbm4b:s1+s3], $0x80, v4, vm0, $0xb8;
	[tilespmem:$0x12000] =	vst v63  }
0x309: {  	_ = 	snop  }
0x30a: {  	[tilespmem:s18], [sflag:$0x1] =	stream.indirect_vreg.gather [hbm4b:s5+s3], $0x80, v4, vm0, $0xb8;
	[tilespmem:$0x12000] =	vst v63  }
0x30b: {  	_ = 	snop  }
0x30c: {  	[tilespmem:s7], [sflag:$0x1] =	stream.indirect_vreg.gather [hbm4b:s1+s3], $0x80, v3, vm0, $0xb8;
	[tilespmem:$0x12000] =	vst v63  }
0x30d: {  	_ = 	snop  }
0x30e: {  	[tilespmem:s2], [sflag:$0x1] =	stream.indirect_vreg.gather [hbm4b:s5+s3], $0x80, v3, vm0, $0xb8;
	[tilespmem:$0x12000] =	vst v63  }
0x30f: {  	v3 =	vld [tilespmem:s26+$0x30];
	_ =	sdelay $0x4  }
0x310: {  	v51 =	vshll.u32 v3, $0x2  }
0x311: {  	v3 =	vand.u32 $0x7, v3;
	v4 =	vand.u32 $0xFFFFFFE0, v51  }
0x312: {  	v3 =	vor.u32 v3, v4  }
0x313: {  	v4 =	vperm.xlane v3, v0;
	_ =	sdelay $0x1  }
0x314: {  	v4 =	vadd.s32 v1, v4;
	_ =	sdelay $0x1  }
0x315: {  	v3 =	vperm.xlane v3, v2;
	_ =	sdelay $0x1  }
0x316: {  	v3 =	vadd.s32 v1, v3  }
0x317: {  	[tilespmem:s10], [sflag:$0x1] =	stream.indirect_vreg.gather [hbm4b:s1+s3], $0x80, v4, vm0, $0xb8;
	[tilespmem:$0x12000] =	vst v63  }
0x318: {  	_ = 	snop  }
0x319: {  	[tilespmem:s8], [sflag:$0x1] =	stream.indirect_vreg.gather [hbm4b:s5+s3], $0x80, v4, vm0, $0xb8;
	[tilespmem:$0x12000] =	vst v63  }
0x31a: {  	_ = 	snop  }
0x31b: {  	[tilespmem:s9], [sflag:$0x1] =	stream.indirect_vreg.gather [hbm4b:s1+s3], $0x80, v3, vm0, $0xb8;
	[tilespmem:$0x12000] =	vst v63  }
0x31c: {  	s18 =	simm.s32 $0x2  }
0x31d: {  	[tilespmem:s23], [sflag:$0x1] =	stream.indirect_vreg.gather [hbm4b:s5+s3], $0x80, v3, vm0, $0xb8;
	[tilespmem:$0x12000] =	vst v63  }
0x31e: {  	_ =	swait.ge [sflag:s18], $0x8000  }
0x31f: {  	[sflag:s18] =	ssyncset.done $0x0  }
0x320: {  	s0 =	simm.s32 $0xA000;
	s20 =	sadd.s32 $0x50, s25;
	[sflag:s18] =	ssyncadd.s32 $0xFFFF8000  }
0x321: {  	[hbm4b:s20+s17] =	stream.strided.scatter [tilespmem:s0], [sflag:$0x4], $0x400, s11, s17, $0x38;
	[tilespmem:$0x12000] =	vst v63  }
0x322: {  	s21 =	sadd.s32 $0xD0, s25;
	s22 =	simm.s32 $0xA400  }
0x323: {  	[hbm4b:s21+s17] =	stream.strided.scatter [tilespmem:s22], [sflag:$0x4], $0x400, s11, s17, $0x38;
	[tilespmem:$0x12000] =	vst v63  }
0x324: {  	s4 =	simm.s32 $0xA800;
	s23 =	sadd.s32 $0x150, s25  }
0x325: {  	[hbm4b:s23+s17] =	stream.strided.scatter [tilespmem:s4], [sflag:$0x4], $0x400, s11, s17, $0x38;
	[tilespmem:$0x12000] =	vst v63  }
0x326: {  	s7 =	simm.s32 $0xAC00;
	s2 =	sadd.s32 $0x1D0, s25  }
0x327: {  	[hbm4b:s2+s17] =	stream.strided.scatter [tilespmem:s7], [sflag:$0x4], $0x400, s11, s17, $0x38;
	[tilespmem:$0x12000] =	vst v63  }
0x328: {  	s8 =	sadd.s32 $0x2050, s25;
	s20 =	simm.s32 $0xB000  }
0x329: {  	[hbm4b:s8+s17] =	stream.strided.scatter [tilespmem:s20], [sflag:$0x4], $0x400, s11, s17, $0x38;
	[tilespmem:$0x12000] =	vst v63  }
0x32a: {  	s10 =	simm.s32 $0xB400;
	s9 =	sadd.s32 $0x20D0, s25  }
0x32b: {  	[hbm4b:s9+s17] =	stream.strided.scatter [tilespmem:s10], [sflag:$0x4], $0x400, s11, s17, $0x38;
	[tilespmem:$0x12000] =	vst v63  }
0x32c: {  	s12 =	sadd.s32 $0x2150, s25;
	s18 =	simm.s32 $0xB800  }
0x32d: {  	[hbm4b:s12+s17] =	stream.strided.scatter [tilespmem:s18], [sflag:$0x4], $0x400, s11, s17, $0x38;
	[tilespmem:$0x12000] =	vst v63  }
0x32e: {  	s13 =	sadd.s32 $0x21D0, s25;
	s14 =	simm.s32 $0xBC00  }
0x32f: {  	[hbm4b:s13+s17] =	stream.strided.scatter [tilespmem:s14], [sflag:$0x4], $0x400, s11, s17, $0x38;
	[tilespmem:$0x12000] =	vst v63  }
0x330: {  	s6 =	simm.s32 $0xC000;
	s16 =	sadd.s32 $0x4050, s25  }
0x331: {  	[hbm4b:s16+s17] =	stream.strided.scatter [tilespmem:s6], [sflag:$0x4], $0x400, s11, s17, $0x38;
	[tilespmem:$0x12000] =	vst v63  }
0x332: {  	s21 =	sadd.s32 $0x40D0, s25;
	s22 =	simm.s32 $0xC400  }
0x333: {  	[hbm4b:s21+s17] =	stream.strided.scatter [tilespmem:s22], [sflag:$0x4], $0x400, s11, s17, $0x38;
	[tilespmem:$0x12000] =	vst v63  }
0x334: {  	s29 =	simm.s32 $0xC800;
	s23 =	sadd.s32 $0x4150, s25  }
0x335: {  	[hbm4b:s23+s17] =	stream.strided.scatter [tilespmem:s29], [sflag:$0x4], $0x400, s11, s17, $0x38;
	[tilespmem:$0x12000] =	vst v63  }
0x336: {  	s2 =	sadd.s32 $0x41D0, s25;
	s7 =	simm.s32 $0xCC00  }
0x337: {  	[hbm4b:s2+s17] =	stream.strided.scatter [tilespmem:s7], [sflag:$0x4], $0x400, s11, s17, $0x38;
	[tilespmem:$0x12000] =	vst v63  }
0x338: {  	s8 =	sadd.s32 $0x6050, s25;
	s7 =	simm.s32 $0xD000  }
0x339: {  	[hbm4b:s8+s17] =	stream.strided.scatter [tilespmem:s7], [sflag:$0x4], $0x400, s11, s17, $0x38;
	[tilespmem:$0x12000] =	vst v63  }
0x33a: {  	s9 =	sadd.s32 $0x60D0, s25;
	s10 =	simm.s32 $0xD400  }
0x33b: {  	[hbm4b:s9+s17] =	stream.strided.scatter [tilespmem:s10], [sflag:$0x4], $0x400, s11, s17, $0x38;
	[tilespmem:$0x12000] =	vst v63  }
0x33c: {  	s12 =	sadd.s32 $0x6150, s25;
	s16 =	simm.s32 $0xD800  }
0x33d: {  	[hbm4b:s12+s17] =	stream.strided.scatter [tilespmem:s16], [sflag:$0x4], $0x400, s11, s17, $0x38;
	[tilespmem:$0x12000] =	vst v63  }
0x33e: {  	s13 =	sadd.s32 $0x61D0, s25;
	s14 =	simm.s32 $0xDC00  }
0x33f: {  	[hbm4b:s13+s17] =	stream.strided.scatter [tilespmem:s14], [sflag:$0x4], $0x400, s11, s17, $0x38;
	[tilespmem:$0x12000] =	vst v63  }
0x340: {  	s15 =	simm.s32 $0xE000;
	s21 =	sadd.s32 $0x8050, s25  }
0x341: {  	[hbm4b:s21+s17] =	stream.strided.scatter [tilespmem:s15], [sflag:$0x4], $0x400, s11, s17, $0x38;
	[tilespmem:$0x12000] =	vst v63  }
0x342: {  	s22 =	sadd.s32 $0x80D0, s25  }
0x343: {  	[hbm4b:s22+s17] =	stream.strided.scatter [tilespmem:s30], [sflag:$0x4], $0x400, s11, s17, $0x38;
	[tilespmem:$0x12000] =	vst v63  }
0x344: {  	s23 =	sadd.s32 $0x8150, s25;
	s8 =	simm.s32 $0xE800  }
0x345: {  	[hbm4b:s23+s17] =	stream.strided.scatter [tilespmem:s8], [sflag:$0x4], $0x400, s11, s17, $0x38;
	[tilespmem:$0x12000] =	vst v63  }
0x346: {  	s2 =	sadd.s32 $0x81D0, s25;
	s9 =	simm.s32 $0xEC00  }
0x347: {  	[hbm4b:s2+s17] =	stream.strided.scatter [tilespmem:s9], [sflag:$0x4], $0x400, s11, s17, $0x38;
	[tilespmem:$0x12000] =	vst v63  }
0x348: {  	s10 =	sadd.s32 $0xA050, s25;
	s14 =	simm.s32 $0xF000  }
0x349: {  	[hbm4b:s10+s17] =	stream.strided.scatter [tilespmem:s14], [sflag:$0x4], $0x400, s11, s17, $0x38;
	[tilespmem:$0x12000] =	vst v63  }
0x34a: {  	s12 =	sadd.s32 $0xA0D0, s25;
	s13 =	simm.s32 $0xF400  }
0x34b: {  	[hbm4b:s12+s17] =	stream.strided.scatter [tilespmem:s13], [sflag:$0x4], $0x400, s11, s17, $0x38;
	[tilespmem:$0x12000] =	vst v63  }
0x34c: {  	s21 =	sadd.s32 $0xA150, s25;
	s13 =	simm.s32 $0xF800  }
0x34d: {  	[hbm4b:s21+s17] =	stream.strided.scatter [tilespmem:s13], [sflag:$0x4], $0x400, s11, s17, $0x38;
	[tilespmem:$0x12000] =	vst v63  }
0x34e: {  	s22 =	sadd.s32 $0xA1D0, s25;
	s23 =	simm.s32 $0xFC00  }
0x34f: {  	[hbm4b:s22+s17] =	stream.strided.scatter [tilespmem:s23], [sflag:$0x4], $0x400, s11, s17, $0x38;
	[tilespmem:$0x12000] =	vst v63  }
0x350: {  	s2 =	sadd.s32 $0xC050, s25;
	s10 =	simm.s32 $0x10000  }
0x351: {  	[hbm4b:s2+s17] =	stream.strided.scatter [tilespmem:s10], [sflag:$0x4], $0x400, s11, s17, $0x38;
	[tilespmem:$0x12000] =	vst v63  }
0x352: {  	s9 =	sadd.s32 $0xC0D0, s25;
	s12 =	simm.s32 $0x10400  }
0x353: {  	[hbm4b:s9+s17] =	stream.strided.scatter [tilespmem:s12], [sflag:$0x4], $0x400, s11, s17, $0x38;
	[tilespmem:$0x12000] =	vst v63  }
0x354: {  	s28 =	simm.s32 $0x10800;
	s21 =	sadd.s32 $0xC150, s25  }
0x355: {  	[hbm4b:s21+s17] =	stream.strided.scatter [tilespmem:s28], [sflag:$0x4], $0x400, s11, s17, $0x38;
	[tilespmem:$0x12000] =	vst v63  }
0x356: {  	s22 =	sadd.s32 $0xC1D0, s25;
	s23 =	simm.s32 $0x10C00  }
0x357: {  	[hbm4b:s22+s17] =	stream.strided.scatter [tilespmem:s23], [sflag:$0x4], $0x400, s11, s17, $0x38;
	[tilespmem:$0x12000] =	vst v63  }
0x358: {  	s9 =	sadd.s32 $0xE050, s25;
	s12 =	simm.s32 $0x11000  }
0x359: {  	[hbm4b:s9+s17] =	stream.strided.scatter [tilespmem:s12], [sflag:$0x4], $0x400, s11, s17, $0x38;
	[tilespmem:$0x12000] =	vst v63  }
0x35a: {  	s21 =	sadd.s32 $0xE0D0, s25;
	s22 =	simm.s32 $0x11400  }
0x35b: {  	[hbm4b:s21+s17] =	stream.strided.scatter [tilespmem:s22], [sflag:$0x4], $0x400, s11, s17, $0x38;
	[tilespmem:$0x12000] =	vst v63  }
0x35c: {  	s2 =	simm.s32 $0x11800;
	s23 =	sadd.s32 $0xE150, s25  }
0x35d: {  	[hbm4b:s23+s17] =	stream.strided.scatter [tilespmem:s2], [sflag:$0x4], $0x400, s11, s17, $0x38;
	[tilespmem:$0x12000] =	vst v63  }
0x35e: {  	s21 =	sadd.s32 $0xE1D0, s25;
	s22 =	simm.s32 $0x11C00  }
0x35f: {  	[hbm4b:s21+s17] =	stream.strided.scatter [tilespmem:s22], [sflag:$0x4], $0x400, s11, s17, $0x38;
	[tilespmem:$0x12000] =	vst v63  }
0x360: {  	s22 =	simm.s32 $0x4  }
0x361: {  	_ =	swait.ge [sflag:s22], $0x8000  }
0x362: {  	s23 =	rddreg [dreg:$0x8]  }
0x363: {  	s26 =	rddreg [dreg:$0xc]  }
0x364: {  	[sflag:s22] =	ssyncset.done $0x0;
	s21 =	sor.u32 s26, s23  }
0x365: {  	[sflag:s22] =	ssyncadd.s32 $0xFFFF8000;
	s26 =	sor.u32 $0x380, s21  }
0x366: {  	v3 =	vld [tilespmem:s26+$0x0];
	_ =	sdelay $0x4  }
0x367: {  	v52 =	vshll.u32 v3, $0x2  }
0x368: {  	v3 =	vand.u32 $0x7, v3;
	v4 =	vand.u32 $0xFFFFFFE0, v52  }
0x369: {  	v3 =	vor.u32 v3, v4  }
0x36a: {  	v4 =	vperm.xlane v3, v0;
	_ =	sdelay $0x1  }
0x36b: {  	v4 =	vadd.s32 v1, v4;
	_ =	sdelay $0x1  }
0x36c: {  	v3 =	vperm.xlane v3, v2;
	_ =	sdelay $0x1  }
0x36d: {  	v3 =	vadd.s32 v1, v3  }
0x36e: {  	[tilespmem:s0], [sflag:$0x2] =	stream.indirect_vreg.gather [hbm4b:s1+s3], $0x80, v4, vm0, $0xb8;
	[tilespmem:$0x12000] =	vst v63  }
0x36f: {  	_ = 	snop  }
0x370: {  	[tilespmem:s4], [sflag:$0x2] =	stream.indirect_vreg.gather [hbm4b:s5+s3], $0x80, v4, vm0, $0xb8;
	[tilespmem:$0x12000] =	vst v63  }
0x371: {  	_ = 	snop  }
0x372: {  	[tilespmem:s20], [sflag:$0x2] =	stream.indirect_vreg.gather [hbm4b:s1+s3], $0x80, v3, vm0, $0xb8;
	[tilespmem:$0x12000] =	vst v63  }
0x373: {  	_ = 	snop  }
0x374: {  	[tilespmem:s18], [sflag:$0x2] =	stream.indirect_vreg.gather [hbm4b:s5+s3], $0x80, v3, vm0, $0xb8;
	[tilespmem:$0x12000] =	vst v63  }
0x375: {  	v3 =	vld [tilespmem:s26+$0x10];
	_ =	sdelay $0x4  }
0x376: {  	v53 =	vshll.u32 v3, $0x2  }
0x377: {  	v3 =	vand.u32 $0x7, v3;
	v4 =	vand.u32 $0xFFFFFFE0, v53  }
0x378: {  	v3 =	vor.u32 v3, v4  }
0x379: {  	v4 =	vperm.xlane v3, v0;
	_ =	sdelay $0x1  }
0x37a: {  	v4 =	vadd.s32 v1, v4;
	_ =	sdelay $0x1  }
0x37b: {  	v3 =	vperm.xlane v3, v2;
	_ =	sdelay $0x1  }
0x37c: {  	v3 =	vadd.s32 v1, v3  }
0x37d: {  	[tilespmem:s6], [sflag:$0x2] =	stream.indirect_vreg.gather [hbm4b:s1+s3], $0x80, v4, vm0, $0xb8;
	[tilespmem:$0x12000] =	vst v63  }
0x37e: {  	_ = 	snop  }
0x37f: {  	[tilespmem:s29], [sflag:$0x2] =	stream.indirect_vreg.gather [hbm4b:s5+s3], $0x80, v4, vm0, $0xb8;
	[tilespmem:$0x12000] =	vst v63  }
0x380: {  	_ = 	snop  }
0x381: {  	[tilespmem:s7], [sflag:$0x2] =	stream.indirect_vreg.gather [hbm4b:s1+s3], $0x80, v3, vm0, $0xb8;
	[tilespmem:$0x12000] =	vst v63  }
0x382: {  	_ = 	snop  }
0x383: {  	[tilespmem:s16], [sflag:$0x2] =	stream.indirect_vreg.gather [hbm4b:s5+s3], $0x80, v3, vm0, $0xb8;
	[tilespmem:$0x12000] =	vst v63  }
0x384: {  	v3 =	vld [tilespmem:s26+$0x20];
	_ =	sdelay $0x4  }
0x385: {  	v54 =	vshll.u32 v3, $0x2  }
0x386: {  	v3 =	vand.u32 $0x7, v3;
	v4 =	vand.u32 $0xFFFFFFE0, v54  }
0x387: {  	v3 =	vor.u32 v3, v4  }
0x388: {  	v4 =	vperm.xlane v3, v0;
	_ =	sdelay $0x1  }
0x389: {  	v4 =	vadd.s32 v1, v4;
	_ =	sdelay $0x1  }
0x38a: {  	v3 =	vperm.xlane v3, v2;
	_ =	sdelay $0x1  }
0x38b: {  	v3 =	vadd.s32 v1, v3  }
0x38c: {  	[tilespmem:s15], [sflag:$0x2] =	stream.indirect_vreg.gather [hbm4b:s1+s3], $0x80, v4, vm0, $0xb8;
	[tilespmem:$0x12000] =	vst v63  }
0x38d: {  	_ = 	snop  }
0x38e: {  	[tilespmem:s8], [sflag:$0x2] =	stream.indirect_vreg.gather [hbm4b:s5+s3], $0x80, v4, vm0, $0xb8;
	[tilespmem:$0x12000] =	vst v63  }
0x38f: {  	_ = 	snop  }
0x390: {  	[tilespmem:s14], [sflag:$0x2] =	stream.indirect_vreg.gather [hbm4b:s1+s3], $0x80, v3, vm0, $0xb8;
	[tilespmem:$0x12000] =	vst v63  }
0x391: {  	_ = 	snop  }
0x392: {  	[tilespmem:s13], [sflag:$0x2] =	stream.indirect_vreg.gather [hbm4b:s5+s3], $0x80, v3, vm0, $0xb8;
	[tilespmem:$0x12000] =	vst v63  }
0x393: {  	v3 =	vld [tilespmem:s26+$0x30];
	_ =	sdelay $0x4  }
0x394: {  	v55 =	vshll.u32 v3, $0x2  }
0x395: {  	v3 =	vand.u32 $0x7, v3;
	v4 =	vand.u32 $0xFFFFFFE0, v55  }
0x396: {  	v3 =	vor.u32 v3, v4  }
0x397: {  	v4 =	vperm.xlane v3, v0;
	_ =	sdelay $0x1  }
0x398: {  	v4 =	vadd.s32 v1, v4;
	_ =	sdelay $0x1  }
0x399: {  	v3 =	vperm.xlane v3, v2;
	_ =	sdelay $0x1  }
0x39a: {  	v3 =	vadd.s32 v1, v3  }
0x39b: {  	[tilespmem:s10], [sflag:$0x2] =	stream.indirect_vreg.gather [hbm4b:s1+s3], $0x80, v4, vm0, $0xb8;
	[tilespmem:$0x12000] =	vst v63  }
0x39c: {  	_ = 	snop  }
0x39d: {  	[tilespmem:s28], [sflag:$0x2] =	stream.indirect_vreg.gather [hbm4b:s5+s3], $0x80, v4, vm0, $0xb8;
	[tilespmem:$0x12000] =	vst v63  }
0x39e: {  	_ = 	snop  }
0x39f: {  	[tilespmem:s12], [sflag:$0x2] =	stream.indirect_vreg.gather [hbm4b:s1+s3], $0x80, v3, vm0, $0xb8;
	[tilespmem:$0x12000] =	vst v63  }
0x3a0: {  	s23 =	simm.s32 $0x11800;
	s26 =	simm.s32 $0x1  }
0x3a1: {  	[tilespmem:s23], [sflag:$0x2] =	stream.indirect_vreg.gather [hbm4b:s5+s3], $0x80, v3, vm0, $0xb8;
	[tilespmem:$0x12000] =	vst v63  }
0x3a2: {  	_ =	swait.ge [sflag:s26], $0x8000  }
0x3a3: {  	[sflag:s26] =	ssyncset.done $0x0  }
0x3a4: {  	s2 =	sadd.s32 $0x60, s25;
	[sflag:s26] =	ssyncadd.s32 $0xFFFF8000  }
0x3a5: {  	[hbm4b:s2+s17] =	stream.strided.scatter [tilespmem:s11], [sflag:$0x3], $0x400, s11, s17, $0x38;
	[tilespmem:$0x12000] =	vst v63  }
0x3a6: {  	s4 =	sadd.s32 $0xE0, s25;
	s6 =	simm.s32 $0x2400  }
0x3a7: {  	[hbm4b:s4+s17] =	stream.strided.scatter [tilespmem:s6], [sflag:$0x3], $0x400, s11, s17, $0x38;
	[tilespmem:$0x12000] =	vst v63  }
0x3a8: {  	s7 =	sadd.s32 $0x160, s25;
	s8 =	simm.s32 $0x2800  }
0x3a9: {  	[hbm4b:s7+s17] =	stream.strided.scatter [tilespmem:s8], [sflag:$0x3], $0x400, s11, s17, $0x38;
	[tilespmem:$0x12000] =	vst v63  }
0x3aa: {  	s9 =	sadd.s32 $0x1E0, s25;
	s10 =	simm.s32 $0x2C00  }
0x3ab: {  	[hbm4b:s9+s17] =	stream.strided.scatter [tilespmem:s10], [sflag:$0x3], $0x400, s11, s17, $0x38;
	[tilespmem:$0x12000] =	vst v63  }
0x3ac: {  	s13 =	simm.s32 $0x3000;
	s12 =	sadd.s32 $0x2060, s25  }
0x3ad: {  	[hbm4b:s12+s17] =	stream.strided.scatter [tilespmem:s13], [sflag:$0x3], $0x400, s11, s17, $0x38;
	[tilespmem:$0x12000] =	vst v63  }
0x3ae: {  	s15 =	simm.s32 $0x3400;
	s14 =	sadd.s32 $0x20E0, s25  }
0x3af: {  	[hbm4b:s14+s17] =	stream.strided.scatter [tilespmem:s15], [sflag:$0x3], $0x400, s11, s17, $0x38;
	[tilespmem:$0x12000] =	vst v63  }
0x3b0: {  	s21 =	simm.s32 $0x3800;
	s18 =	sadd.s32 $0x2160, s25  }
0x3b1: {  	[hbm4b:s18+s17] =	stream.strided.scatter [tilespmem:s21], [sflag:$0x3], $0x400, s11, s17, $0x38;
	[tilespmem:$0x12000] =	vst v63  }
0x3b2: {  	s20 =	sadd.s32 $0x21E0, s25;
	s23 =	simm.s32 $0x3C00  }
0x3b3: {  	[hbm4b:s20+s17] =	stream.strided.scatter [tilespmem:s23], [sflag:$0x3], $0x400, s11, s17, $0x38;
	[tilespmem:$0x12000] =	vst v63  }
0x3b4: {  	s0 =	sadd.s32 $0x4060, s25;
	s7 =	simm.s32 $0x4000  }
0x3b5: {  	[hbm4b:s0+s17] =	stream.strided.scatter [tilespmem:s7], [sflag:$0x3], $0x400, s11, s17, $0x38;
	[tilespmem:$0x12000] =	vst v63  }
0x3b6: {  	s2 =	sadd.s32 $0x40E0, s25;
	s4 =	simm.s32 $0x4400  }
0x3b7: {  	[hbm4b:s2+s17] =	stream.strided.scatter [tilespmem:s4], [sflag:$0x3], $0x400, s11, s17, $0x38;
	[tilespmem:$0x12000] =	vst v63  }
0x3b8: {  	s6 =	sadd.s32 $0x4160, s25;
	s4 =	simm.s32 $0x4800  }
0x3b9: {  	[hbm4b:s6+s17] =	stream.strided.scatter [tilespmem:s4], [sflag:$0x3], $0x400, s11, s17, $0x38;
	[tilespmem:$0x12000] =	vst v63  }
0x3ba: {  	s8 =	sadd.s32 $0x41E0, s25;
	s9 =	simm.s32 $0x4C00  }
0x3bb: {  	[hbm4b:s8+s17] =	stream.strided.scatter [tilespmem:s9], [sflag:$0x3], $0x400, s11, s17, $0x38;
	[tilespmem:$0x12000] =	vst v63  }
0x3bc: {  	s10 =	sadd.s32 $0x6060, s25;
	s15 =	simm.s32 $0x5000  }
0x3bd: {  	[hbm4b:s10+s17] =	stream.strided.scatter [tilespmem:s15], [sflag:$0x3], $0x400, s11, s17, $0x38;
	[tilespmem:$0x12000] =	vst v63  }
0x3be: {  	s12 =	sadd.s32 $0x60E0, s25;
	s13 =	simm.s32 $0x5400  }
0x3bf: {  	[hbm4b:s12+s17] =	stream.strided.scatter [tilespmem:s13], [sflag:$0x3], $0x400, s11, s17, $0x38;
	[tilespmem:$0x12000] =	vst v63  }
0x3c0: {  	s14 =	sadd.s32 $0x6160, s25;
	s8 =	simm.s32 $0x5800  }
0x3c1: {  	[hbm4b:s14+s17] =	stream.strided.scatter [tilespmem:s8], [sflag:$0x3], $0x400, s11, s17, $0x38;
	[tilespmem:$0x12000] =	vst v63  }
0x3c2: {  	s18 =	sadd.s32 $0x61E0, s25;
	s20 =	simm.s32 $0x5C00  }
0x3c3: {  	[hbm4b:s18+s17] =	stream.strided.scatter [tilespmem:s20], [sflag:$0x3], $0x400, s11, s17, $0x38;
	[tilespmem:$0x12000] =	vst v63  }
0x3c4: {  	s23 =	sadd.s32 $0x8060, s25;
	s0 =	simm.s32 $0x6000  }
0x3c5: {  	[hbm4b:s23+s17] =	stream.strided.scatter [tilespmem:s0], [sflag:$0x3], $0x400, s11, s17, $0x38;
	[tilespmem:$0x12000] =	vst v63  }
0x3c6: {  	s2 =	sadd.s32 $0x80E0, s25  }
0x3c7: {  	[hbm4b:s2+s17] =	stream.strided.scatter [tilespmem:s19], [sflag:$0x3], $0x400, s11, s17, $0x38;
	[tilespmem:$0x12000] =	vst v63  }
0x3c8: {  	s28 =	simm.s32 $0x6800;
	s6 =	sadd.s32 $0x8160, s25  }
0x3c9: {  	[hbm4b:s6+s17] =	stream.strided.scatter [tilespmem:s28], [sflag:$0x3], $0x400, s11, s17, $0x38;
	[tilespmem:$0x12000] =	vst v63  }
0x3ca: {  	s9 =	sadd.s32 $0x81E0, s25;
	s10 =	simm.s32 $0x6C00  }
0x3cb: {  	[hbm4b:s9+s17] =	stream.strided.scatter [tilespmem:s10], [sflag:$0x3], $0x400, s11, s17, $0x38;
	[tilespmem:$0x12000] =	vst v63  }
0x3cc: {  	s12 =	sadd.s32 $0xA060, s25;
	s14 =	simm.s32 $0x7000  }
0x3cd: {  	[hbm4b:s12+s17] =	stream.strided.scatter [tilespmem:s14], [sflag:$0x3], $0x400, s11, s17, $0x38;
	[tilespmem:$0x12000] =	vst v63  }
0x3ce: {  	s13 =	sadd.s32 $0xA0E0, s25;
	s18 =	simm.s32 $0x7400  }
0x3cf: {  	[hbm4b:s13+s17] =	stream.strided.scatter [tilespmem:s18], [sflag:$0x3], $0x400, s11, s17, $0x38;
	[tilespmem:$0x12000] =	vst v63  }
0x3d0: {  	s19 =	sadd.s32 $0xA160, s25;
	s13 =	simm.s32 $0x7800  }
0x3d1: {  	[hbm4b:s19+s17] =	stream.strided.scatter [tilespmem:s13], [sflag:$0x3], $0x400, s11, s17, $0x38;
	[tilespmem:$0x12000] =	vst v63  }
0x3d2: {  	s20 =	sadd.s32 $0xA1E0, s25;
	s23 =	simm.s32 $0x7C00  }
0x3d3: {  	[hbm4b:s20+s17] =	stream.strided.scatter [tilespmem:s23], [sflag:$0x3], $0x400, s11, s17, $0x38;
	[tilespmem:$0x12000] =	vst v63  }
0x3d4: {  	s2 =	sadd.s32 $0xC060, s25;
	s23 =	simm.s32 $0x8000  }
0x3d5: {  	[hbm4b:s2+s17] =	stream.strided.scatter [tilespmem:s23], [sflag:$0x3], $0x400, s11, s17, $0x38;
	[tilespmem:$0x12000] =	vst v63  }
0x3d6: {  	s6 =	sadd.s32 $0xC0E0, s25;
	s9 =	simm.s32 $0x8400  }
0x3d7: {  	[hbm4b:s6+s17] =	stream.strided.scatter [tilespmem:s9], [sflag:$0x3], $0x400, s11, s17, $0x38;
	[tilespmem:$0x12000] =	vst v63  }
0x3d8: {  	s10 =	sadd.s32 $0xC160, s25;
	s20 =	simm.s32 $0x8800  }
0x3d9: {  	[hbm4b:s10+s17] =	stream.strided.scatter [tilespmem:s20], [sflag:$0x3], $0x400, s11, s17, $0x38;
	[tilespmem:$0x12000] =	vst v63  }
0x3da: {  	s12 =	sadd.s32 $0xC1E0, s25;
	s18 =	simm.s32 $0x8C00  }
0x3db: {  	[hbm4b:s12+s17] =	stream.strided.scatter [tilespmem:s18], [sflag:$0x3], $0x400, s11, s17, $0x38;
	[tilespmem:$0x12000] =	vst v63  }
0x3dc: {  	s19 =	sadd.s32 $0xE060, s25;
	s12 =	simm.s32 $0x9000  }
0x3dd: {  	[hbm4b:s19+s17] =	stream.strided.scatter [tilespmem:s12], [sflag:$0x3], $0x400, s11, s17, $0x38;
	[tilespmem:$0x12000] =	vst v63  }
0x3de: {  	s2 =	sadd.s32 $0xE0E0, s25;
	s6 =	simm.s32 $0x9400  }
0x3df: {  	[hbm4b:s2+s17] =	stream.strided.scatter [tilespmem:s6], [sflag:$0x3], $0x400, s11, s17, $0x38;
	[tilespmem:$0x12000] =	vst v63  }
0x3e0: {  	s9 =	sadd.s32 $0xE160, s25;
	s10 =	simm.s32 $0x9800  }
0x3e1: {  	[hbm4b:s9+s17] =	stream.strided.scatter [tilespmem:s10], [sflag:$0x3], $0x400, s11, s17, $0x38;
	[tilespmem:$0x12000] =	vst v63  }
0x3e2: {  	s18 =	sadd.s32 $0xE1E0, s25;
	s19 =	simm.s32 $0x9C00  }
0x3e3: {  	[hbm4b:s18+s17] =	stream.strided.scatter [tilespmem:s19], [sflag:$0x3], $0x400, s11, s17, $0x38;
	[tilespmem:$0x12000] =	vst v63  }
0x3e4: {  	_ =	swait.ge [sflag:s24], $0x8000  }
0x3e5: {  	[sflag:s24] =	ssyncset.done $0x0;
	s26 =	rddreg [dreg:$0xb]  }
0x3e6: {  	[sflag:s24] =	ssyncadd.s32 $0xFFFF8000;
	s24 =	rddreg [dreg:$0xa]  }
0x3e7: {  	s26 =	sadd.s32 s24, s26  }
0x3e8: {  	v3 =	vld [tilespmem:s26+$0x1000];
	_ =	sdelay $0x4  }
0x3e9: {  	v56 =	vshll.u32 v3, $0x2  }
0x3ea: {  	v3 =	vand.u32 $0x7, v3;
	v4 =	vand.u32 $0xFFFFFFE0, v56  }
0x3eb: {  	v3 =	vor.u32 v3, v4  }
0x3ec: {  	v4 =	vperm.xlane v3, v0;
	_ =	sdelay $0x1  }
0x3ed: {  	v4 =	vadd.s32 v1, v4;
	_ =	sdelay $0x1  }
0x3ee: {  	v3 =	vperm.xlane v3, v2;
	_ =	sdelay $0x1  }
0x3ef: {  	v3 =	vadd.s32 v1, v3  }
0x3f0: {  	[tilespmem:s11], [sflag:$0x1] =	stream.indirect_vreg.gather [hbm4b:s1+s3], $0x80, v4, vm0, $0xb8;
	[tilespmem:$0x12000] =	vst v63  }
0x3f1: {  	s2 =	simm.s32 $0x2800  }
0x3f2: {  	[tilespmem:s2], [sflag:$0x1] =	stream.indirect_vreg.gather [hbm4b:s5+s3], $0x80, v4, vm0, $0xb8;
	[tilespmem:$0x12000] =	vst v63  }
0x3f3: {  	s18 =	simm.s32 $0x3000  }
0x3f4: {  	[tilespmem:s18], [sflag:$0x1] =	stream.indirect_vreg.gather [hbm4b:s1+s3], $0x80, v3, vm0, $0xb8;
	[tilespmem:$0x12000] =	vst v63  }
0x3f5: {  	_ = 	snop  }
0x3f6: {  	[tilespmem:s21], [sflag:$0x1] =	stream.indirect_vreg.gather [hbm4b:s5+s3], $0x80, v3, vm0, $0xb8;
	[tilespmem:$0x12000] =	vst v63  }
0x3f7: {  	v3 =	vld [tilespmem:s26+$0x1010];
	_ =	sdelay $0x4  }
0x3f8: {  	v57 =	vshll.u32 v3, $0x2  }
0x3f9: {  	v3 =	vand.u32 $0x7, v3;
	v4 =	vand.u32 $0xFFFFFFE0, v57  }
0x3fa: {  	v3 =	vor.u32 v3, v4  }
0x3fb: {  	v4 =	vperm.xlane v3, v0;
	_ =	sdelay $0x1  }
0x3fc: {  	v4 =	vadd.s32 v1, v4;
	_ =	sdelay $0x1  }
0x3fd: {  	v3 =	vperm.xlane v3, v2;
	_ =	sdelay $0x1  }
0x3fe: {  	v3 =	vadd.s32 v1, v3  }
0x3ff: {  	[tilespmem:s7], [sflag:$0x1] =	stream.indirect_vreg.gather [hbm4b:s1+s3], $0x80, v4, vm0, $0xb8;
	[tilespmem:$0x12000] =	vst v63  }
0x400: {  	_ = 	snop  }
0x401: {  	[tilespmem:s4], [sflag:$0x1] =	stream.indirect_vreg.gather [hbm4b:s5+s3], $0x80, v4, vm0, $0xb8;
	[tilespmem:$0x12000] =	vst v63  }
0x402: {  	_ = 	snop  }
0x403: {  	[tilespmem:s15], [sflag:$0x1] =	stream.indirect_vreg.gather [hbm4b:s1+s3], $0x80, v3, vm0, $0xb8;
	[tilespmem:$0x12000] =	vst v63  }
0x404: {  	_ = 	snop  }
0x405: {  	[tilespmem:s8], [sflag:$0x1] =	stream.indirect_vreg.gather [hbm4b:s5+s3], $0x80, v3, vm0, $0xb8;
	[tilespmem:$0x12000] =	vst v63  }
0x406: {  	v3 =	vld [tilespmem:s26+$0x1020];
	_ =	sdelay $0x4  }
0x407: {  	v58 =	vshll.u32 v3, $0x2  }
0x408: {  	v3 =	vand.u32 $0x7, v3;
	v4 =	vand.u32 $0xFFFFFFE0, v58  }
0x409: {  	v3 =	vor.u32 v3, v4  }
0x40a: {  	v4 =	vperm.xlane v3, v0;
	_ =	sdelay $0x1  }
0x40b: {  	v4 =	vadd.s32 v1, v4;
	_ =	sdelay $0x1  }
0x40c: {  	v3 =	vperm.xlane v3, v2;
	_ =	sdelay $0x1  }
0x40d: {  	v3 =	vadd.s32 v1, v3  }
0x40e: {  	[tilespmem:s0], [sflag:$0x1] =	stream.indirect_vreg.gather [hbm4b:s1+s3], $0x80, v4, vm0, $0xb8;
	[tilespmem:$0x12000] =	vst v63  }
0x40f: {  	_ = 	snop  }
0x410: {  	[tilespmem:s28], [sflag:$0x1] =	stream.indirect_vreg.gather [hbm4b:s5+s3], $0x80, v4, vm0, $0xb8;
	[tilespmem:$0x12000] =	vst v63  }
0x411: {  	_ = 	snop  }
0x412: {  	[tilespmem:s14], [sflag:$0x1] =	stream.indirect_vreg.gather [hbm4b:s1+s3], $0x80, v3, vm0, $0xb8;
	[tilespmem:$0x12000] =	vst v63  }
0x413: {  	_ = 	snop  }
0x414: {  	[tilespmem:s13], [sflag:$0x1] =	stream.indirect_vreg.gather [hbm4b:s5+s3], $0x80, v3, vm0, $0xb8;
	[tilespmem:$0x12000] =	vst v63  }
0x415: {  	v3 =	vld [tilespmem:s26+$0x1030];
	_ =	sdelay $0x4  }
0x416: {  	v59 =	vshll.u32 v3, $0x2  }
0x417: {  	v3 =	vand.u32 $0x7, v3;
	v4 =	vand.u32 $0xFFFFFFE0, v59  }
0x418: {  	v3 =	vor.u32 v3, v4  }
0x419: {  	v4 =	vperm.xlane v3, v0;
	_ =	sdelay $0x1  }
0x41a: {  	v4 =	vadd.s32 v1, v4;
	_ =	sdelay $0x1  }
0x41b: {  	v3 =	vperm.xlane v3, v2;
	_ =	sdelay $0x1  }
0x41c: {  	v3 =	vadd.s32 v1, v3  }
0x41d: {  	[tilespmem:s23], [sflag:$0x1] =	stream.indirect_vreg.gather [hbm4b:s1+s3], $0x80, v4, vm0, $0xb8;
	[tilespmem:$0x12000] =	vst v63  }
0x41e: {  	_ = 	snop  }
0x41f: {  	[tilespmem:s20], [sflag:$0x1] =	stream.indirect_vreg.gather [hbm4b:s5+s3], $0x80, v4, vm0, $0xb8;
	[tilespmem:$0x12000] =	vst v63  }
0x420: {  	_ = 	snop  }
0x421: {  	[tilespmem:s12], [sflag:$0x1] =	stream.indirect_vreg.gather [hbm4b:s1+s3], $0x80, v3, vm0, $0xb8;
	[tilespmem:$0x12000] =	vst v63  }
0x422: {  	s9 =	simm.s32 $0x2  }
0x423: {  	[tilespmem:s10], [sflag:$0x1] =	stream.indirect_vreg.gather [hbm4b:s5+s3], $0x80, v3, vm0, $0xb8;
	[tilespmem:$0x12000] =	vst v63  }
0x424: {  	_ =	swait.ge [sflag:s9], $0x8000  }
0x425: {  	[sflag:s9] =	ssyncset.done $0x0  }
0x426: {  	s24 =	simm.s32 $0xA000;
	s28 =	sadd.s32 $0x70, s25;
	[sflag:s9] =	ssyncadd.s32 $0xFFFF8000  }
0x427: {  	[hbm4b:s28+s17] =	stream.strided.scatter [tilespmem:s24], [sflag:$0x4], $0x400, s11, s17, $0x38;
	[tilespmem:$0x12000] =	vst v63  }
0x428: {  	s31 =	simm.s32 $0xA400;
	s28 =	sadd.s32 $0xF0, s25  }
0x429: {  	[hbm4b:s28+s17] =	stream.strided.scatter [tilespmem:s31], [sflag:$0x4], $0x400, s11, s17, $0x38;
	[tilespmem:$0x12000] =	vst v63  }
0x42a: {  	s14 =	simm.s32 $0xA800;
	s28 =	sadd.s32 $0x170, s25  }
0x42b: {  	[hbm4b:s28+s17] =	stream.strided.scatter [tilespmem:s14], [sflag:$0x4], $0x400, s11, s17, $0x38;
	[tilespmem:$0x12000] =	vst v63  }
0x42c: {  	s10 =	simm.s32 $0xAC00;
	s28 =	sadd.s32 $0x1F0, s25  }
0x42d: {  	[hbm4b:s28+s17] =	stream.strided.scatter [tilespmem:s10], [sflag:$0x4], $0x400, s11, s17, $0x38;
	[tilespmem:$0x12000] =	vst v63  }
0x42e: {  	s28 =	sadd.s32 $0x2070, s25;
	s10 =	simm.s32 $0xB000  }
0x42f: {  	[hbm4b:s28+s17] =	stream.strided.scatter [tilespmem:s10], [sflag:$0x4], $0x400, s11, s17, $0x38;
	[tilespmem:$0x12000] =	vst v63  }
0x430: {  	s12 =	simm.s32 $0xB400;
	s28 =	sadd.s32 $0x20F0, s25  }
0x431: {  	[hbm4b:s28+s17] =	stream.strided.scatter [tilespmem:s12], [sflag:$0x4], $0x400, s11, s17, $0x38;
	[tilespmem:$0x12000] =	vst v63  }
0x432: {  	s2 =	simm.s32 $0xB800;
	s28 =	sadd.s32 $0x2170, s25  }
0x433: {  	[hbm4b:s28+s17] =	stream.strided.scatter [tilespmem:s2], [sflag:$0x4], $0x400, s11, s17, $0x38;
	[tilespmem:$0x12000] =	vst v63  }
0x434: {  	s13 =	simm.s32 $0xBC00;
	s28 =	sadd.s32 $0x21F0, s25  }
0x435: {  	[hbm4b:s28+s17] =	stream.strided.scatter [tilespmem:s13], [sflag:$0x4], $0x400, s11, s17, $0x38;
	[tilespmem:$0x12000] =	vst v63  }
0x436: {  	s28 =	sadd.s32 $0x4070, s25;
	s13 =	simm.s32 $0xC000  }
0x437: {  	[hbm4b:s28+s17] =	stream.strided.scatter [tilespmem:s13], [sflag:$0x4], $0x400, s11, s17, $0x38;
	[tilespmem:$0x12000] =	vst v63  }
0x438: {  	s15 =	simm.s32 $0xC400;
	s28 =	sadd.s32 $0x40F0, s25  }
0x439: {  	[hbm4b:s28+s17] =	stream.strided.scatter [tilespmem:s15], [sflag:$0x4], $0x400, s11, s17, $0x38;
	[tilespmem:$0x12000] =	vst v63  }
0x43a: {  	s12 =	simm.s32 $0xC800;
	s28 =	sadd.s32 $0x4170, s25  }
0x43b: {  	[hbm4b:s28+s17] =	stream.strided.scatter [tilespmem:s12], [sflag:$0x4], $0x400, s11, s17, $0x38;
	[tilespmem:$0x12000] =	vst v63  }
0x43c: {  	s19 =	simm.s32 $0xCC00;
	s28 =	sadd.s32 $0x41F0, s25  }
0x43d: {  	[hbm4b:s28+s17] =	stream.strided.scatter [tilespmem:s19], [sflag:$0x4], $0x400, s11, s17, $0x38;
	[tilespmem:$0x12000] =	vst v63  }
0x43e: {  	s29 =	simm.s32 $0xD000;
	s28 =	sadd.s32 $0x6070, s25  }
0x43f: {  	[hbm4b:s28+s17] =	stream.strided.scatter [tilespmem:s29], [sflag:$0x4], $0x400, s11, s17, $0x38;
	[tilespmem:$0x12000] =	vst v63  }
0x440: {  	s23 =	simm.s32 $0xD400;
	s28 =	sadd.s32 $0x60F0, s25  }
0x441: {  	[hbm4b:s28+s17] =	stream.strided.scatter [tilespmem:s23], [sflag:$0x4], $0x400, s11, s17, $0x38;
	[tilespmem:$0x12000] =	vst v63  }
0x442: {  	s8 =	simm.s32 $0xD800;
	s28 =	sadd.s32 $0x6170, s25  }
0x443: {  	[hbm4b:s28+s17] =	stream.strided.scatter [tilespmem:s8], [sflag:$0x4], $0x400, s11, s17, $0x38;
	[tilespmem:$0x12000] =	vst v63  }
0x444: {  	s31 =	simm.s32 $0xDC00;
	s28 =	sadd.s32 $0x61F0, s25  }
0x445: {  	[hbm4b:s28+s17] =	stream.strided.scatter [tilespmem:s31], [sflag:$0x4], $0x400, s11, s17, $0x38;
	[tilespmem:$0x12000] =	vst v63  }
0x446: {  	s28 =	sadd.s32 $0x8070, s25;
	s31 =	simm.s32 $0xE000  }
0x447: {  	[hbm4b:s28+s17] =	stream.strided.scatter [tilespmem:s31], [sflag:$0x4], $0x400, s11, s17, $0x38;
	[tilespmem:$0x12000] =	vst v63  }
0x448: {  	s0 =	simm.s32 $0xE400;
	s28 =	sadd.s32 $0x80F0, s25  }
0x449: {  	[hbm4b:s28+s17] =	stream.strided.scatter [tilespmem:s0], [sflag:$0x4], $0x400, s11, s17, $0x38;
	[tilespmem:$0x12000] =	vst v63  }
0x44a: {  	s30 =	simm.s32 $0xE800;
	s28 =	sadd.s32 $0x8170, s25  }
0x44b: {  	[hbm4b:s28+s17] =	stream.strided.scatter [tilespmem:s30], [sflag:$0x4], $0x400, s11, s17, $0x38;
	[tilespmem:$0x12000] =	vst v63  }
0x44c: {  	s23 =	simm.s32 $0xEC00;
	s28 =	sadd.s32 $0x81F0, s25  }
0x44d: {  	[hbm4b:s28+s17] =	stream.strided.scatter [tilespmem:s23], [sflag:$0x4], $0x400, s11, s17, $0x38;
	[tilespmem:$0x12000] =	vst v63  }
0x44e: {  	s7 =	simm.s32 $0xF000;
	s28 =	sadd.s32 $0xA070, s25  }
0x44f: {  	[hbm4b:s28+s17] =	stream.strided.scatter [tilespmem:s7], [sflag:$0x4], $0x400, s11, s17, $0x38;
	[tilespmem:$0x12000] =	vst v63  }
0x450: {  	s4 =	simm.s32 $0xF400;
	s28 =	sadd.s32 $0xA0F0, s25  }
0x451: {  	[hbm4b:s28+s17] =	stream.strided.scatter [tilespmem:s4], [sflag:$0x4], $0x400, s11, s17, $0x38;
	[tilespmem:$0x12000] =	vst v63  }
0x452: {  	s28 =	sadd.s32 $0xA170, s25;
	s4 =	simm.s32 $0xF800  }
0x453: {  	[hbm4b:s28+s17] =	stream.strided.scatter [tilespmem:s4], [sflag:$0x4], $0x400, s11, s17, $0x38;
	[tilespmem:$0x12000] =	vst v63  }
0x454: {  	s9 =	simm.s32 $0xFC00;
	s28 =	sadd.s32 $0xA1F0, s25  }
0x455: {  	[hbm4b:s28+s17] =	stream.strided.scatter [tilespmem:s9], [sflag:$0x4], $0x400, s11, s17, $0x38;
	[tilespmem:$0x12000] =	vst v63  }
0x456: {  	s19 =	simm.s32 $0x10000;
	s28 =	sadd.s32 $0xC070, s25  }
0x457: {  	[hbm4b:s28+s17] =	stream.strided.scatter [tilespmem:s19], [sflag:$0x4], $0x400, s11, s17, $0x38;
	[tilespmem:$0x12000] =	vst v63  }
0x458: {  	s15 =	simm.s32 $0x10400;
	s28 =	sadd.s32 $0xC0F0, s25  }
0x459: {  	[hbm4b:s28+s17] =	stream.strided.scatter [tilespmem:s15], [sflag:$0x4], $0x400, s11, s17, $0x38;
	[tilespmem:$0x12000] =	vst v63  }
0x45a: {  	s28 =	sadd.s32 $0xC170, s25;
	s15 =	simm.s32 $0x10800  }
0x45b: {  	[hbm4b:s28+s17] =	stream.strided.scatter [tilespmem:s15], [sflag:$0x4], $0x400, s11, s17, $0x38;
	[tilespmem:$0x12000] =	vst v63  }
0x45c: {  	s0 =	simm.s32 $0x10C00;
	s28 =	sadd.s32 $0xC1F0, s25  }
0x45d: {  	[hbm4b:s28+s17] =	stream.strided.scatter [tilespmem:s0], [sflag:$0x4], $0x400, s11, s17, $0x38;
	[tilespmem:$0x12000] =	vst v63  }
0x45e: {  	s28 =	sadd.s32 $0xE070, s25;
	s0 =	simm.s32 $0x11000  }
0x45f: {  	[hbm4b:s28+s17] =	stream.strided.scatter [tilespmem:s0], [sflag:$0x4], $0x400, s11, s17, $0x38;
	[tilespmem:$0x12000] =	vst v63  }
0x460: {  	s9 =	simm.s32 $0x11400;
	s28 =	sadd.s32 $0xE0F0, s25  }
0x461: {  	[hbm4b:s28+s17] =	stream.strided.scatter [tilespmem:s9], [sflag:$0x4], $0x400, s11, s17, $0x38;
	[tilespmem:$0x12000] =	vst v63  }
0x462: {  	s6 =	simm.s32 $0x11800;
	s28 =	sadd.s32 $0xE170, s25  }
0x463: {  	[hbm4b:s28+s17] =	stream.strided.scatter [tilespmem:s6], [sflag:$0x4], $0x400, s11, s17, $0x38;
	[tilespmem:$0x12000] =	vst v63  }
0x464: {  	s22 =	simm.s32 $0x4;
	s28 =	sadd.s32 $0xE1F0, s25;
	s6 =	simm.s32 $0x11C00  }
0x465: {  	[hbm4b:s28+s17] =	stream.strided.scatter [tilespmem:s6], [sflag:$0x4], $0x400, s11, s17, $0x38;
	[tilespmem:$0x12000] =	vst v63  }
0x466: {  	_ =	swait.ge [sflag:s22], $0x8000  }
0x467: {  	[sflag:s22] =	ssyncset.done $0x0  }
0x468: {  	[sflag:s22] =	ssyncadd.s32 $0xFFFF8000  }
0x469: {  	v3 =	vld [tilespmem:s26+$0x1080];
	_ =	sdelay $0x4  }
0x46a: {  	v60 =	vshll.u32 v3, $0x2  }
0x46b: {  	v3 =	vand.u32 $0x7, v3;
	v4 =	vand.u32 $0xFFFFFFE0, v60  }
0x46c: {  	v3 =	vor.u32 v3, v4  }
0x46d: {  	v4 =	vperm.xlane v3, v0;
	_ =	sdelay $0x1  }
0x46e: {  	v4 =	vadd.s32 v1, v4;
	_ =	sdelay $0x1  }
0x46f: {  	v3 =	vperm.xlane v3, v2;
	_ =	sdelay $0x1  }
0x470: {  	v3 =	vadd.s32 v1, v3  }
0x471: {  	[tilespmem:s24], [sflag:$0x2] =	stream.indirect_vreg.gather [hbm4b:s1+s3], $0x80, v4, vm0, $0xb8;
	[tilespmem:$0x12000] =	vst v63  }
0x472: {  	_ = 	snop  }
0x473: {  	[tilespmem:s14], [sflag:$0x2] =	stream.indirect_vreg.gather [hbm4b:s5+s3], $0x80, v4, vm0, $0xb8;
	[tilespmem:$0x12000] =	vst v63  }
0x474: {  	_ = 	snop  }
0x475: {  	[tilespmem:s10], [sflag:$0x2] =	stream.indirect_vreg.gather [hbm4b:s1+s3], $0x80, v3, vm0, $0xb8;
	[tilespmem:$0x12000] =	vst v63  }
0x476: {  	_ = 	snop  }
0x477: {  	[tilespmem:s2], [sflag:$0x2] =	stream.indirect_vreg.gather [hbm4b:s5+s3], $0x80, v3, vm0, $0xb8;
	[tilespmem:$0x12000] =	vst v63  }
0x478: {  	v3 =	vld [tilespmem:s26+$0x1090];
	_ =	sdelay $0x4  }
0x479: {  	v61 =	vshll.u32 v3, $0x2  }
0x47a: {  	v3 =	vand.u32 $0x7, v3;
	v4 =	vand.u32 $0xFFFFFFE0, v61  }
0x47b: {  	v3 =	vor.u32 v3, v4  }
0x47c: {  	v4 =	vperm.xlane v3, v0;
	_ =	sdelay $0x1  }
0x47d: {  	v4 =	vadd.s32 v1, v4;
	_ =	sdelay $0x1  }
0x47e: {  	v3 =	vperm.xlane v3, v2;
	_ =	sdelay $0x1  }
0x47f: {  	v3 =	vadd.s32 v1, v3  }
0x480: {  	[tilespmem:s13], [sflag:$0x2] =	stream.indirect_vreg.gather [hbm4b:s1+s3], $0x80, v4, vm0, $0xb8;
	[tilespmem:$0x12000] =	vst v63  }
0x481: {  	_ = 	snop  }
0x482: {  	[tilespmem:s12], [sflag:$0x2] =	stream.indirect_vreg.gather [hbm4b:s5+s3], $0x80, v4, vm0, $0xb8;
	[tilespmem:$0x12000] =	vst v63  }
0x483: {  	_ = 	snop  }
0x484: {  	[tilespmem:s29], [sflag:$0x2] =	stream.indirect_vreg.gather [hbm4b:s1+s3], $0x80, v3, vm0, $0xb8;
	[tilespmem:$0x12000] =	vst v63  }
0x485: {  	_ = 	snop  }
0x486: {  	[tilespmem:s8], [sflag:$0x2] =	stream.indirect_vreg.gather [hbm4b:s5+s3], $0x80, v3, vm0, $0xb8;
	[tilespmem:$0x12000] =	vst v63  }
0x487: {  	v3 =	vld [tilespmem:s26+$0x10A0];
	_ =	sdelay $0x4  }
0x488: {  	v62 =	vshll.u32 v3, $0x2  }
0x489: {  	v3 =	vand.u32 $0x7, v3;
	v4 =	vand.u32 $0xFFFFFFE0, v62  }
0x48a: {  	v3 =	vor.u32 v3, v4  }
0x48b: {  	v4 =	vperm.xlane v3, v0;
	_ =	sdelay $0x1  }
0x48c: {  	v4 =	vadd.s32 v1, v4;
	_ =	sdelay $0x1  }
0x48d: {  	v3 =	vperm.xlane v3, v2;
	_ =	sdelay $0x1  }
0x48e: {  	v3 =	vadd.s32 v1, v3  }
0x48f: {  	[tilespmem:s31], [sflag:$0x2] =	stream.indirect_vreg.gather [hbm4b:s1+s3], $0x80, v4, vm0, $0xb8;
	[tilespmem:$0x12000] =	vst v63  }
0x490: {  	_ = 	snop  }
0x491: {  	[tilespmem:s30], [sflag:$0x2] =	stream.indirect_vreg.gather [hbm4b:s5+s3], $0x80, v4, vm0, $0xb8;
	[tilespmem:$0x12000] =	vst v63  }
0x492: {  	_ = 	snop  }
0x493: {  	[tilespmem:s7], [sflag:$0x2] =	stream.indirect_vreg.gather [hbm4b:s1+s3], $0x80, v3, vm0, $0xb8;
	[tilespmem:$0x12000] =	vst v63  }
0x494: {  	_ = 	snop  }
0x495: {  	[tilespmem:s4], [sflag:$0x2] =	stream.indirect_vreg.gather [hbm4b:s5+s3], $0x80, v3, vm0, $0xb8;
	[tilespmem:$0x12000] =	vst v63  }
0x496: {  	v3 =	vld [tilespmem:s26+$0x10B0];
	_ =	sdelay $0x4  }
0x497: {  	v63 =	vshll.u32 v3, $0x2  }
0x498: {  	v3 =	vand.u32 $0x7, v3;
	v4 =	vand.u32 $0xFFFFFFE0, v63  }
0x499: {  	v3 =	vor.u32 v3, v4  }
0x49a: {  	v4 =	vperm.xlane v3, v0;
	_ =	sdelay $0x1  }
0x49b: {  	v4 =	vadd.s32 v1, v4;
	_ =	sdelay $0x1  }
0x49c: {  	v3 =	vperm.xlane v3, v2;
	_ =	sdelay $0x1  }
0x49d: {  	v3 =	vadd.s32 v1, v3  }
0x49e: {  	[tilespmem:s19], [sflag:$0x2] =	stream.indirect_vreg.gather [hbm4b:s1+s3], $0x80, v4, vm0, $0xb8;
	[tilespmem:$0x12000] =	vst v63  }
0x49f: {  	_ = 	snop  }
0x4a0: {  	[tilespmem:s15], [sflag:$0x2] =	stream.indirect_vreg.gather [hbm4b:s5+s3], $0x80, v4, vm0, $0xb8;
	[tilespmem:$0x12000] =	vst v63  }
0x4a1: {  	_ = 	snop  }
0x4a2: {  	[tilespmem:s0], [sflag:$0x2] =	stream.indirect_vreg.gather [hbm4b:s1+s3], $0x80, v3, vm0, $0xb8;
	[tilespmem:$0x12000] =	vst v63  }
0x4a3: {  	s16 =	simm.s32 $0x1;
	s8 =	simm.s32 $0x11800  }
0x4a4: {  	[tilespmem:s8], [sflag:$0x2] =	stream.indirect_vreg.gather [hbm4b:s5+s3], $0x80, v3, vm0, $0xb8;
	[tilespmem:$0x12000] =	vst v63  }
0x4a5: {  	s9 =	rddreg [dreg:$0x8];
	_ =	swait.ge [sflag:s16], $0x8000  }
0x4a6: {  	[sflag:s16] =	ssyncset.done $0x0  }
0x4a7: {  	s10 =	sadd.s32 $0x200, s25;
	[sflag:s16] =	ssyncadd.s32 $0xFFFF8000  }
0x4a8: {  	[hbm4b:s10+s17] =	stream.strided.scatter [tilespmem:s11], [sflag:$0x3], $0x400, s11, s17, $0x38;
	[tilespmem:$0x12000] =	vst v63  }
0x4a9: {  	s15 =	sadd.s32 $0x280, s25;
	s16 =	simm.s32 $0x2400  }
0x4aa: {  	[hbm4b:s15+s17] =	stream.strided.scatter [tilespmem:s16], [sflag:$0x3], $0x400, s11, s17, $0x38;
	[tilespmem:$0x12000] =	vst v63  }
0x4ab: {  	s28 =	simm.s32 $0x2800;
	s2 =	sadd.s32 $0x300, s25  }
0x4ac: {  	[hbm4b:s2+s17] =	stream.strided.scatter [tilespmem:s28], [sflag:$0x3], $0x400, s11, s17, $0x38;
	[tilespmem:$0x12000] =	vst v63  }
0x4ad: {  	s7 =	simm.s32 $0x2C00;
	s4 =	sadd.s32 $0x380, s25  }
0x4ae: {  	[hbm4b:s4+s17] =	stream.strided.scatter [tilespmem:s7], [sflag:$0x3], $0x400, s11, s17, $0x38;
	[tilespmem:$0x12000] =	vst v63  }
0x4af: {  	s8 =	sadd.s32 $0x2200, s25  }
0x4b0: {  	[hbm4b:s8+s17] =	stream.strided.scatter [tilespmem:s18], [sflag:$0x3], $0x400, s11, s17, $0x38;
	[tilespmem:$0x12000] =	vst v63  }
0x4b1: {  	s10 =	sadd.s32 $0x2280, s25;
	s15 =	simm.s32 $0x3400  }
0x4b2: {  	[hbm4b:s10+s17] =	stream.strided.scatter [tilespmem:s15], [sflag:$0x3], $0x400, s11, s17, $0x38;
	[tilespmem:$0x12000] =	vst v63  }
0x4b3: {  	s16 =	sadd.s32 $0x2300, s25  }
0x4b4: {  	[hbm4b:s16+s17] =	stream.strided.scatter [tilespmem:s21], [sflag:$0x3], $0x400, s11, s17, $0x38;
	[tilespmem:$0x12000] =	vst v63  }
0x4b5: {  	s18 =	sadd.s32 $0x2380, s25;
	s21 =	simm.s32 $0x3C00  }
0x4b6: {  	[hbm4b:s18+s17] =	stream.strided.scatter [tilespmem:s21], [sflag:$0x3], $0x400, s11, s17, $0x38;
	[tilespmem:$0x12000] =	vst v63  }
0x4b7: {  	s2 =	sadd.s32 $0x4200, s25;
	s4 =	simm.s32 $0x4000  }
0x4b8: {  	[hbm4b:s2+s17] =	stream.strided.scatter [tilespmem:s4], [sflag:$0x3], $0x400, s11, s17, $0x38;
	[tilespmem:$0x12000] =	vst v63  }
0x4b9: {  	s7 =	sadd.s32 $0x4280, s25;
	s8 =	simm.s32 $0x4400  }
0x4ba: {  	[hbm4b:s7+s17] =	stream.strided.scatter [tilespmem:s8], [sflag:$0x3], $0x400, s11, s17, $0x38;
	[tilespmem:$0x12000] =	vst v63  }
0x4bb: {  	s10 =	sadd.s32 $0x4300, s25;
	s16 =	simm.s32 $0x4800  }
0x4bc: {  	[hbm4b:s10+s17] =	stream.strided.scatter [tilespmem:s16], [sflag:$0x3], $0x400, s11, s17, $0x38;
	[tilespmem:$0x12000] =	vst v63  }
0x4bd: {  	s18 =	sadd.s32 $0x4380, s25;
	s21 =	simm.s32 $0x4C00  }
0x4be: {  	[hbm4b:s18+s17] =	stream.strided.scatter [tilespmem:s21], [sflag:$0x3], $0x400, s11, s17, $0x38;
	[tilespmem:$0x12000] =	vst v63  }
0x4bf: {  	s2 =	sadd.s32 $0x6200, s25;
	s4 =	simm.s32 $0x5000  }
0x4c0: {  	[hbm4b:s2+s17] =	stream.strided.scatter [tilespmem:s4], [sflag:$0x3], $0x400, s11, s17, $0x38;
	[tilespmem:$0x12000] =	vst v63  }
0x4c1: {  	s7 =	sadd.s32 $0x6280, s25;
	s8 =	simm.s32 $0x5400  }
0x4c2: {  	[hbm4b:s7+s17] =	stream.strided.scatter [tilespmem:s8], [sflag:$0x3], $0x400, s11, s17, $0x38;
	[tilespmem:$0x12000] =	vst v63  }
0x4c3: {  	s10 =	sadd.s32 $0x6300, s25;
	s16 =	simm.s32 $0x5800  }
0x4c4: {  	[hbm4b:s10+s17] =	stream.strided.scatter [tilespmem:s16], [sflag:$0x3], $0x400, s11, s17, $0x38;
	[tilespmem:$0x12000] =	vst v63  }
0x4c5: {  	s21 =	sadd.s32 $0x6380, s25;
	s2 =	simm.s32 $0x5C00  }
0x4c6: {  	[hbm4b:s21+s17] =	stream.strided.scatter [tilespmem:s2], [sflag:$0x3], $0x400, s11, s17, $0x38;
	[tilespmem:$0x12000] =	vst v63  }
0x4c7: {  	s4 =	sadd.s32 $0x8200, s25;
	s10 =	simm.s32 $0x6000  }
0x4c8: {  	[hbm4b:s4+s17] =	stream.strided.scatter [tilespmem:s10], [sflag:$0x3], $0x400, s11, s17, $0x38;
	[tilespmem:$0x12000] =	vst v63  }
0x4c9: {  	s16 =	sadd.s32 $0x8280, s25;
	s21 =	simm.s32 $0x6400  }
0x4ca: {  	[hbm4b:s16+s17] =	stream.strided.scatter [tilespmem:s21], [sflag:$0x3], $0x400, s11, s17, $0x38;
	[tilespmem:$0x12000] =	vst v63  }
0x4cb: {  	s2 =	sadd.s32 $0x8300, s25;
	s10 =	simm.s32 $0x6800  }
0x4cc: {  	[hbm4b:s2+s17] =	stream.strided.scatter [tilespmem:s10], [sflag:$0x3], $0x400, s11, s17, $0x38;
	[tilespmem:$0x12000] =	vst v63  }
0x4cd: {  	s16 =	sadd.s32 $0x8380, s25;
	s21 =	simm.s32 $0x6C00  }
0x4ce: {  	[hbm4b:s16+s17] =	stream.strided.scatter [tilespmem:s21], [sflag:$0x3], $0x400, s11, s17, $0x38;
	[tilespmem:$0x12000] =	vst v63  }
0x4cf: {  	s2 =	sadd.s32 $0xA200, s25;
	s10 =	simm.s32 $0x7000  }
0x4d0: {  	[hbm4b:s2+s17] =	stream.strided.scatter [tilespmem:s10], [sflag:$0x3], $0x400, s11, s17, $0x38;
	[tilespmem:$0x12000] =	vst v63  }
0x4d1: {  	s16 =	sadd.s32 $0xA280, s25;
	s21 =	simm.s32 $0x7400  }
0x4d2: {  	[hbm4b:s16+s17] =	stream.strided.scatter [tilespmem:s21], [sflag:$0x3], $0x400, s11, s17, $0x38;
	[tilespmem:$0x12000] =	vst v63  }
0x4d3: {  	s2 =	sadd.s32 $0xA300, s25;
	s10 =	simm.s32 $0x7800  }
0x4d4: {  	[hbm4b:s2+s17] =	stream.strided.scatter [tilespmem:s10], [sflag:$0x3], $0x400, s11, s17, $0x38;
	[tilespmem:$0x12000] =	vst v63  }
0x4d5: {  	s16 =	sadd.s32 $0xA380, s25;
	s21 =	simm.s32 $0x7C00  }
0x4d6: {  	[hbm4b:s16+s17] =	stream.strided.scatter [tilespmem:s21], [sflag:$0x3], $0x400, s11, s17, $0x38;
	[tilespmem:$0x12000] =	vst v63  }
0x4d7: {  	s10 =	sadd.s32 $0xC200, s25;
	s16 =	simm.s32 $0x8000  }
0x4d8: {  	[hbm4b:s10+s17] =	stream.strided.scatter [tilespmem:s16], [sflag:$0x3], $0x400, s11, s17, $0x38;
	[tilespmem:$0x12000] =	vst v63  }
0x4d9: {  	s2 =	simm.s32 $0x8400;
	s21 =	sadd.s32 $0xC280, s25  }
0x4da: {  	[hbm4b:s21+s17] =	stream.strided.scatter [tilespmem:s2], [sflag:$0x3], $0x400, s11, s17, $0x38;
	[tilespmem:$0x12000] =	vst v63  }
0x4db: {  	s10 =	sadd.s32 $0xC300, s25;
	s16 =	simm.s32 $0x8800  }
0x4dc: {  	[hbm4b:s10+s17] =	stream.strided.scatter [tilespmem:s16], [sflag:$0x3], $0x400, s11, s17, $0x38;
	[tilespmem:$0x12000] =	vst v63  }
0x4dd: {  	s21 =	sadd.s32 $0xC380, s25;
	s2 =	simm.s32 $0x8C00  }
0x4de: {  	[hbm4b:s21+s17] =	stream.strided.scatter [tilespmem:s2], [sflag:$0x3], $0x400, s11, s17, $0x38;
	[tilespmem:$0x12000] =	vst v63  }
0x4df: {  	s10 =	sadd.s32 $0xE200, s25;
	s16 =	simm.s32 $0x9000  }
0x4e0: {  	[hbm4b:s10+s17] =	stream.strided.scatter [tilespmem:s16], [sflag:$0x3], $0x400, s11, s17, $0x38;
	[tilespmem:$0x12000] =	vst v63  }
0x4e1: {  	s21 =	sadd.s32 $0xE280, s25;
	s2 =	simm.s32 $0x9400  }
0x4e2: {  	[hbm4b:s21+s17] =	stream.strided.scatter [tilespmem:s2], [sflag:$0x3], $0x400, s11, s17, $0x38;
	[tilespmem:$0x12000] =	vst v63  }
0x4e3: {  	s16 =	sadd.s32 $0xE300, s25;
	s21 =	simm.s32 $0x9800  }
0x4e4: {  	[hbm4b:s16+s17] =	stream.strided.scatter [tilespmem:s21], [sflag:$0x3], $0x400, s11, s17, $0x38;
	[tilespmem:$0x12000] =	vst v63  }
0x4e5: {  	s20 =	simm.s32 $0x2;
	s10 =	sadd.s32 $0xE380, s25;
	s16 =	simm.s32 $0x9C00  }
0x4e6: {  	[hbm4b:s10+s17] =	stream.strided.scatter [tilespmem:s16], [sflag:$0x3], $0x400, s11, s17, $0x38;
	[tilespmem:$0x12000] =	vst v63  }
0x4e7: {  	_ =	swait.ge [sflag:s20], $0x8000  }
0x4e8: {  	[sflag:s20] =	ssyncset.done $0x0  }
0x4e9: {  	s6 =	simm.s32 $0xA000;
	s21 =	sadd.s32 $0x210, s25;
	[sflag:s20] =	ssyncadd.s32 $0xFFFF8000  }
0x4ea: {  	[hbm4b:s21+s17] =	stream.strided.scatter [tilespmem:s6], [sflag:$0x4], $0x400, s11, s17, $0x38;
	[tilespmem:$0x12000] =	vst v63  }
0x4eb: {  	s2 =	sadd.s32 $0x290, s25;
	s6 =	simm.s32 $0xA400  }
0x4ec: {  	[hbm4b:s2+s17] =	stream.strided.scatter [tilespmem:s6], [sflag:$0x4], $0x400, s11, s17, $0x38;
	[tilespmem:$0x12000] =	vst v63  }
0x4ed: {  	s14 =	simm.s32 $0xA800;
	s10 =	sadd.s32 $0x310, s25  }
0x4ee: {  	[hbm4b:s10+s17] =	stream.strided.scatter [tilespmem:s14], [sflag:$0x4], $0x400, s11, s17, $0x38;
	[tilespmem:$0x12000] =	vst v63  }
0x4ef: {  	s16 =	simm.s32 $0xAC00;
	s14 =	sadd.s32 $0x390, s25  }
0x4f0: {  	[hbm4b:s14+s17] =	stream.strided.scatter [tilespmem:s16], [sflag:$0x4], $0x400, s11, s17, $0x38;
	[tilespmem:$0x12000] =	vst v63  }
0x4f1: {  	s22 =	simm.s32 $0xB000;
	s20 =	sadd.s32 $0x2210, s25  }
0x4f2: {  	[hbm4b:s20+s17] =	stream.strided.scatter [tilespmem:s22], [sflag:$0x4], $0x400, s11, s17, $0x38;
	[tilespmem:$0x12000] =	vst v63  }
0x4f3: {  	s21 =	sadd.s32 $0x2290, s25;
	s22 =	simm.s32 $0xB400  }
0x4f4: {  	[hbm4b:s21+s17] =	stream.strided.scatter [tilespmem:s22], [sflag:$0x4], $0x400, s11, s17, $0x38;
	[tilespmem:$0x12000] =	vst v63  }
0x4f5: {  	s6 =	sadd.s32 $0x2310, s25;
	s14 =	simm.s32 $0xB800  }
0x4f6: {  	[hbm4b:s6+s17] =	stream.strided.scatter [tilespmem:s14], [sflag:$0x4], $0x400, s11, s17, $0x38;
	[tilespmem:$0x12000] =	vst v63  }
0x4f7: {  	s16 =	sadd.s32 $0x2390, s25;
	s20 =	simm.s32 $0xBC00  }
0x4f8: {  	[hbm4b:s16+s17] =	stream.strided.scatter [tilespmem:s20], [sflag:$0x4], $0x400, s11, s17, $0x38;
	[tilespmem:$0x12000] =	vst v63  }
0x4f9: {  	s24 =	simm.s32 $0xC000;
	s21 =	sadd.s32 $0x4210, s25  }
0x4fa: {  	[hbm4b:s21+s17] =	stream.strided.scatter [tilespmem:s24], [sflag:$0x4], $0x400, s11, s17, $0x38;
	[tilespmem:$0x12000] =	vst v63  }
0x4fb: {  	s22 =	sadd.s32 $0x4290, s25;
	s24 =	simm.s32 $0xC400  }
0x4fc: {  	[hbm4b:s22+s17] =	stream.strided.scatter [tilespmem:s24], [sflag:$0x4], $0x400, s11, s17, $0x38;
	[tilespmem:$0x12000] =	vst v63  }
0x4fd: {  	s12 =	simm.s32 $0xC800;
	s6 =	sadd.s32 $0x4310, s25  }
0x4fe: {  	[hbm4b:s6+s17] =	stream.strided.scatter [tilespmem:s12], [sflag:$0x4], $0x400, s11, s17, $0x38;
	[tilespmem:$0x12000] =	vst v63  }
0x4ff: {  	s14 =	sadd.s32 $0x4390, s25;
	s16 =	simm.s32 $0xCC00  }
0x500: {  	[hbm4b:s14+s17] =	stream.strided.scatter [tilespmem:s16], [sflag:$0x4], $0x400, s11, s17, $0x38;
	[tilespmem:$0x12000] =	vst v63  }
0x501: {  	s20 =	sadd.s32 $0x6210, s25;
	s21 =	simm.s32 $0xD000  }
0x502: {  	[hbm4b:s20+s17] =	stream.strided.scatter [tilespmem:s21], [sflag:$0x4], $0x400, s11, s17, $0x38;
	[tilespmem:$0x12000] =	vst v63  }
0x503: {  	s22 =	sadd.s32 $0x6290, s25;
	s24 =	simm.s32 $0xD400  }
0x504: {  	[hbm4b:s22+s17] =	stream.strided.scatter [tilespmem:s24], [sflag:$0x4], $0x400, s11, s17, $0x38;
	[tilespmem:$0x12000] =	vst v63  }
0x505: {  	s6 =	sadd.s32 $0x6310, s25;
	s12 =	simm.s32 $0xD800  }
0x506: {  	[hbm4b:s6+s17] =	stream.strided.scatter [tilespmem:s12], [sflag:$0x4], $0x400, s11, s17, $0x38;
	[tilespmem:$0x12000] =	vst v63  }
0x507: {  	s14 =	sadd.s32 $0x6390, s25;
	s16 =	simm.s32 $0xDC00  }
0x508: {  	[hbm4b:s14+s17] =	stream.strided.scatter [tilespmem:s16], [sflag:$0x4], $0x400, s11, s17, $0x38;
	[tilespmem:$0x12000] =	vst v63  }
0x509: {  	s31 =	simm.s32 $0xE000;
	s20 =	sadd.s32 $0x8210, s25  }
0x50a: {  	[hbm4b:s20+s17] =	stream.strided.scatter [tilespmem:s31], [sflag:$0x4], $0x400, s11, s17, $0x38;
	[tilespmem:$0x12000] =	vst v63  }
0x50b: {  	s21 =	sadd.s32 $0x8290, s25;
	s22 =	simm.s32 $0xE400  }
0x50c: {  	[hbm4b:s21+s17] =	stream.strided.scatter [tilespmem:s22], [sflag:$0x4], $0x400, s11, s17, $0x38;
	[tilespmem:$0x12000] =	vst v63  }
0x50d: {  	p0 =	por !p0, !p0;
	s24 =	sadd.s32 $0x8310, s25;
	s31 =	simm.s32 $0xE800  }
0x50e: {  	[hbm4b:s24+s17] =	stream.strided.scatter [tilespmem:s31], [sflag:$0x4], $0x400, s11, s17, $0x38;
	[tilespmem:$0x12000] =	vst v63  }
0x50f: {  	s9 =	sadd.s32 $0x40, s9;
	s13 =	simm.s32 $0x11000;
	s2 =	sadd.s32 $0x8390, s25  }
0x510: {  	[hbm4b:s2+s17] =	stream.strided.scatter [tilespmem:s23], [sflag:$0x4], $0x400, s11, s17, $0x38;
	[tilespmem:$0x12000] =	vst v63  }
0x511: {  	s29 =	simm.s32 $0x3000;
	s6 =	sadd.s32 $0xA210, s25;
	s12 =	simm.s32 $0xF000  }
0x512: {  	[hbm4b:s6+s17] =	stream.strided.scatter [tilespmem:s12], [sflag:$0x4], $0x400, s11, s17, $0x38;
	[tilespmem:$0x12000] =	vst v63  }
0x513: {  	s30 =	simm.s32 $0x3800;
	s14 =	sadd.s32 $0xA290, s25;
	s16 =	simm.s32 $0xF400  }
0x514: {  	[hbm4b:s14+s17] =	stream.strided.scatter [tilespmem:s16], [sflag:$0x4], $0x400, s11, s17, $0x38;
	[tilespmem:$0x12000] =	vst v63  }
0x515: {  	s19 =	simm.s32 $0x10800;
	s20 =	sadd.s32 $0xA310, s25;
	s21 =	simm.s32 $0xF800  }
0x516: {  	[hbm4b:s20+s17] =	stream.strided.scatter [tilespmem:s21], [sflag:$0x4], $0x400, s11, s17, $0x38;
	[tilespmem:$0x12000] =	vst v63  }
0x517: {  	s0 =	simm.s32 $0x4800;
	s22 =	sadd.s32 $0xA390, s25;
	s23 =	simm.s32 $0xFC00  }
0x518: {  	[hbm4b:s22+s17] =	stream.strided.scatter [tilespmem:s23], [sflag:$0x4], $0x400, s11, s17, $0x38;
	[tilespmem:$0x12000] =	vst v63  }
0x519: {  	s15 =	simm.s32 $0x4000;
	s24 =	sadd.s32 $0xC210, s25;
	s31 =	simm.s32 $0x10000  }
0x51a: {  	[hbm4b:s24+s17] =	stream.strided.scatter [tilespmem:s31], [sflag:$0x4], $0x400, s11, s17, $0x38;
	[tilespmem:$0x12000] =	vst v63  }
0x51b: {  	s18 =	simm.s32 $0x5000;
	s2 =	sadd.s32 $0xC290, s25;
	s6 =	simm.s32 $0x10400  }
0x51c: {  	[hbm4b:s2+s17] =	stream.strided.scatter [tilespmem:s6], [sflag:$0x4], $0x400, s11, s17, $0x38;
	[tilespmem:$0x12000] =	vst v63  }
0x51d: {  	s7 =	simm.s32 $0x5800;
	s8 =	simm.s32 $0x6000;
	s12 =	sadd.s32 $0xC310, s25  }
0x51e: {  	[hbm4b:s12+s17] =	stream.strided.scatter [tilespmem:s19], [sflag:$0x4], $0x400, s11, s17, $0x38;
	[tilespmem:$0x12000] =	vst v63  }
0x51f: {  	s10 =	rddreg [dreg:$0x9];
	s14 =	sadd.s32 $0xC390, s25;
	s16 =	simm.s32 $0x10C00  }
0x520: {  	[hbm4b:s14+s17] =	stream.strided.scatter [tilespmem:s16], [sflag:$0x4], $0x400, s11, s17, $0x38;
	[tilespmem:$0x12000] =	vst v63  }
0x521: {  	s4 =	simm.s32 $0x6800;
	s10 =	sadd.s32 $0x10000, s10;
	s19 =	sadd.s32 $0xE210, s25  }
0x522: {  	[hbm4b:s19+s17] =	stream.strided.scatter [tilespmem:s13], [sflag:$0x4], $0x400, s11, s17, $0x38;
	[tilespmem:$0x12000] =	vst v63  }
0x523: {  	p1 =	sne.s32 s10, $0x80000;
	s20 =	sadd.s32 $0xE290, s25;
	s21 =	simm.s32 $0x11400  }
0x524: {  	[hbm4b:s20+s17] =	stream.strided.scatter [tilespmem:s21], [sflag:$0x4], $0x400, s11, s17, $0x38;
	[tilespmem:$0x12000] =	vst v63  }
.Ltmp0:
0x525: {  	s26 =	rddreg [dreg:$0x7];
	s22 =	sadd.s32 $0xE310, s25;
	(pc) =	sbr.rel @p1 .LBB2_2-.Ltmp0, $4  }
0x526: {  	s23 =	simm.s32 $0x11800;
	s24 =	simm.s32 $0x11C00;
	s31 =	rddreg [dreg:$0xd]  }
0x527: {  	[hbm4b:s22+s17] =	stream.strided.scatter [tilespmem:s23], [sflag:$0x4], $0x400, s11, s17, $0x38;
	[tilespmem:$0x12000] =	vst v63  }
0x528: {  	s6 =	sadd.s32 $0x200, s26;
	s25 =	sadd.s32 $0xE390, s25;
	s21 =	sadd.s32 $0x200, s31  }
0x529: {  	[hbm4b:s25+s17] =	stream.strided.scatter [tilespmem:s24], [sflag:$0x4], $0x400, s11, s17, $0x38;
	[tilespmem:$0x12000] =	vst v63  }
0x52a: {  	s6 =	simm.s32 $0x3  }
0x52b: {  	_ =	swait.ge [sflag:s6], $0x8000  }
0x52c: {  	[sflag:s6] =	ssyncset.done $0x0  }
0x52d: {  	s9 =	simm.s32 $0x4;
	[sflag:s6] =	ssyncadd.s32 $0xFFFF8000  }
0x52e: {  	_ =	swait.ge [sflag:s9], $0x8000  }
0x52f: {  	s31 =	rddreg [dreg:$0x6]  }
0x530: {  	s21 =	rddreg [dreg:$0x5];
	s6 =	sadd.s32 $0x1, s31  }
0x531: {  	p0 =	sne.s32 s6, s21  }
.Ltmp1:
0x532: {  	_ = 	snop;
	(pc) =	sbr.rel @p0 .LBB2_1-.Ltmp1, $3  }
0x533: {  	_ =	sdelay $0x1  }
0x534: {  	[sflag:s9] =	ssyncset.done $0x0  }
0x535: {  	[sflag:s9] =	ssyncadd.s32 $0xFFFF8000  }
0x536: {  	_ =	sfence.sel $0x180000  }
0x537: {  	[bflag:$0x0] =	sbarrier.arrive $0xFFFF  }
0x538: {  	_ =	strace $0x90000047  }
0x539: {  	s0 =	stileid.u32;
	[bflag:$0x2] =	sbarrier.arrive $0xFFFF  }
0x53a: {  	p0 =	sne.s32 s0, $0x0;
	s0 =	rddreg [dreg:$0x2]  }
0x53b: {  	s0 =	sadd.s32 @!p0 $0x100000, s0  }
0x53c: {  	[sflag:s0] =	ssyncadd.tile.s32 @!p0 $0x1;
	_ =	shalt  }
.Lfunc_end2:
_tile_overlayer_lowered:
.L_overlay_start_2:
0x53d: {  	(tag) =	ssettag $0x2  }
0x53e: {  	s0 =	rddreg [dreg:$0x0];
	s2 =	stileid.u32  }
0x53f: {  	s1 =	rddreg [dreg:$0x1];
	p0 =	sne.s32 s2, $0x0  }
0x540: {  	s3 =	rddreg [dreg:$0x2];
	[bflag:$0x3] =	sbarrier.arrive $0xFFFF;
	s2 =	simm.s32 @!p0 $0x1C05  }
0x541: {  	[timem:s3], [sflag:s2] =	dma.local @!p0 [hbm:s0], s1  }
0x542: {  	s0 =	simm.s32 @!p0 $0x5  }
0x543: {  	_ =	swait.ge @!p0 [sflag:s0], s1  }
0x544: {  	s1 =	ssub.s32 @!p0 $0x0, s1;
	[sflag:s0] =	ssyncset.done @!p0 $0x0  }
0x545: {  	[sflag:s0] =	ssyncadd.s32 @!p0 s1  }
0x546: {  	[bflag:$0x3] =	sbarrier.arrive $0xFFFF  }
0x547: {  	_ =	shalt  }

</sc_bundles>
